<compile_context>
chip_gen: v7x
topology: tpu7x:2x2x1
jax: 0.10.2.dev20260603
libtpu: 0.0.44.dev20260713+nightly
codegen_flags: <defaults>
</compile_context>

<pallas_src>
import dataclasses
import functools

import jax
import jax.numpy as jnp
from jax import lax
from jax.experimental import pallas as pl
from jax.experimental.pallas import tpu as pltpu
from jax.experimental.pallas import tpu_sc as plsc

K = 128
B = 16384
NC = 2
NS = 16
NW = NC * NS
ROWS_W = B // NW
CH = 32
NCH = ROWS_W // CH
GRP = 16
NGRP = CH // GRP
NBUF = 3

_mesh = plsc.VectorSubcoreMesh(core_axis_name="c", subcore_axis_name="s")

_cp = pltpu.CompilerParams()
if "needs_layout_passes" in pltpu.CompilerParams.__dataclass_fields__:
    _cp = dataclasses.replace(_cp, needs_layout_passes=False)


@functools.partial(
    pl.kernel,
    out_type=jax.ShapeDtypeStruct((B,), jnp.float32),
    mesh=_mesh,
    compiler_params=_cp,
    scratch_types=[
        pltpu.VMEM((ROWS_W,), jnp.int32),
        pltpu.VMEM((ROWS_W,), jnp.int32),
        pltpu.VMEM((NBUF, CH, K), jnp.float32),
        pltpu.VMEM((NBUF, CH, K), jnp.float32),
        pltpu.VMEM((NBUF, CH, K), jnp.float32),
        pltpu.VMEM((NBUF, CH), jnp.float32),
        pltpu.VMEM((NBUF, CH), jnp.float32),
        pltpu.VMEM((GRP * GRP,), jnp.float32),
        pltpu.SemaphoreType.DMA((NBUF,)),
        pltpu.SemaphoreType.DMA((NBUF,)),
        pltpu.SemaphoreType.DMA,
    ],
)
def _irf_kernel(u_hbm, i_hbm, kp_hbm, th_hbm, a_hbm, b_hbm, out_hbm,
                uix, iix, th_v, a_v, kp_v, b_v, o_v, tr_v, isem, osem, xsem):
    wid = lax.axis_index("c") * NS + lax.axis_index("s")
    base_w = wid * ROWS_W
    cp_u = pltpu.async_copy(u_hbm.at[pl.ds(base_w, ROWS_W)], uix, xsem)
    cp_i = pltpu.async_copy(i_hbm.at[pl.ds(base_w, ROWS_W)], iix, xsem)
    cp_u.wait()
    cp_i.wait()
    lanes = lax.iota(jnp.int32, 16)

    def issue(c, p):
        pltpu.async_copy(th_hbm.at[uix.at[pl.ds(c * CH, CH)]],
                         th_v.at[p], isem.at[p])
        pltpu.async_copy(a_hbm.at[iix.at[pl.ds(c * CH, CH)]],
                         a_v.at[p], isem.at[p])
        pltpu.async_copy(b_hbm.at[iix.at[pl.ds(c * CH, CH)]],
                         b_v.at[p], isem.at[p])
        pltpu.async_copy(kp_hbm.at[pl.ds(base_w + c * CH, CH)],
                         kp_v.at[p], isem.at[p])

    def wait_gathers(p):
        pltpu.make_async_copy(th_hbm.at[pl.ds(0, CH)], th_v.at[p],
                              isem.at[p]).wait()
        pltpu.make_async_copy(a_hbm.at[pl.ds(0, CH)], a_v.at[p],
                              isem.at[p]).wait()
        pltpu.make_async_copy(b_hbm.at[pl.ds(0, CH)], b_v.at[p],
                              isem.at[p]).wait()
        pltpu.make_async_copy(kp_hbm.at[pl.ds(0, CH)], kp_v.at[p],
                              isem.at[p]).wait()

    issue(0, 0)
    issue(1, 1)

    @pl.loop(0, NCH)
    def _(c):
        p = lax.rem(c, NBUF)

        @pl.when(c + 2 < NCH)
        def _():
            issue(c + 2, lax.rem(c + 2, NBUF))

        wait_gathers(p)

        @pl.when(c >= NBUF)
        def _():
            pltpu.make_async_copy(o_v.at[p], out_hbm.at[pl.ds(0, CH)],
                                  osem.at[p]).wait()

        @pl.loop(0, NGRP)
        def _(g):
            IL = 4
            for r in range(0, GRP, IL):
                rows = tuple(g * GRP + r + j for j in range(IL))
                acc = [jnp.zeros((GRP,), jnp.float32) for _ in range(IL)]
                for k in range(K // GRP):
                    for j in range(IL):
                        t = th_v[p, rows[j], pl.ds(k * GRP, GRP)]
                        av = a_v[p, rows[j], pl.ds(k * GRP, GRP)]
                        kv = kp_v[p, rows[j], pl.ds(k * GRP, GRP)]
                        acc[j] = acc[j] + t * av * kv
                for j in range(IL):
                    plsc.store_scatter(tr_v, [lanes * GRP + (r + j)], acc[j])
            terms = [tr_v[pl.ds(i * GRP, GRP)] for i in range(GRP)]
            while len(terms) > 1:
                terms = [terms[i] + terms[i + 1]
                         for i in range(0, len(terms), 2)]
            s = terms[0]
            bb = b_v[p, pl.ds(g * GRP, GRP)]
            o_v[p, pl.ds(g * GRP, GRP)] = 1.0 / (1.0 + jnp.exp(bb - s))

        pltpu.async_copy(o_v.at[p], out_hbm.at[pl.ds(base_w + c * CH, CH)],
                         osem.at[p])

    for p in range(NBUF):
        pltpu.make_async_copy(o_v.at[p], out_hbm.at[pl.ds(0, CH)],
                              osem.at[p]).wait()


@jax.jit
def kernel(user, item, input_knowledge_point, theta_w, a_w, b_w):
    return _irf_kernel(user.astype(jnp.int32), item.astype(jnp.int32),
                       input_knowledge_point, theta_w, a_w, b_w.reshape(-1))

# --- scband reference (transcript-rebuilt; emitter-appended) ---
"""Pipeline reference for scband-camilla-base-net-48335561949700 (READ-ONLY COPY).

The authoritative reference and input builder live on the scoring server;
editing this copy changes nothing except your own understanding.
"""

import jax, jax.numpy as jnp
import numpy as np

KNOWLEDGE_N = 128
USER_NUM = 1000000
ITEM_NUM = 100000
BATCH = 16384


def setup_inputs(seed: int = 0) -> dict:
    key = jax.random.key(seed)
    k1, k2, k3, k4, k5, k6 = jax.random.split(key, 6)
    user = jax.random.randint(k1, (BATCH,), 0, USER_NUM, dtype=jnp.int64 if jax.config.jax_enable_x64 else jnp.int32)
    item = jax.random.randint(k2, (BATCH,), 0, ITEM_NUM, dtype=jnp.int64 if jax.config.jax_enable_x64 else jnp.int32)
    input_knowledge_point = jax.random.uniform(k3, (BATCH, KNOWLEDGE_N), dtype=jnp.float32)
    # Learned parameters (embedding tables)
    theta_w = jax.random.normal(k4, (USER_NUM, KNOWLEDGE_N), dtype=jnp.float32)
    a_w = jax.random.uniform(k5, (ITEM_NUM, KNOWLEDGE_N), dtype=jnp.float32)  # nn.init.uniform_
    b_w = jax.random.normal(k6, (ITEM_NUM, 1), dtype=jnp.float32)
    return {
        "user": user,
        "item": item,
        "input_knowledge_point": input_knowledge_point,
        "theta_w": theta_w,
        "a_w": a_w,
        "b_w": b_w,
    }


def reference(user, item, input_knowledge_point, theta_w, a_w, b_w):
    # theta = squeeze(theta_emb(user), -1)  (no-op squeeze on [B, K])
    theta = jnp.take(theta_w, user, axis=0)
    # a = squeeze(a_emb(item), -1)  (no-op squeeze on [B, K])
    a = jnp.take(a_w, item, axis=0)
    # b = squeeze(b_emb(item), -1)  -> [B]
    b = jnp.squeeze(jnp.take(b_w, item, axis=0), axis=-1)
    # irf
    return 1.0 / (1.0 + jnp.exp(b - jnp.sum(a * theta * input_knowledge_point, axis=-1)))

if __name__ == "__main__":
    import jax
    _d = setup_inputs()
    print(jax.jit(kernel)(*tuple(_d.values())))

</pallas_src>

<mosaic_0001>
#map = affine_map<(d0, d1) -> (0)>
#map1 = affine_map<(d0, d1) -> (0, 0)>
module attributes {stable_mosaic.version = 14 : i64} {
  func.func @_irf_kernel(%arg0: i32, %arg1: i32, %arg2: memref<16384xi32, #tpu.memory_space<hbm>>, %arg3: memref<16384xi32, #tpu.memory_space<hbm>>, %arg4: memref<16384x128xf32, #tpu.memory_space<hbm>>, %arg5: memref<1000000x128xf32, #tpu.memory_space<hbm>>, %arg6: memref<100000x128xf32, #tpu.memory_space<hbm>>, %arg7: memref<100000xf32, #tpu.memory_space<hbm>>, %arg8: memref<16384xf32, #tpu.memory_space<hbm>>, %arg9: memref<512xi32, #tpu.memory_space<vmem>>, %arg10: memref<512xi32, #tpu.memory_space<vmem>>, %arg11: memref<3x32x128xf32, #tpu.memory_space<vmem>>, %arg12: memref<3x32x128xf32, #tpu.memory_space<vmem>>, %arg13: memref<3x32x128xf32, #tpu.memory_space<vmem>>, %arg14: memref<3x32xf32, #tpu.memory_space<vmem>>, %arg15: memref<3x32xf32, #tpu.memory_space<vmem>>, %arg16: memref<256xf32, #tpu.memory_space<vmem>>, %arg17: memref<3x!tpu.dma_semaphore, #tpu.memory_space<semaphore_mem>>, %arg18: memref<3x!tpu.dma_semaphore, #tpu.memory_space<semaphore_mem>>, %arg19: memref<!tpu.dma_semaphore, #tpu.memory_space<semaphore_mem>>) attributes {dimension_semantics = [#tpu.dimension_semantics<core_parallel>, #tpu.dimension_semantics<subcore_parallel>], iteration_bounds = array<i64: 2, 16>, scalar_prefetch = 0 : i64, scratch_operands = 11 : i64, tpu.core_type = #tpu.core_type<sc_vector_subcore>, window_params = [{transform_indices = #map}, {transform_indices = #map}, {transform_indices = #map1}, {transform_indices = #map1}, {transform_indices = #map1}, {transform_indices = #map}, {transform_indices = #map}]} {
    %mul3A = arith.constant 16 : i32
    %mul3A_0 = arith.muli %arg0, %mul3A : i32
    %add3A = arith.addi %mul3A_0, %arg1 : i32
    %mul3A_1 = arith.constant 512 : i32
    %mul3A_2 = arith.muli %add3A, %mul3A_1 : i32
    %dma_start3A = tpu.memref_slice %arg2[%mul3A_2] : memref<16384xi32, #tpu.memory_space<hbm>> -> memref<512xi32, #tpu.memory_space<hbm>>
    %dma_start3A_3 = tpu.memref_slice %arg2[%mul3A_2] : memref<16384xi32, #tpu.memory_space<hbm>> -> memref<512xi32, #tpu.memory_space<hbm>>
    tpu.enqueue_dma source(%dma_start3A_3 : memref<512xi32, #tpu.memory_space<hbm>>) target(%arg9 : memref<512xi32, #tpu.memory_space<vmem>>) target_semaphore(%arg19 : memref<!tpu.dma_semaphore, #tpu.memory_space<semaphore_mem>>)
    %dma_start3A_4 = tpu.memref_slice %arg3[%mul3A_2] : memref<16384xi32, #tpu.memory_space<hbm>> -> memref<512xi32, #tpu.memory_space<hbm>>
    %dma_start3A_5 = tpu.memref_slice %arg3[%mul3A_2] : memref<16384xi32, #tpu.memory_space<hbm>> -> memref<512xi32, #tpu.memory_space<hbm>>
    tpu.enqueue_dma source(%dma_start3A_5 : memref<512xi32, #tpu.memory_space<hbm>>) target(%arg10 : memref<512xi32, #tpu.memory_space<vmem>>) target_semaphore(%arg19 : memref<!tpu.dma_semaphore, #tpu.memory_space<semaphore_mem>>)
    %dma_wait3A = tpu.memref_slice %arg2[%mul3A_2] : memref<16384xi32, #tpu.memory_space<hbm>> -> memref<512xi32, #tpu.memory_space<hbm>>
    %dma_wait3A_6 = tpu.memref_slice %arg2[%mul3A_2] : memref<16384xi32, #tpu.memory_space<hbm>> -> memref<512xi32, #tpu.memory_space<hbm>>
    tpu.wait_dma2 semaphore(%arg19 : memref<!tpu.dma_semaphore, #tpu.memory_space<semaphore_mem>>) src(%dma_wait3A_6 : memref<512xi32, #tpu.memory_space<hbm>>) dst(%arg9 : memref<512xi32, #tpu.memory_space<vmem>>)
    %dma_wait3A_7 = tpu.memref_slice %arg3[%mul3A_2] : memref<16384xi32, #tpu.memory_space<hbm>> -> memref<512xi32, #tpu.memory_space<hbm>>
    %dma_wait3A_8 = tpu.memref_slice %arg3[%mul3A_2] : memref<16384xi32, #tpu.memory_space<hbm>> -> memref<512xi32, #tpu.memory_space<hbm>>
    tpu.wait_dma2 semaphore(%arg19 : memref<!tpu.dma_semaphore, #tpu.memory_space<semaphore_mem>>) src(%dma_wait3A_8 : memref<512xi32, #tpu.memory_space<hbm>>) dst(%arg10 : memref<512xi32, #tpu.memory_space<vmem>>)
    %iota3A = tpu.iota {dimensions = array<i32: 0>} : vector<16xi32>
    %dma_start3A_9 = arith.constant 0 : i32
    %dma_start3A_10 = arith.constant 0 : i32
    %dma_start3A_11 = arith.constant 0 : i32
    %dma_start3A_12 = arith.constant 0 : i32
    %dma_start3A_13 = tpu.memref_slice %arg11[%dma_start3A_9, %dma_start3A_11, %dma_start3A_12] : memref<3x32x128xf32, #tpu.memory_space<vmem>> -> memref<1x32x128xf32, #tpu.memory_space<vmem>>
    %dma_start3A_14 = tpu.memref_squeeze %dma_start3A_13 : memref<1x32x128xf32, #tpu.memory_space<vmem>> -> memref<32x128xf32, #tpu.memory_space<vmem>>
    %dma_start3A_15 = arith.constant 0 : i32
    %dma_start3A_16 = tpu.memref_slice %arg9[%dma_start3A_15] : memref<512xi32, #tpu.memory_space<vmem>> -> memref<32xi32, #tpu.memory_space<vmem>>
    %dma_start3A_17 = arith.constant 0 : i32
    %dma_start3A_18 = arith.constant 0 : i32
    %dma_start3A_19 = tpu.memref_slice %arg5[%dma_start3A_17, %dma_start3A_18] : memref<1000000x128xf32, #tpu.memory_space<hbm>> -> memref<1000000x128xf32, #tpu.memory_space<hbm>>
    %dma_start3A_20 = tpu.memref_slice %arg17[%dma_start3A_10] : memref<3x!tpu.dma_semaphore, #tpu.memory_space<semaphore_mem>> -> memref<1x!tpu.dma_semaphore, #tpu.memory_space<semaphore_mem>>
    %dma_start3A_21 = tpu.memref_squeeze %dma_start3A_20 : memref<1x!tpu.dma_semaphore, #tpu.memory_space<semaphore_mem>> -> memref<!tpu.dma_semaphore, #tpu.memory_space<semaphore_mem>>
    tpu.enqueue_indirect_dma source(%dma_start3A_19 : memref<1000000x128xf32, #tpu.memory_space<hbm>>) target(%dma_start3A_14 : memref<32x128xf32, #tpu.memory_space<vmem>>) offsets(%dma_start3A_16 : memref<32xi32, #tpu.memory_space<vmem>>) semaphore(%dma_start3A_21 : memref<!tpu.dma_semaphore, #tpu.memory_space<semaphore_mem>>)
    %dma_start3A_22 = arith.constant 0 : i32
    %dma_start3A_23 = arith.constant 0 : i32
    %dma_start3A_24 = arith.constant 0 : i32
    %dma_start3A_25 = arith.constant 0 : i32
    %dma_start3A_26 = tpu.memref_slice %arg12[%dma_start3A_22, %dma_start3A_24, %dma_start3A_25] : memref<3x32x128xf32, #tpu.memory_space<vmem>> -> memref<1x32x128xf32, #tpu.memory_space<vmem>>
    %dma_start3A_27 = tpu.memref_squeeze %dma_start3A_26 : memref<1x32x128xf32, #tpu.memory_space<vmem>> -> memref<32x128xf32, #tpu.memory_space<vmem>>
    %dma_start3A_28 = arith.constant 0 : i32
    %dma_start3A_29 = tpu.memref_slice %arg10[%dma_start3A_28] : memref<512xi32, #tpu.memory_space<vmem>> -> memref<32xi32, #tpu.memory_space<vmem>>
    %dma_start3A_30 = arith.constant 0 : i32
    %dma_start3A_31 = arith.constant 0 : i32
    %dma_start3A_32 = tpu.memref_slice %arg6[%dma_start3A_30, %dma_start3A_31] : memref<100000x128xf32, #tpu.memory_space<hbm>> -> memref<100000x128xf32, #tpu.memory_space<hbm>>
    %dma_start3A_33 = tpu.memref_slice %arg17[%dma_start3A_23] : memref<3x!tpu.dma_semaphore, #tpu.memory_space<semaphore_mem>> -> memref<1x!tpu.dma_semaphore, #tpu.memory_space<semaphore_mem>>
    %dma_start3A_34 = tpu.memref_squeeze %dma_start3A_33 : memref<1x!tpu.dma_semaphore, #tpu.memory_space<semaphore_mem>> -> memref<!tpu.dma_semaphore, #tpu.memory_space<semaphore_mem>>
    tpu.enqueue_indirect_dma source(%dma_start3A_32 : memref<100000x128xf32, #tpu.memory_space<hbm>>) target(%dma_start3A_27 : memref<32x128xf32, #tpu.memory_space<vmem>>) offsets(%dma_start3A_29 : memref<32xi32, #tpu.memory_space<vmem>>) semaphore(%dma_start3A_34 : memref<!tpu.dma_semaphore, #tpu.memory_space<semaphore_mem>>)
    %dma_start3A_35 = arith.constant 0 : i32
    %dma_start3A_36 = arith.constant 0 : i32
    %dma_start3A_37 = arith.constant 0 : i32
    %dma_start3A_38 = tpu.memref_slice %arg14[%dma_start3A_35, %dma_start3A_37] : memref<3x32xf32, #tpu.memory_space<vmem>> -> memref<1x32xf32, #tpu.memory_space<vmem>>
    %dma_start3A_39 = tpu.memref_squeeze %dma_start3A_38 : memref<1x32xf32, #tpu.memory_space<vmem>> -> memref<32xf32, #tpu.memory_space<vmem>>
    %dma_start3A_40 = arith.constant 0 : i32
    %dma_start3A_41 = tpu.memref_slice %arg10[%dma_start3A_40] : memref<512xi32, #tpu.memory_space<vmem>> -> memref<32xi32, #tpu.memory_space<vmem>>
    %dma_start3A_42 = arith.constant 0 : i32
    %dma_start3A_43 = tpu.memref_slice %arg7[%dma_start3A_42] : memref<100000xf32, #tpu.memory_space<hbm>> -> memref<100000xf32, #tpu.memory_space<hbm>>
    %dma_start3A_44 = tpu.memref_slice %arg17[%dma_start3A_36] : memref<3x!tpu.dma_semaphore, #tpu.memory_space<semaphore_mem>> -> memref<1x!tpu.dma_semaphore, #tpu.memory_space<semaphore_mem>>
    %dma_start3A_45 = tpu.memref_squeeze %dma_start3A_44 : memref<1x!tpu.dma_semaphore, #tpu.memory_space<semaphore_mem>> -> memref<!tpu.dma_semaphore, #tpu.memory_space<semaphore_mem>>
    tpu.enqueue_indirect_dma source(%dma_start3A_43 : memref<100000xf32, #tpu.memory_space<hbm>>) target(%dma_start3A_39 : memref<32xf32, #tpu.memory_space<vmem>>) offsets(%dma_start3A_41 : memref<32xi32, #tpu.memory_space<vmem>>) semaphore(%dma_start3A_45 : memref<!tpu.dma_semaphore, #tpu.memory_space<semaphore_mem>>)
    %add3A_46 = arith.constant 0 : i32
    %add3A_47 = arith.addi %mul3A_2, %add3A_46 : i32
    %dma_start3A_48 = arith.constant 0 : i32
    %dma_start3A_49 = arith.constant 0 : i32
    %dma_start3A_50 = arith.constant 0 : i32
    %dma_start3A_51 = arith.constant 0 : i32
    %dma_start3A_52 = tpu.memref_slice %arg13[%dma_start3A_48, %dma_start3A_50, %dma_start3A_51] : memref<3x32x128xf32, #tpu.memory_space<vmem>> -> memref<1x32x128xf32, #tpu.memory_space<vmem>>
    %dma_start3A_53 = tpu.memref_squeeze %dma_start3A_52 : memref<1x32x128xf32, #tpu.memory_space<vmem>> -> memref<32x128xf32, #tpu.memory_space<vmem>>
    %dma_start3A_54 = arith.constant 0 : i32
    %dma_start3A_55 = tpu.memref_slice %arg4[%add3A_47, %dma_start3A_54] : memref<16384x128xf32, #tpu.memory_space<hbm>> -> memref<32x128xf32, #tpu.memory_space<hbm>>
    %dma_start3A_56 = tpu.memref_slice %arg17[%dma_start3A_49] : memref<3x!tpu.dma_semaphore, #tpu.memory_space<semaphore_mem>> -> memref<1x!tpu.dma_semaphore, #tpu.memory_space<semaphore_mem>>
    %dma_start3A_57 = tpu.memref_squeeze %dma_start3A_56 : memref<1x!tpu.dma_semaphore, #tpu.memory_space<semaphore_mem>> -> memref<!tpu.dma_semaphore, #tpu.memory_space<semaphore_mem>>
    %dma_start3A_58 = arith.constant 0 : i32
    %dma_start3A_59 = arith.constant 0 : i32
    %dma_start3A_60 = tpu.memref_slice %arg13[%dma_start3A_48, %dma_start3A_58, %dma_start3A_59] : memref<3x32x128xf32, #tpu.memory_space<vmem>> -> memref<1x32x128xf32, #tpu.memory_space<vmem>>
    %dma_start3A_61 = tpu.memref_squeeze %dma_start3A_60 : memref<1x32x128xf32, #tpu.memory_space<vmem>> -> memref<32x128xf32, #tpu.memory_space<vmem>>
    %dma_start3A_62 = arith.constant 0 : i32
    %dma_start3A_63 = tpu.memref_slice %arg4[%add3A_47, %dma_start3A_62] : memref<16384x128xf32, #tpu.memory_space<hbm>> -> memref<32x128xf32, #tpu.memory_space<hbm>>
    tpu.enqueue_dma source(%dma_start3A_63 : memref<32x128xf32, #tpu.memory_space<hbm>>) target(%dma_start3A_61 : memref<32x128xf32, #tpu.memory_space<vmem>>) target_semaphore(%dma_start3A_57 : memref<!tpu.dma_semaphore, #tpu.memory_space<semaphore_mem>>)
    %dma_start3A_64 = arith.constant 1 : i32
    %dma_start3A_65 = arith.constant 1 : i32
    %dma_start3A_66 = arith.constant 0 : i32
    %dma_start3A_67 = arith.constant 0 : i32
    %dma_start3A_68 = tpu.memref_slice %arg11[%dma_start3A_64, %dma_start3A_66, %dma_start3A_67] : memref<3x32x128xf32, #tpu.memory_space<vmem>> -> memref<1x32x128xf32, #tpu.memory_space<vmem>>
    %dma_start3A_69 = tpu.memref_squeeze %dma_start3A_68 : memref<1x32x128xf32, #tpu.memory_space<vmem>> -> memref<32x128xf32, #tpu.memory_space<vmem>>
    %dma_start3A_70 = arith.constant 32 : i32
    %dma_start3A_71 = tpu.memref_slice %arg9[%dma_start3A_70] : memref<512xi32, #tpu.memory_space<vmem>> -> memref<32xi32, #tpu.memory_space<vmem>>
    %dma_start3A_72 = arith.constant 0 : i32
    %dma_start3A_73 = arith.constant 0 : i32
    %dma_start3A_74 = tpu.memref_slice %arg5[%dma_start3A_72, %dma_start3A_73] : memref<1000000x128xf32, #tpu.memory_space<hbm>> -> memref<1000000x128xf32, #tpu.memory_space<hbm>>
    %dma_start3A_75 = tpu.memref_slice %arg17[%dma_start3A_65] : memref<3x!tpu.dma_semaphore, #tpu.memory_space<semaphore_mem>> -> memref<1x!tpu.dma_semaphore, #tpu.memory_space<semaphore_mem>>
    %dma_start3A_76 = tpu.memref_squeeze %dma_start3A_75 : memref<1x!tpu.dma_semaphore, #tpu.memory_space<semaphore_mem>> -> memref<!tpu.dma_semaphore, #tpu.memory_space<semaphore_mem>>
    tpu.enqueue_indirect_dma source(%dma_start3A_74 : memref<1000000x128xf32, #tpu.memory_space<hbm>>) target(%dma_start3A_69 : memref<32x128xf32, #tpu.memory_space<vmem>>) offsets(%dma_start3A_71 : memref<32xi32, #tpu.memory_space<vmem>>) semaphore(%dma_start3A_76 : memref<!tpu.dma_semaphore, #tpu.memory_space<semaphore_mem>>)
    %dma_start3A_77 = arith.constant 1 : i32
    %dma_start3A_78 = arith.constant 1 : i32
    %dma_start3A_79 = arith.constant 0 : i32
    %dma_start3A_80 = arith.constant 0 : i32
    %dma_start3A_81 = tpu.memref_slice %arg12[%dma_start3A_77, %dma_start3A_79, %dma_start3A_80] : memref<3x32x128xf32, #tpu.memory_space<vmem>> -> memref<1x32x128xf32, #tpu.memory_space<vmem>>
    %dma_start3A_82 = tpu.memref_squeeze %dma_start3A_81 : memref<1x32x128xf32, #tpu.memory_space<vmem>> -> memref<32x128xf32, #tpu.memory_space<vmem>>
    %dma_start3A_83 = arith.constant 32 : i32
    %dma_start3A_84 = tpu.memref_slice %arg10[%dma_start3A_83] : memref<512xi32, #tpu.memory_space<vmem>> -> memref<32xi32, #tpu.memory_space<vmem>>
    %dma_start3A_85 = arith.constant 0 : i32
    %dma_start3A_86 = arith.constant 0 : i32
    %dma_start3A_87 = tpu.memref_slice %arg6[%dma_start3A_85, %dma_start3A_86] : memref<100000x128xf32, #tpu.memory_space<hbm>> -> memref<100000x128xf32, #tpu.memory_space<hbm>>
    %dma_start3A_88 = tpu.memref_slice %arg17[%dma_start3A_78] : memref<3x!tpu.dma_semaphore, #tpu.memory_space<semaphore_mem>> -> memref<1x!tpu.dma_semaphore, #tpu.memory_space<semaphore_mem>>
    %dma_start3A_89 = tpu.memref_squeeze %dma_start3A_88 : memref<1x!tpu.dma_semaphore, #tpu.memory_space<semaphore_mem>> -> memref<!tpu.dma_semaphore, #tpu.memory_space<semaphore_mem>>
    tpu.enqueue_indirect_dma source(%dma_start3A_87 : memref<100000x128xf32, #tpu.memory_space<hbm>>) target(%dma_start3A_82 : memref<32x128xf32, #tpu.memory_space<vmem>>) offsets(%dma_start3A_84 : memref<32xi32, #tpu.memory_space<vmem>>) semaphore(%dma_start3A_89 : memref<!tpu.dma_semaphore, #tpu.memory_space<semaphore_mem>>)
    %dma_start3A_90 = arith.constant 1 : i32
    %dma_start3A_91 = arith.constant 1 : i32
    %dma_start3A_92 = arith.constant 0 : i32
    %dma_start3A_93 = tpu.memref_slice %arg14[%dma_start3A_90, %dma_start3A_92] : memref<3x32xf32, #tpu.memory_space<vmem>> -> memref<1x32xf32, #tpu.memory_space<vmem>>
    %dma_start3A_94 = tpu.memref_squeeze %dma_start3A_93 : memref<1x32xf32, #tpu.memory_space<vmem>> -> memref<32xf32, #tpu.memory_space<vmem>>
    %dma_start3A_95 = arith.constant 32 : i32
    %dma_start3A_96 = tpu.memref_slice %arg10[%dma_start3A_95] : memref<512xi32, #tpu.memory_space<vmem>> -> memref<32xi32, #tpu.memory_space<vmem>>
    %dma_start3A_97 = arith.constant 0 : i32
    %dma_start3A_98 = tpu.memref_slice %arg7[%dma_start3A_97] : memref<100000xf32, #tpu.memory_space<hbm>> -> memref<100000xf32, #tpu.memory_space<hbm>>
    %dma_start3A_99 = tpu.memref_slice %arg17[%dma_start3A_91] : memref<3x!tpu.dma_semaphore, #tpu.memory_space<semaphore_mem>> -> memref<1x!tpu.dma_semaphore, #tpu.memory_space<semaphore_mem>>
    %dma_start3A_100 = tpu.memref_squeeze %dma_start3A_99 : memref<1x!tpu.dma_semaphore, #tpu.memory_space<semaphore_mem>> -> memref<!tpu.dma_semaphore, #tpu.memory_space<semaphore_mem>>
    tpu.enqueue_indirect_dma source(%dma_start3A_98 : memref<100000xf32, #tpu.memory_space<hbm>>) target(%dma_start3A_94 : memref<32xf32, #tpu.memory_space<vmem>>) offsets(%dma_start3A_96 : memref<32xi32, #tpu.memory_space<vmem>>) semaphore(%dma_start3A_100 : memref<!tpu.dma_semaphore, #tpu.memory_space<semaphore_mem>>)
    %add3A_101 = arith.constant 32 : i32
    %add3A_102 = arith.addi %mul3A_2, %add3A_101 : i32
    %dma_start3A_103 = arith.constant 1 : i32
    %dma_start3A_104 = arith.constant 1 : i32
    %dma_start3A_105 = arith.constant 0 : i32
    %dma_start3A_106 = arith.constant 0 : i32
    %dma_start3A_107 = tpu.memref_slice %arg13[%dma_start3A_103, %dma_start3A_105, %dma_start3A_106] : memref<3x32x128xf32, #tpu.memory_space<vmem>> -> memref<1x32x128xf32, #tpu.memory_space<vmem>>
    %dma_start3A_108 = tpu.memref_squeeze %dma_start3A_107 : memref<1x32x128xf32, #tpu.memory_space<vmem>> -> memref<32x128xf32, #tpu.memory_space<vmem>>
    %dma_start3A_109 = arith.constant 0 : i32
    %dma_start3A_110 = tpu.memref_slice %arg4[%add3A_102, %dma_start3A_109] : memref<16384x128xf32, #tpu.memory_space<hbm>> -> memref<32x128xf32, #tpu.memory_space<hbm>>
    %dma_start3A_111 = tpu.memref_slice %arg17[%dma_start3A_104] : memref<3x!tpu.dma_semaphore, #tpu.memory_space<semaphore_mem>> -> memref<1x!tpu.dma_semaphore, #tpu.memory_space<semaphore_mem>>
    %dma_start3A_112 = tpu.memref_squeeze %dma_start3A_111 : memref<1x!tpu.dma_semaphore, #tpu.memory_space<semaphore_mem>> -> memref<!tpu.dma_semaphore, #tpu.memory_space<semaphore_mem>>
    %dma_start3A_113 = arith.constant 0 : i32
    %dma_start3A_114 = arith.constant 0 : i32
    %dma_start3A_115 = tpu.memref_slice %arg13[%dma_start3A_103, %dma_start3A_113, %dma_start3A_114] : memref<3x32x128xf32, #tpu.memory_space<vmem>> -> memref<1x32x128xf32, #tpu.memory_space<vmem>>
    %dma_start3A_116 = tpu.memref_squeeze %dma_start3A_115 : memref<1x32x128xf32, #tpu.memory_space<vmem>> -> memref<32x128xf32, #tpu.memory_space<vmem>>
    %dma_start3A_117 = arith.constant 0 : i32
    %dma_start3A_118 = tpu.memref_slice %arg4[%add3A_102, %dma_start3A_117] : memref<16384x128xf32, #tpu.memory_space<hbm>> -> memref<32x128xf32, #tpu.memory_space<hbm>>
    tpu.enqueue_dma source(%dma_start3A_118 : memref<32x128xf32, #tpu.memory_space<hbm>>) target(%dma_start3A_116 : memref<32x128xf32, #tpu.memory_space<vmem>>) target_semaphore(%dma_start3A_112 : memref<!tpu.dma_semaphore, #tpu.memory_space<semaphore_mem>>)
    %scan3A = arith.constant 0 : i32
    %scan3A_119 = arith.constant 16 : i32
    %scan3A_120 = arith.addi %scan3A, %scan3A_119 : i32
    %scan3A_121 = arith.constant 1 : i32
    scf.for %scan3A_165 = %scan3A to %scan3A_120 step %scan3A_121  : i32 {
      %mul3A_166 = arith.constant 1 : i32
      %mul3A_167 = arith.muli %scan3A_165, %mul3A_166 : i32
      %add3A_168 = arith.constant 0 : i32
      %add3A_169 = arith.addi %add3A_168, %mul3A_167 : i32
      %rem3A = arith.constant 3 : i32
      %rem3A_170 = arith.remsi %add3A_169, %rem3A : i32
      %add3A_171 = arith.constant 2 : i32
      %add3A_172 = arith.addi %add3A_169, %add3A_171 : i32
      %lt3A = arith.constant 16 : i32
      %lt3A_173 = arith.cmpi slt, %add3A_172, %lt3A : i32
      %convert_element_type3A = arith.extui %lt3A_173 : i1 to i32
      %cond3A = arith.constant 0 : i32
      %cond3A_174 = arith.cmpi ne, %convert_element_type3A, %cond3A : i32
      scf.if %cond3A_174 {
        %add3A_257 = arith.constant 2 : i32
        %add3A_258 = arith.addi %add3A_169, %add3A_257 : i32
        %add3A_259 = arith.constant 2 : i32
        %add3A_260 = arith.addi %add3A_169, %add3A_259 : i32
        %rem3A_261 = arith.constant 3 : i32
        %rem3A_262 = arith.remsi %add3A_260, %rem3A_261 : i32
        %mul3A_263 = arith.constant 32 : i32
        %mul3A_264 = arith.muli %add3A_258, %mul3A_263 : i32
        %dma_start3A_265 = arith.constant 0 : i32
        %dma_start3A_266 = arith.constant 0 : i32
        %dma_start3A_267 = tpu.memref_slice %arg11[%rem3A_262, %dma_start3A_265, %dma_start3A_266] : memref<3x32x128xf32, #tpu.memory_space<vmem>> -> memref<1x32x128xf32, #tpu.memory_space<vmem>>
        %dma_start3A_268 = tpu.memref_squeeze %dma_start3A_267 : memref<1x32x128xf32, #tpu.memory_space<vmem>> -> memref<32x128xf32, #tpu.memory_space<vmem>>
        %dma_start3A_269 = tpu.memref_slice %arg9[%mul3A_264] : memref<512xi32, #tpu.memory_space<vmem>> -> memref<32xi32, #tpu.memory_space<vmem>>
        %dma_start3A_270 = arith.constant 0 : i32
        %dma_start3A_271 = arith.constant 0 : i32
        %dma_start3A_272 = tpu.memref_slice %arg5[%dma_start3A_270, %dma_start3A_271] : memref<1000000x128xf32, #tpu.memory_space<hbm>> -> memref<1000000x128xf32, #tpu.memory_space<hbm>>
        %dma_start3A_273 = tpu.memref_slice %arg17[%rem3A_262] : memref<3x!tpu.dma_semaphore, #tpu.memory_space<semaphore_mem>> -> memref<1x!tpu.dma_semaphore, #tpu.memory_space<semaphore_mem>>
        %dma_start3A_274 = tpu.memref_squeeze %dma_start3A_273 : memref<1x!tpu.dma_semaphore, #tpu.memory_space<semaphore_mem>> -> memref<!tpu.dma_semaphore, #tpu.memory_space<semaphore_mem>>
        tpu.enqueue_indirect_dma source(%dma_start3A_272 : memref<1000000x128xf32, #tpu.memory_space<hbm>>) target(%dma_start3A_268 : memref<32x128xf32, #tpu.memory_space<vmem>>) offsets(%dma_start3A_269 : memref<32xi32, #tpu.memory_space<vmem>>) semaphore(%dma_start3A_274 : memref<!tpu.dma_semaphore, #tpu.memory_space<semaphore_mem>>)
        %mul3A_275 = arith.constant 32 : i32
        %mul3A_276 = arith.muli %add3A_258, %mul3A_275 : i32
        %dma_start3A_277 = arith.constant 0 : i32
        %dma_start3A_278 = arith.constant 0 : i32
        %dma_start3A_279 = tpu.memref_slice %arg12[%rem3A_262, %dma_start3A_277, %dma_start3A_278] : memref<3x32x128xf32, #tpu.memory_space<vmem>> -> memref<1x32x128xf32, #tpu.memory_space<vmem>>
        %dma_start3A_280 = tpu.memref_squeeze %dma_start3A_279 : memref<1x32x128xf32, #tpu.memory_space<vmem>> -> memref<32x128xf32, #tpu.memory_space<vmem>>
        %dma_start3A_281 = tpu.memref_slice %arg10[%mul3A_276] : memref<512xi32, #tpu.memory_space<vmem>> -> memref<32xi32, #tpu.memory_space<vmem>>
        %dma_start3A_282 = arith.constant 0 : i32
        %dma_start3A_283 = arith.constant 0 : i32
        %dma_start3A_284 = tpu.memref_slice %arg6[%dma_start3A_282, %dma_start3A_283] : memref<100000x128xf32, #tpu.memory_space<hbm>> -> memref<100000x128xf32, #tpu.memory_space<hbm>>
        %dma_start3A_285 = tpu.memref_slice %arg17[%rem3A_262] : memref<3x!tpu.dma_semaphore, #tpu.memory_space<semaphore_mem>> -> memref<1x!tpu.dma_semaphore, #tpu.memory_space<semaphore_mem>>
        %dma_start3A_286 = tpu.memref_squeeze %dma_start3A_285 : memref<1x!tpu.dma_semaphore, #tpu.memory_space<semaphore_mem>> -> memref<!tpu.dma_semaphore, #tpu.memory_space<semaphore_mem>>
        tpu.enqueue_indirect_dma source(%dma_start3A_284 : memref<100000x128xf32, #tpu.memory_space<hbm>>) target(%dma_start3A_280 : memref<32x128xf32, #tpu.memory_space<vmem>>) offsets(%dma_start3A_281 : memref<32xi32, #tpu.memory_space<vmem>>) semaphore(%dma_start3A_286 : memref<!tpu.dma_semaphore, #tpu.memory_space<semaphore_mem>>)
        %mul3A_287 = arith.constant 32 : i32
        %mul3A_288 = arith.muli %add3A_258, %mul3A_287 : i32
        %dma_start3A_289 = arith.constant 0 : i32
        %dma_start3A_290 = tpu.memref_slice %arg14[%rem3A_262, %dma_start3A_289] : memref<3x32xf32, #tpu.memory_space<vmem>> -> memref<1x32xf32, #tpu.memory_space<vmem>>
        %dma_start3A_291 = tpu.memref_squeeze %dma_start3A_290 : memref<1x32xf32, #tpu.memory_space<vmem>> -> memref<32xf32, #tpu.memory_space<vmem>>
        %dma_start3A_292 = tpu.memref_slice %arg10[%mul3A_288] : memref<512xi32, #tpu.memory_space<vmem>> -> memref<32xi32, #tpu.memory_space<vmem>>
        %dma_start3A_293 = arith.constant 0 : i32
        %dma_start3A_294 = tpu.memref_slice %arg7[%dma_start3A_293] : memref<100000xf32, #tpu.memory_space<hbm>> -> memref<100000xf32, #tpu.memory_space<hbm>>
        %dma_start3A_295 = tpu.memref_slice %arg17[%rem3A_262] : memref<3x!tpu.dma_semaphore, #tpu.memory_space<semaphore_mem>> -> memref<1x!tpu.dma_semaphore, #tpu.memory_space<semaphore_mem>>
        %dma_start3A_296 = tpu.memref_squeeze %dma_start3A_295 : memref<1x!tpu.dma_semaphore, #tpu.memory_space<semaphore_mem>> -> memref<!tpu.dma_semaphore, #tpu.memory_space<semaphore_mem>>
        tpu.enqueue_indirect_dma source(%dma_start3A_294 : memref<100000xf32, #tpu.memory_space<hbm>>) target(%dma_start3A_291 : memref<32xf32, #tpu.memory_space<vmem>>) offsets(%dma_start3A_292 : memref<32xi32, #tpu.memory_space<vmem>>) semaphore(%dma_start3A_296 : memref<!tpu.dma_semaphore, #tpu.memory_space<semaphore_mem>>)
        %mul3A_297 = arith.constant 32 : i32
        %mul3A_298 = arith.muli %add3A_258, %mul3A_297 : i32
        %add3A_299 = arith.addi %mul3A_2, %mul3A_298 : i32
        %dma_start3A_300 = arith.constant 0 : i32
        %dma_start3A_301 = arith.constant 0 : i32
        %dma_start3A_302 = tpu.memref_slice %arg13[%rem3A_262, %dma_start3A_300, %dma_start3A_301] : memref<3x32x128xf32, #tpu.memory_space<vmem>> -> memref<1x32x128xf32, #tpu.memory_space<vmem>>
        %dma_start3A_303 = tpu.memref_squeeze %dma_start3A_302 : memref<1x32x128xf32, #tpu.memory_space<vmem>> -> memref<32x128xf32, #tpu.memory_space<vmem>>
        %dma_start3A_304 = arith.constant 0 : i32
        %dma_start3A_305 = tpu.memref_slice %arg4[%add3A_299, %dma_start3A_304] : memref<16384x128xf32, #tpu.memory_space<hbm>> -> memref<32x128xf32, #tpu.memory_space<hbm>>
        %dma_start3A_306 = tpu.memref_slice %arg17[%rem3A_262] : memref<3x!tpu.dma_semaphore, #tpu.memory_space<semaphore_mem>> -> memref<1x!tpu.dma_semaphore, #tpu.memory_space<semaphore_mem>>
        %dma_start3A_307 = tpu.memref_squeeze %dma_start3A_306 : memref<1x!tpu.dma_semaphore, #tpu.memory_space<semaphore_mem>> -> memref<!tpu.dma_semaphore, #tpu.memory_space<semaphore_mem>>
        %dma_start3A_308 = arith.constant 0 : i32
        %dma_start3A_309 = arith.constant 0 : i32
        %dma_start3A_310 = tpu.memref_slice %arg13[%rem3A_262, %dma_start3A_308, %dma_start3A_309] : memref<3x32x128xf32, #tpu.memory_space<vmem>> -> memref<1x32x128xf32, #tpu.memory_space<vmem>>
        %dma_start3A_311 = tpu.memref_squeeze %dma_start3A_310 : memref<1x32x128xf32, #tpu.memory_space<vmem>> -> memref<32x128xf32, #tpu.memory_space<vmem>>
        %dma_start3A_312 = arith.constant 0 : i32
        %dma_start3A_313 = tpu.memref_slice %arg4[%add3A_299, %dma_start3A_312] : memref<16384x128xf32, #tpu.memory_space<hbm>> -> memref<32x128xf32, #tpu.memory_space<hbm>>
        tpu.enqueue_dma source(%dma_start3A_313 : memref<32x128xf32, #tpu.memory_space<hbm>>) target(%dma_start3A_311 : memref<32x128xf32, #tpu.memory_space<vmem>>) target_semaphore(%dma_start3A_307 : memref<!tpu.dma_semaphore, #tpu.memory_space<semaphore_mem>>)
      } else {
      }
      %dma_wait3A_175 = arith.constant 0 : i32
      %dma_wait3A_176 = arith.constant 0 : i32
      %dma_wait3A_177 = tpu.memref_slice %arg11[%rem3A_170, %dma_wait3A_175, %dma_wait3A_176] : memref<3x32x128xf32, #tpu.memory_space<vmem>> -> memref<1x32x128xf32, #tpu.memory_space<vmem>>
      %dma_wait3A_178 = tpu.memref_squeeze %dma_wait3A_177 : memref<1x32x128xf32, #tpu.memory_space<vmem>> -> memref<32x128xf32, #tpu.memory_space<vmem>>
      %dma_wait3A_179 = arith.constant 0 : i32
      %dma_wait3A_180 = arith.constant 0 : i32
      %dma_wait3A_181 = tpu.memref_slice %arg5[%dma_wait3A_179, %dma_wait3A_180] : memref<1000000x128xf32, #tpu.memory_space<hbm>> -> memref<32x128xf32, #tpu.memory_space<hbm>>
      %dma_wait3A_182 = tpu.memref_slice %arg17[%rem3A_170] : memref<3x!tpu.dma_semaphore, #tpu.memory_space<semaphore_mem>> -> memref<1x!tpu.dma_semaphore, #tpu.memory_space<semaphore_mem>>
      %dma_wait3A_183 = tpu.memref_squeeze %dma_wait3A_182 : memref<1x!tpu.dma_semaphore, #tpu.memory_space<semaphore_mem>> -> memref<!tpu.dma_semaphore, #tpu.memory_space<semaphore_mem>>
      %dma_wait3A_184 = arith.constant 0 : i32
      %dma_wait3A_185 = arith.constant 0 : i32
      %dma_wait3A_186 = tpu.memref_slice %arg11[%rem3A_170, %dma_wait3A_184, %dma_wait3A_185] : memref<3x32x128xf32, #tpu.memory_space<vmem>> -> memref<1x32x128xf32, #tpu.memory_space<vmem>>
      %dma_wait3A_187 = tpu.memref_squeeze %dma_wait3A_186 : memref<1x32x128xf32, #tpu.memory_space<vmem>> -> memref<32x128xf32, #tpu.memory_space<vmem>>
      %dma_wait3A_188 = arith.constant 0 : i32
      %dma_wait3A_189 = arith.constant 0 : i32
      %dma_wait3A_190 = tpu.memref_slice %arg5[%dma_wait3A_188, %dma_wait3A_189] : memref<1000000x128xf32, #tpu.memory_space<hbm>> -> memref<32x128xf32, #tpu.memory_space<hbm>>
      tpu.wait_dma2 semaphore(%dma_wait3A_183 : memref<!tpu.dma_semaphore, #tpu.memory_space<semaphore_mem>>) src(%dma_wait3A_190 : memref<32x128xf32, #tpu.memory_space<hbm>>) dst(%dma_wait3A_187 : memref<32x128xf32, #tpu.memory_space<vmem>>)
      %dma_wait3A_191 = arith.constant 0 : i32
      %dma_wait3A_192 = arith.constant 0 : i32
      %dma_wait3A_193 = tpu.memref_slice %arg12[%rem3A_170, %dma_wait3A_191, %dma_wait3A_192] : memref<3x32x128xf32, #tpu.memory_space<vmem>> -> memref<1x32x128xf32, #tpu.memory_space<vmem>>
      %dma_wait3A_194 = tpu.memref_squeeze %dma_wait3A_193 : memref<1x32x128xf32, #tpu.memory_space<vmem>> -> memref<32x128xf32, #tpu.memory_space<vmem>>
      %dma_wait3A_195 = arith.constant 0 : i32
      %dma_wait3A_196 = arith.constant 0 : i32
      %dma_wait3A_197 = tpu.memref_slice %arg6[%dma_wait3A_195, %dma_wait3A_196] : memref<100000x128xf32, #tpu.memory_space<hbm>> -> memref<32x128xf32, #tpu.memory_space<hbm>>
      %dma_wait3A_198 = tpu.memref_slice %arg17[%rem3A_170] : memref<3x!tpu.dma_semaphore, #tpu.memory_space<semaphore_mem>> -> memref<1x!tpu.dma_semaphore, #tpu.memory_space<semaphore_mem>>
      %dma_wait3A_199 = tpu.memref_squeeze %dma_wait3A_198 : memref<1x!tpu.dma_semaphore, #tpu.memory_space<semaphore_mem>> -> memref<!tpu.dma_semaphore, #tpu.memory_space<semaphore_mem>>
      %dma_wait3A_200 = arith.constant 0 : i32
      %dma_wait3A_201 = arith.constant 0 : i32
      %dma_wait3A_202 = tpu.memref_slice %arg12[%rem3A_170, %dma_wait3A_200, %dma_wait3A_201] : memref<3x32x128xf32, #tpu.memory_space<vmem>> -> memref<1x32x128xf32, #tpu.memory_space<vmem>>
      %dma_wait3A_203 = tpu.memref_squeeze %dma_wait3A_202 : memref<1x32x128xf32, #tpu.memory_space<vmem>> -> memref<32x128xf32, #tpu.memory_space<vmem>>
      %dma_wait3A_204 = arith.constant 0 : i32
      %dma_wait3A_205 = arith.constant 0 : i32
      %dma_wait3A_206 = tpu.memref_slice %arg6[%dma_wait3A_204, %dma_wait3A_205] : memref<100000x128xf32, #tpu.memory_space<hbm>> -> memref<32x128xf32, #tpu.memory_space<hbm>>
      tpu.wait_dma2 semaphore(%dma_wait3A_199 : memref<!tpu.dma_semaphore, #tpu.memory_space<semaphore_mem>>) src(%dma_wait3A_206 : memref<32x128xf32, #tpu.memory_space<hbm>>) dst(%dma_wait3A_203 : memref<32x128xf32, #tpu.memory_space<vmem>>)
      %dma_wait3A_207 = arith.constant 0 : i32
      %dma_wait3A_208 = tpu.memref_slice %arg14[%rem3A_170, %dma_wait3A_207] : memref<3x32xf32, #tpu.memory_space<vmem>> -> memref<1x32xf32, #tpu.memory_space<vmem>>
      %dma_wait3A_209 = tpu.memref_squeeze %dma_wait3A_208 : memref<1x32xf32, #tpu.memory_space<vmem>> -> memref<32xf32, #tpu.memory_space<vmem>>
      %dma_wait3A_210 = arith.constant 0 : i32
      %dma_wait3A_211 = tpu.memref_slice %arg7[%dma_wait3A_210] : memref<100000xf32, #tpu.memory_space<hbm>> -> memref<32xf32, #tpu.memory_space<hbm>>
      %dma_wait3A_212 = tpu.memref_slice %arg17[%rem3A_170] : memref<3x!tpu.dma_semaphore, #tpu.memory_space<semaphore_mem>> -> memref<1x!tpu.dma_semaphore, #tpu.memory_space<semaphore_mem>>
      %dma_wait3A_213 = tpu.memref_squeeze %dma_wait3A_212 : memref<1x!tpu.dma_semaphore, #tpu.memory_space<semaphore_mem>> -> memref<!tpu.dma_semaphore, #tpu.memory_space<semaphore_mem>>
      %dma_wait3A_214 = arith.constant 0 : i32
      %dma_wait3A_215 = tpu.memref_slice %arg14[%rem3A_170, %dma_wait3A_214] : memref<3x32xf32, #tpu.memory_space<vmem>> -> memref<1x32xf32, #tpu.memory_space<vmem>>
      %dma_wait3A_216 = tpu.memref_squeeze %dma_wait3A_215 : memref<1x32xf32, #tpu.memory_space<vmem>> -> memref<32xf32, #tpu.memory_space<vmem>>
      %dma_wait3A_217 = arith.constant 0 : i32
      %dma_wait3A_218 = tpu.memref_slice %arg7[%dma_wait3A_217] : memref<100000xf32, #tpu.memory_space<hbm>> -> memref<32xf32, #tpu.memory_space<hbm>>
      tpu.wait_dma2 semaphore(%dma_wait3A_213 : memref<!tpu.dma_semaphore, #tpu.memory_space<semaphore_mem>>) src(%dma_wait3A_218 : memref<32xf32, #tpu.memory_space<hbm>>) dst(%dma_wait3A_216 : memref<32xf32, #tpu.memory_space<vmem>>)
      %dma_wait3A_219 = arith.constant 0 : i32
      %dma_wait3A_220 = arith.constant 0 : i32
      %dma_wait3A_221 = tpu.memref_slice %arg13[%rem3A_170, %dma_wait3A_219, %dma_wait3A_220] : memref<3x32x128xf32, #tpu.memory_space<vmem>> -> memref<1x32x128xf32, #tpu.memory_space<vmem>>
      %dma_wait3A_222 = tpu.memref_squeeze %dma_wait3A_221 : memref<1x32x128xf32, #tpu.memory_space<vmem>> -> memref<32x128xf32, #tpu.memory_space<vmem>>
      %dma_wait3A_223 = arith.constant 0 : i32
      %dma_wait3A_224 = arith.constant 0 : i32
      %dma_wait3A_225 = tpu.memref_slice %arg4[%dma_wait3A_223, %dma_wait3A_224] : memref<16384x128xf32, #tpu.memory_space<hbm>> -> memref<32x128xf32, #tpu.memory_space<hbm>>
      %dma_wait3A_226 = tpu.memref_slice %arg17[%rem3A_170] : memref<3x!tpu.dma_semaphore, #tpu.memory_space<semaphore_mem>> -> memref<1x!tpu.dma_semaphore, #tpu.memory_space<semaphore_mem>>
      %dma_wait3A_227 = tpu.memref_squeeze %dma_wait3A_226 : memref<1x!tpu.dma_semaphore, #tpu.memory_space<semaphore_mem>> -> memref<!tpu.dma_semaphore, #tpu.memory_space<semaphore_mem>>
      %dma_wait3A_228 = arith.constant 0 : i32
      %dma_wait3A_229 = arith.constant 0 : i32
      %dma_wait3A_230 = tpu.memref_slice %arg13[%rem3A_170, %dma_wait3A_228, %dma_wait3A_229] : memref<3x32x128xf32, #tpu.memory_space<vmem>> -> memref<1x32x128xf32, #tpu.memory_space<vmem>>
      %dma_wait3A_231 = tpu.memref_squeeze %dma_wait3A_230 : memref<1x32x128xf32, #tpu.memory_space<vmem>> -> memref<32x128xf32, #tpu.memory_space<vmem>>
      %dma_wait3A_232 = arith.constant 0 : i32
      %dma_wait3A_233 = arith.constant 0 : i32
      %dma_wait3A_234 = tpu.memref_slice %arg4[%dma_wait3A_232, %dma_wait3A_233] : memref<16384x128xf32, #tpu.memory_space<hbm>> -> memref<32x128xf32, #tpu.memory_space<hbm>>
      tpu.wait_dma2 semaphore(%dma_wait3A_227 : memref<!tpu.dma_semaphore, #tpu.memory_space<semaphore_mem>>) src(%dma_wait3A_234 : memref<32x128xf32, #tpu.memory_space<hbm>>) dst(%dma_wait3A_231 : memref<32x128xf32, #tpu.memory_space<vmem>>)
      %ge3A = arith.constant 3 : i32
      %ge3A_235 = arith.cmpi sge, %add3A_169, %ge3A : i32
      %convert_element_type3A_236 = arith.extui %ge3A_235 : i1 to i32
      %cond3A_237 = arith.constant 0 : i32
      %cond3A_238 = arith.cmpi ne, %convert_element_type3A_236, %cond3A_237 : i32
      scf.if %cond3A_238 {
        %dma_wait3A_257 = arith.constant 0 : i32
        %dma_wait3A_258 = tpu.memref_slice %arg15[%rem3A_170, %dma_wait3A_257] : memref<3x32xf32, #tpu.memory_space<vmem>> -> memref<1x32xf32, #tpu.memory_space<vmem>>
        %dma_wait3A_259 = tpu.memref_squeeze %dma_wait3A_258 : memref<1x32xf32, #tpu.memory_space<vmem>> -> memref<32xf32, #tpu.memory_space<vmem>>
        %dma_wait3A_260 = arith.constant 0 : i32
        %dma_wait3A_261 = tpu.memref_slice %arg8[%dma_wait3A_260] : memref<16384xf32, #tpu.memory_space<hbm>> -> memref<32xf32, #tpu.memory_space<hbm>>
        %dma_wait3A_262 = tpu.memref_slice %arg18[%rem3A_170] : memref<3x!tpu.dma_semaphore, #tpu.memory_space<semaphore_mem>> -> memref<1x!tpu.dma_semaphore, #tpu.memory_space<semaphore_mem>>
        %dma_wait3A_263 = tpu.memref_squeeze %dma_wait3A_262 : memref<1x!tpu.dma_semaphore, #tpu.memory_space<semaphore_mem>> -> memref<!tpu.dma_semaphore, #tpu.memory_space<semaphore_mem>>
        %dma_wait3A_264 = arith.constant 0 : i32
        %dma_wait3A_265 = tpu.memref_slice %arg8[%dma_wait3A_264] : memref<16384xf32, #tpu.memory_space<hbm>> -> memref<32xf32, #tpu.memory_space<hbm>>
        %dma_wait3A_266 = arith.constant 0 : i32
        %dma_wait3A_267 = tpu.memref_slice %arg15[%rem3A_170, %dma_wait3A_266] : memref<3x32xf32, #tpu.memory_space<vmem>> -> memref<1x32xf32, #tpu.memory_space<vmem>>
        %dma_wait3A_268 = tpu.memref_squeeze %dma_wait3A_267 : memref<1x32xf32, #tpu.memory_space<vmem>> -> memref<32xf32, #tpu.memory_space<vmem>>
        tpu.wait_dma2 semaphore(%dma_wait3A_263 : memref<!tpu.dma_semaphore, #tpu.memory_space<semaphore_mem>>) src(%dma_wait3A_268 : memref<32xf32, #tpu.memory_space<vmem>>) dst(%dma_wait3A_265 : memref<32xf32, #tpu.memory_space<hbm>>)
      } else {
      }
      %scan3A_239 = arith.constant 0 : i32
      %scan3A_240 = arith.constant 2 : i32
      %scan3A_241 = arith.addi %scan3A_239, %scan3A_240 : i32
      %scan3A_242 = arith.constant 1 : i32
      scf.for %scan3A_257 = %scan3A_239 to %scan3A_241 step %scan3A_242  : i32 {
        %mul3A_258 = arith.constant 1 : i32
        %mul3A_259 = arith.muli %scan3A_257, %mul3A_258 : i32
        %add3A_260 = arith.constant 0 : i32
        %add3A_261 = arith.addi %add3A_260, %mul3A_259 : i32
        %mul3A_262 = arith.constant 16 : i32
        %mul3A_263 = arith.muli %add3A_261, %mul3A_262 : i32
        %add3A_264 = arith.constant 0 : i32
        %add3A_265 = arith.addi %mul3A_263, %add3A_264 : i32
        %add3A_266 = arith.constant 0 : i32
        %add3A_267 = arith.addi %add3A_265, %add3A_266 : i32
        %mul3A_268 = arith.constant 16 : i32
        %mul3A_269 = arith.muli %add3A_261, %mul3A_268 : i32
        %add3A_270 = arith.constant 0 : i32
        %add3A_271 = arith.addi %mul3A_269, %add3A_270 : i32
        %add3A_272 = arith.constant 1 : i32
        %add3A_273 = arith.addi %add3A_271, %add3A_272 : i32
        %mul3A_274 = arith.constant 16 : i32
        %mul3A_275 = arith.muli %add3A_261, %mul3A_274 : i32
        %add3A_276 = arith.constant 0 : i32
        %add3A_277 = arith.addi %mul3A_275, %add3A_276 : i32
        %add3A_278 = arith.constant 2 : i32
        %add3A_279 = arith.addi %add3A_277, %add3A_278 : i32
        %mul3A_280 = arith.constant 16 : i32
        %mul3A_281 = arith.muli %add3A_261, %mul3A_280 : i32
        %add3A_282 = arith.constant 0 : i32
        %add3A_283 = arith.addi %mul3A_281, %add3A_282 : i32
        %add3A_284 = arith.constant 3 : i32
        %add3A_285 = arith.addi %add3A_283, %add3A_284 : i32
        %broadcast_in_dim3A = arith.constant 0.000000e+00 : f32
        %broadcast_in_dim3A_286 = vector.broadcast %broadcast_in_dim3A : f32 to vector<16xf32>
        %broadcast_in_dim3A_287 = arith.constant 0.000000e+00 : f32
        %broadcast_in_dim3A_288 = vector.broadcast %broadcast_in_dim3A_287 : f32 to vector<16xf32>
        %broadcast_in_dim3A_289 = arith.constant 0.000000e+00 : f32
        %broadcast_in_dim3A_290 = vector.broadcast %broadcast_in_dim3A_289 : f32 to vector<16xf32>
        %broadcast_in_dim3A_291 = arith.constant 0.000000e+00 : f32
        %broadcast_in_dim3A_292 = vector.broadcast %broadcast_in_dim3A_291 : f32 to vector<16xf32>
        %get3A = arith.index_cast %rem3A_170 : i32 to index
        %get3A_293 = arith.index_cast %add3A_267 : i32 to index
        %get3A_294 = arith.constant 0 : index
        %get3A_295 = tpu.vector_load %arg11[%get3A, %get3A_293, %get3A_294] {strides = array<i32>} : memref<3x32x128xf32, #tpu.memory_space<vmem>>, vector<16xf32>,
        %get3A_296 = arith.index_cast %rem3A_170 : i32 to index
        %get3A_297 = arith.index_cast %add3A_267 : i32 to index
        %get3A_298 = arith.constant 0 : index
        %get3A_299 = tpu.vector_load %arg12[%get3A_296, %get3A_297, %get3A_298] {strides = array<i32>} : memref<3x32x128xf32, #tpu.memory_space<vmem>>, vector<16xf32>,
        %get3A_300 = arith.index_cast %rem3A_170 : i32 to index
        %get3A_301 = arith.index_cast %add3A_267 : i32 to index
        %get3A_302 = arith.constant 0 : index
        %get3A_303 = tpu.vector_load %arg13[%get3A_300, %get3A_301, %get3A_302] {strides = array<i32>} : memref<3x32x128xf32, #tpu.memory_space<vmem>>, vector<16xf32>,
        %mul3A_304 = arith.mulf %get3A_295, %get3A_299 : vector<16xf32>
        %mul3A_305 = arith.mulf %mul3A_304, %get3A_303 : vector<16xf32>
        %add3A_306 = arith.addf %broadcast_in_dim3A_286, %mul3A_305 : vector<16xf32>
        %get3A_307 = arith.index_cast %rem3A_170 : i32 to index
        %get3A_308 = arith.index_cast %add3A_273 : i32 to index
        %get3A_309 = arith.constant 0 : index
        %get3A_310 = tpu.vector_load %arg11[%get3A_307, %get3A_308, %get3A_309] {strides = array<i32>} : memref<3x32x128xf32, #tpu.memory_space<vmem>>, vector<16xf32>,
        %get3A_311 = arith.index_cast %rem3A_170 : i32 to index
        %get3A_312 = arith.index_cast %add3A_273 : i32 to index
        %get3A_313 = arith.constant 0 : index
        %get3A_314 = tpu.vector_load %arg12[%get3A_311, %get3A_312, %get3A_313] {strides = array<i32>} : memref<3x32x128xf32, #tpu.memory_space<vmem>>, vector<16xf32>,
        %get3A_315 = arith.index_cast %rem3A_170 : i32 to index
        %get3A_316 = arith.index_cast %add3A_273 : i32 to index
        %get3A_317 = arith.constant 0 : index
        %get3A_318 = tpu.vector_load %arg13[%get3A_315, %get3A_316, %get3A_317] {strides = array<i32>} : memref<3x32x128xf32, #tpu.memory_space<vmem>>, vector<16xf32>,
        %mul3A_319 = arith.mulf %get3A_310, %get3A_314 : vector<16xf32>
        %mul3A_320 = arith.mulf %mul3A_319, %get3A_318 : vector<16xf32>
        %add3A_321 = arith.addf %broadcast_in_dim3A_288, %mul3A_320 : vector<16xf32>
        %get3A_322 = arith.index_cast %rem3A_170 : i32 to index
        %get3A_323 = arith.index_cast %add3A_279 : i32 to index
        %get3A_324 = arith.constant 0 : index
        %get3A_325 = tpu.vector_load %arg11[%get3A_322, %get3A_323, %get3A_324] {strides = array<i32>} : memref<3x32x128xf32, #tpu.memory_space<vmem>>, vector<16xf32>,
        %get3A_326 = arith.index_cast %rem3A_170 : i32 to index
        %get3A_327 = arith.index_cast %add3A_279 : i32 to index
        %get3A_328 = arith.constant 0 : index
        %get3A_329 = tpu.vector_load %arg12[%get3A_326, %get3A_327, %get3A_328] {strides = array<i32>} : memref<3x32x128xf32, #tpu.memory_space<vmem>>, vector<16xf32>,
        %get3A_330 = arith.index_cast %rem3A_170 : i32 to index
        %get3A_331 = arith.index_cast %add3A_279 : i32 to index
        %get3A_332 = arith.constant 0 : index
        %get3A_333 = tpu.vector_load %arg13[%get3A_330, %get3A_331, %get3A_332] {strides = array<i32>} : memref<3x32x128xf32, #tpu.memory_space<vmem>>, vector<16xf32>,
        %mul3A_334 = arith.mulf %get3A_325, %get3A_329 : vector<16xf32>
        %mul3A_335 = arith.mulf %mul3A_334, %get3A_333 : vector<16xf32>
        %add3A_336 = arith.addf %broadcast_in_dim3A_290, %mul3A_335 : vector<16xf32>
        %get3A_337 = arith.index_cast %rem3A_170 : i32 to index
        %get3A_338 = arith.index_cast %add3A_285 : i32 to index
        %get3A_339 = arith.constant 0 : index
        %get3A_340 = tpu.vector_load %arg11[%get3A_337, %get3A_338, %get3A_339] {strides = array<i32>} : memref<3x32x128xf32, #tpu.memory_space<vmem>>, vector<16xf32>,
        %get3A_341 = arith.index_cast %rem3A_170 : i32 to index
        %get3A_342 = arith.index_cast %add3A_285 : i32 to index
        %get3A_343 = arith.constant 0 : index
        %get3A_344 = tpu.vector_load %arg12[%get3A_341, %get3A_342, %get3A_343] {strides = array<i32>} : memref<3x32x128xf32, #tpu.memory_space<vmem>>, vector<16xf32>,
        %get3A_345 = arith.index_cast %rem3A_170 : i32 to index
        %get3A_346 = arith.index_cast %add3A_285 : i32 to index
        %get3A_347 = arith.constant 0 : index
        %get3A_348 = tpu.vector_load %arg13[%get3A_345, %get3A_346, %get3A_347] {strides = array<i32>} : memref<3x32x128xf32, #tpu.memory_space<vmem>>, vector<16xf32>,
        %mul3A_349 = arith.mulf %get3A_340, %get3A_344 : vector<16xf32>
        %mul3A_350 = arith.mulf %mul3A_349, %get3A_348 : vector<16xf32>
        %add3A_351 = arith.addf %broadcast_in_dim3A_292, %mul3A_350 : vector<16xf32>
        %get3A_352 = arith.index_cast %rem3A_170 : i32 to index
        %get3A_353 = arith.index_cast %add3A_267 : i32 to index
        %get3A_354 = arith.constant 16 : index
        %get3A_355 = tpu.vector_load %arg11[%get3A_352, %get3A_353, %get3A_354] {strides = array<i32>} : memref<3x32x128xf32, #tpu.memory_space<vmem>>, vector<16xf32>,
        %get3A_356 = arith.index_cast %rem3A_170 : i32 to index
        %get3A_357 = arith.index_cast %add3A_267 : i32 to index
        %get3A_358 = arith.constant 16 : index
        %get3A_359 = tpu.vector_load %arg12[%get3A_356, %get3A_357, %get3A_358] {strides = array<i32>} : memref<3x32x128xf32, #tpu.memory_space<vmem>>, vector<16xf32>,
        %get3A_360 = arith.index_cast %rem3A_170 : i32 to index
        %get3A_361 = arith.index_cast %add3A_267 : i32 to index
        %get3A_362 = arith.constant 16 : index
        %get3A_363 = tpu.vector_load %arg13[%get3A_360, %get3A_361, %get3A_362] {strides = array<i32>} : memref<3x32x128xf32, #tpu.memory_space<vmem>>, vector<16xf32>,
        %mul3A_364 = arith.mulf %get3A_355, %get3A_359 : vector<16xf32>
        %mul3A_365 = arith.mulf %mul3A_364, %get3A_363 : vector<16xf32>
        %add3A_366 = arith.addf %add3A_306, %mul3A_365 : vector<16xf32>
        %get3A_367 = arith.index_cast %rem3A_170 : i32 to index
        %get3A_368 = arith.index_cast %add3A_273 : i32 to index
        %get3A_369 = arith.constant 16 : index
        %get3A_370 = tpu.vector_load %arg11[%get3A_367, %get3A_368, %get3A_369] {strides = array<i32>} : memref<3x32x128xf32, #tpu.memory_space<vmem>>, vector<16xf32>,
        %get3A_371 = arith.index_cast %rem3A_170 : i32 to index
        %get3A_372 = arith.index_cast %add3A_273 : i32 to index
        %get3A_373 = arith.constant 16 : index
        %get3A_374 = tpu.vector_load %arg12[%get3A_371, %get3A_372, %get3A_373] {strides = array<i32>} : memref<3x32x128xf32, #tpu.memory_space<vmem>>, vector<16xf32>,
        %get3A_375 = arith.index_cast %rem3A_170 : i32 to index
        %get3A_376 = arith.index_cast %add3A_273 : i32 to index
        %get3A_377 = arith.constant 16 : index
        %get3A_378 = tpu.vector_load %arg13[%get3A_375, %get3A_376, %get3A_377] {strides = array<i32>} : memref<3x32x128xf32, #tpu.memory_space<vmem>>, vector<16xf32>,
        %mul3A_379 = arith.mulf %get3A_370, %get3A_374 : vector<16xf32>
        %mul3A_380 = arith.mulf %mul3A_379, %get3A_378 : vector<16xf32>
        %add3A_381 = arith.addf %add3A_321, %mul3A_380 : vector<16xf32>
        %get3A_382 = arith.index_cast %rem3A_170 : i32 to index
        %get3A_383 = arith.index_cast %add3A_279 : i32 to index
        %get3A_384 = arith.constant 16 : index
        %get3A_385 = tpu.vector_load %arg11[%get3A_382, %get3A_383, %get3A_384] {strides = array<i32>} : memref<3x32x128xf32, #tpu.memory_space<vmem>>, vector<16xf32>,
        %get3A_386 = arith.index_cast %rem3A_170 : i32 to index
        %get3A_387 = arith.index_cast %add3A_279 : i32 to index
        %get3A_388 = arith.constant 16 : index
        %get3A_389 = tpu.vector_load %arg12[%get3A_386, %get3A_387, %get3A_388] {strides = array<i32>} : memref<3x32x128xf32, #tpu.memory_space<vmem>>, vector<16xf32>,
        %get3A_390 = arith.index_cast %rem3A_170 : i32 to index
        %get3A_391 = arith.index_cast %add3A_279 : i32 to index
        %get3A_392 = arith.constant 16 : index
        %get3A_393 = tpu.vector_load %arg13[%get3A_390, %get3A_391, %get3A_392] {strides = array<i32>} : memref<3x32x128xf32, #tpu.memory_space<vmem>>, vector<16xf32>,
        %mul3A_394 = arith.mulf %get3A_385, %get3A_389 : vector<16xf32>
        %mul3A_395 = arith.mulf %mul3A_394, %get3A_393 : vector<16xf32>
        %add3A_396 = arith.addf %add3A_336, %mul3A_395 : vector<16xf32>
        %get3A_397 = arith.index_cast %rem3A_170 : i32 to index
        %get3A_398 = arith.index_cast %add3A_285 : i32 to index
        %get3A_399 = arith.constant 16 : index
        %get3A_400 = tpu.vector_load %arg11[%get3A_397, %get3A_398, %get3A_399] {strides = array<i32>} : memref<3x32x128xf32, #tpu.memory_space<vmem>>, vector<16xf32>,
        %get3A_401 = arith.index_cast %rem3A_170 : i32 to index
        %get3A_402 = arith.index_cast %add3A_285 : i32 to index
        %get3A_403 = arith.constant 16 : index
        %get3A_404 = tpu.vector_load %arg12[%get3A_401, %get3A_402, %get3A_403] {strides = array<i32>} : memref<3x32x128xf32, #tpu.memory_space<vmem>>, vector<16xf32>,
        %get3A_405 = arith.index_cast %rem3A_170 : i32 to index
        %get3A_406 = arith.index_cast %add3A_285 : i32 to index
        %get3A_407 = arith.constant 16 : index
        %get3A_408 = tpu.vector_load %arg13[%get3A_405, %get3A_406, %get3A_407] {strides = array<i32>} : memref<3x32x128xf32, #tpu.memory_space<vmem>>, vector<16xf32>,
        %mul3A_409 = arith.mulf %get3A_400, %get3A_404 : vector<16xf32>
        %mul3A_410 = arith.mulf %mul3A_409, %get3A_408 : vector<16xf32>
        %add3A_411 = arith.addf %add3A_351, %mul3A_410 : vector<16xf32>
        %get3A_412 = arith.index_cast %rem3A_170 : i32 to index
        %get3A_413 = arith.index_cast %add3A_267 : i32 to index
        %get3A_414 = arith.constant 32 : index
        %get3A_415 = tpu.vector_load %arg11[%get3A_412, %get3A_413, %get3A_414] {strides = array<i32>} : memref<3x32x128xf32, #tpu.memory_space<vmem>>, vector<16xf32>,
        %get3A_416 = arith.index_cast %rem3A_170 : i32 to index
        %get3A_417 = arith.index_cast %add3A_267 : i32 to index
        %get3A_418 = arith.constant 32 : index
        %get3A_419 = tpu.vector_load %arg12[%get3A_416, %get3A_417, %get3A_418] {strides = array<i32>} : memref<3x32x128xf32, #tpu.memory_space<vmem>>, vector<16xf32>,
        %get3A_420 = arith.index_cast %rem3A_170 : i32 to index
        %get3A_421 = arith.index_cast %add3A_267 : i32 to index
        %get3A_422 = arith.constant 32 : index
        %get3A_423 = tpu.vector_load %arg13[%get3A_420, %get3A_421, %get3A_422] {strides = array<i32>} : memref<3x32x128xf32, #tpu.memory_space<vmem>>, vector<16xf32>,
        %mul3A_424 = arith.mulf %get3A_415, %get3A_419 : vector<16xf32>
        %mul3A_425 = arith.mulf %mul3A_424, %get3A_423 : vector<16xf32>
        %add3A_426 = arith.addf %add3A_366, %mul3A_425 : vector<16xf32>
        %get3A_427 = arith.index_cast %rem3A_170 : i32 to index
        %get3A_428 = arith.index_cast %add3A_273 : i32 to index
        %get3A_429 = arith.constant 32 : index
        %get3A_430 = tpu.vector_load %arg11[%get3A_427, %get3A_428, %get3A_429] {strides = array<i32>} : memref<3x32x128xf32, #tpu.memory_space<vmem>>, vector<16xf32>,
        %get3A_431 = arith.index_cast %rem3A_170 : i32 to index
        %get3A_432 = arith.index_cast %add3A_273 : i32 to index
        %get3A_433 = arith.constant 32 : index
        %get3A_434 = tpu.vector_load %arg12[%get3A_431, %get3A_432, %get3A_433] {strides = array<i32>} : memref<3x32x128xf32, #tpu.memory_space<vmem>>, vector<16xf32>,
        %get3A_435 = arith.index_cast %rem3A_170 : i32 to index
        %get3A_436 = arith.index_cast %add3A_273 : i32 to index
        %get3A_437 = arith.constant 32 : index
        %get3A_438 = tpu.vector_load %arg13[%get3A_435, %get3A_436, %get3A_437] {strides = array<i32>} : memref<3x32x128xf32, #tpu.memory_space<vmem>>, vector<16xf32>,
        %mul3A_439 = arith.mulf %get3A_430, %get3A_434 : vector<16xf32>
        %mul3A_440 = arith.mulf %mul3A_439, %get3A_438 : vector<16xf32>
        %add3A_441 = arith.addf %add3A_381, %mul3A_440 : vector<16xf32>
        %get3A_442 = arith.index_cast %rem3A_170 : i32 to index
        %get3A_443 = arith.index_cast %add3A_279 : i32 to index
        %get3A_444 = arith.constant 32 : index
        %get3A_445 = tpu.vector_load %arg11[%get3A_442, %get3A_443, %get3A_444] {strides = array<i32>} : memref<3x32x128xf32, #tpu.memory_space<vmem>>, vector<16xf32>,
        %get3A_446 = arith.index_cast %rem3A_170 : i32 to index
        %get3A_447 = arith.index_cast %add3A_279 : i32 to index
        %get3A_448 = arith.constant 32 : index
        %get3A_449 = tpu.vector_load %arg12[%get3A_446, %get3A_447, %get3A_448] {strides = array<i32>} : memref<3x32x128xf32, #tpu.memory_space<vmem>>, vector<16xf32>,
        %get3A_450 = arith.index_cast %rem3A_170 : i32 to index
        %get3A_451 = arith.index_cast %add3A_279 : i32 to index
        %get3A_452 = arith.constant 32 : index
        %get3A_453 = tpu.vector_load %arg13[%get3A_450, %get3A_451, %get3A_452] {strides = array<i32>} : memref<3x32x128xf32, #tpu.memory_space<vmem>>, vector<16xf32>,
        %mul3A_454 = arith.mulf %get3A_445, %get3A_449 : vector<16xf32>
        %mul3A_455 = arith.mulf %mul3A_454, %get3A_453 : vector<16xf32>
        %add3A_456 = arith.addf %add3A_396, %mul3A_455 : vector<16xf32>
        %get3A_457 = arith.index_cast %rem3A_170 : i32 to index
        %get3A_458 = arith.index_cast %add3A_285 : i32 to index
        %get3A_459 = arith.constant 32 : index
        %get3A_460 = tpu.vector_load %arg11[%get3A_457, %get3A_458, %get3A_459] {strides = array<i32>} : memref<3x32x128xf32, #tpu.memory_space<vmem>>, vector<16xf32>,
        %get3A_461 = arith.index_cast %rem3A_170 : i32 to index
        %get3A_462 = arith.index_cast %add3A_285 : i32 to index
        %get3A_463 = arith.constant 32 : index
        %get3A_464 = tpu.vector_load %arg12[%get3A_461, %get3A_462, %get3A_463] {strides = array<i32>} : memref<3x32x128xf32, #tpu.memory_space<vmem>>, vector<16xf32>,
        %get3A_465 = arith.index_cast %rem3A_170 : i32 to index
        %get3A_466 = arith.index_cast %add3A_285 : i32 to index
        %get3A_467 = arith.constant 32 : index
        %get3A_468 = tpu.vector_load %arg13[%get3A_465, %get3A_466, %get3A_467] {strides = array<i32>} : memref<3x32x128xf32, #tpu.memory_space<vmem>>, vector<16xf32>,
        %mul3A_469 = arith.mulf %get3A_460, %get3A_464 : vector<16xf32>
        %mul3A_470 = arith.mulf %mul3A_469, %get3A_468 : vector<16xf32>
        %add3A_471 = arith.addf %add3A_411, %mul3A_470 : vector<16xf32>
        %get3A_472 = arith.index_cast %rem3A_170 : i32 to index
        %get3A_473 = arith.index_cast %add3A_267 : i32 to index
        %get3A_474 = arith.constant 48 : index
        %get3A_475 = tpu.vector_load %arg11[%get3A_472, %get3A_473, %get3A_474] {strides = array<i32>} : memref<3x32x128xf32, #tpu.memory_space<vmem>>, vector<16xf32>,
        %get3A_476 = arith.index_cast %rem3A_170 : i32 to index
        %get3A_477 = arith.index_cast %add3A_267 : i32 to index
        %get3A_478 = arith.constant 48 : index
        %get3A_479 = tpu.vector_load %arg12[%get3A_476, %get3A_477, %get3A_478] {strides = array<i32>} : memref<3x32x128xf32, #tpu.memory_space<vmem>>, vector<16xf32>,
        %get3A_480 = arith.index_cast %rem3A_170 : i32 to index
        %get3A_481 = arith.index_cast %add3A_267 : i32 to index
        %get3A_482 = arith.constant 48 : index
        %get3A_483 = tpu.vector_load %arg13[%get3A_480, %get3A_481, %get3A_482] {strides = array<i32>} : memref<3x32x128xf32, #tpu.memory_space<vmem>>, vector<16xf32>,
        %mul3A_484 = arith.mulf %get3A_475, %get3A_479 : vector<16xf32>
        %mul3A_485 = arith.mulf %mul3A_484, %get3A_483 : vector<16xf32>
        %add3A_486 = arith.addf %add3A_426, %mul3A_485 : vector<16xf32>
        %get3A_487 = arith.index_cast %rem3A_170 : i32 to index
        %get3A_488 = arith.index_cast %add3A_273 : i32 to index
        %get3A_489 = arith.constant 48 : index
        %get3A_490 = tpu.vector_load %arg11[%get3A_487, %get3A_488, %get3A_489] {strides = array<i32>} : memref<3x32x128xf32, #tpu.memory_space<vmem>>, vector<16xf32>,
        %get3A_491 = arith.index_cast %rem3A_170 : i32 to index
        %get3A_492 = arith.index_cast %add3A_273 : i32 to index
        %get3A_493 = arith.constant 48 : index
        %get3A_494 = tpu.vector_load %arg12[%get3A_491, %get3A_492, %get3A_493] {strides = array<i32>} : memref<3x32x128xf32, #tpu.memory_space<vmem>>, vector<16xf32>,
        %get3A_495 = arith.index_cast %rem3A_170 : i32 to index
        %get3A_496 = arith.index_cast %add3A_273 : i32 to index
        %get3A_497 = arith.constant 48 : index
        %get3A_498 = tpu.vector_load %arg13[%get3A_495, %get3A_496, %get3A_497] {strides = array<i32>} : memref<3x32x128xf32, #tpu.memory_space<vmem>>, vector<16xf32>,
        %mul3A_499 = arith.mulf %get3A_490, %get3A_494 : vector<16xf32>
        %mul3A_500 = arith.mulf %mul3A_499, %get3A_498 : vector<16xf32>
        %add3A_501 = arith.addf %add3A_441, %mul3A_500 : vector<16xf32>
        %get3A_502 = arith.index_cast %rem3A_170 : i32 to index
        %get3A_503 = arith.index_cast %add3A_279 : i32 to index
        %get3A_504 = arith.constant 48 : index
        %get3A_505 = tpu.vector_load %arg11[%get3A_502, %get3A_503, %get3A_504] {strides = array<i32>} : memref<3x32x128xf32, #tpu.memory_space<vmem>>, vector<16xf32>,
        %get3A_506 = arith.index_cast %rem3A_170 : i32 to index
        %get3A_507 = arith.index_cast %add3A_279 : i32 to index
        %get3A_508 = arith.constant 48 : index
        %get3A_509 = tpu.vector_load %arg12[%get3A_506, %get3A_507, %get3A_508] {strides = array<i32>} : memref<3x32x128xf32, #tpu.memory_space<vmem>>, vector<16xf32>,
        %get3A_510 = arith.index_cast %rem3A_170 : i32 to index
        %get3A_511 = arith.index_cast %add3A_279 : i32 to index
        %get3A_512 = arith.constant 48 : index
        %get3A_513 = tpu.vector_load %arg13[%get3A_510, %get3A_511, %get3A_512] {strides = array<i32>} : memref<3x32x128xf32, #tpu.memory_space<vmem>>, vector<16xf32>,
        %mul3A_514 = arith.mulf %get3A_505, %get3A_509 : vector<16xf32>
        %mul3A_515 = arith.mulf %mul3A_514, %get3A_513 : vector<16xf32>
        %add3A_516 = arith.addf %add3A_456, %mul3A_515 : vector<16xf32>
        %get3A_517 = arith.index_cast %rem3A_170 : i32 to index
        %get3A_518 = arith.index_cast %add3A_285 : i32 to index
        %get3A_519 = arith.constant 48 : index
        %get3A_520 = tpu.vector_load %arg11[%get3A_517, %get3A_518, %get3A_519] {strides = array<i32>} : memref<3x32x128xf32, #tpu.memory_space<vmem>>, vector<16xf32>,
        %get3A_521 = arith.index_cast %rem3A_170 : i32 to index
        %get3A_522 = arith.index_cast %add3A_285 : i32 to index
        %get3A_523 = arith.constant 48 : index
        %get3A_524 = tpu.vector_load %arg12[%get3A_521, %get3A_522, %get3A_523] {strides = array<i32>} : memref<3x32x128xf32, #tpu.memory_space<vmem>>, vector<16xf32>,
        %get3A_525 = arith.index_cast %rem3A_170 : i32 to index
        %get3A_526 = arith.index_cast %add3A_285 : i32 to index
        %get3A_527 = arith.constant 48 : index
        %get3A_528 = tpu.vector_load %arg13[%get3A_525, %get3A_526, %get3A_527] {strides = array<i32>} : memref<3x32x128xf32, #tpu.memory_space<vmem>>, vector<16xf32>,
        %mul3A_529 = arith.mulf %get3A_520, %get3A_524 : vector<16xf32>
        %mul3A_530 = arith.mulf %mul3A_529, %get3A_528 : vector<16xf32>
        %add3A_531 = arith.addf %add3A_471, %mul3A_530 : vector<16xf32>
        %get3A_532 = arith.index_cast %rem3A_170 : i32 to index
        %get3A_533 = arith.index_cast %add3A_267 : i32 to index
        %get3A_534 = arith.constant 64 : index
        %get3A_535 = tpu.vector_load %arg11[%get3A_532, %get3A_533, %get3A_534] {strides = array<i32>} : memref<3x32x128xf32, #tpu.memory_space<vmem>>, vector<16xf32>,
        %get3A_536 = arith.index_cast %rem3A_170 : i32 to index
        %get3A_537 = arith.index_cast %add3A_267 : i32 to index
        %get3A_538 = arith.constant 64 : index
        %get3A_539 = tpu.vector_load %arg12[%get3A_536, %get3A_537, %get3A_538] {strides = array<i32>} : memref<3x32x128xf32, #tpu.memory_space<vmem>>, vector<16xf32>,
        %get3A_540 = arith.index_cast %rem3A_170 : i32 to index
        %get3A_541 = arith.index_cast %add3A_267 : i32 to index
        %get3A_542 = arith.constant 64 : index
        %get3A_543 = tpu.vector_load %arg13[%get3A_540, %get3A_541, %get3A_542] {strides = array<i32>} : memref<3x32x128xf32, #tpu.memory_space<vmem>>, vector<16xf32>,
        %mul3A_544 = arith.mulf %get3A_535, %get3A_539 : vector<16xf32>
        %mul3A_545 = arith.mulf %mul3A_544, %get3A_543 : vector<16xf32>
        %add3A_546 = arith.addf %add3A_486, %mul3A_545 : vector<16xf32>
        %get3A_547 = arith.index_cast %rem3A_170 : i32 to index
        %get3A_548 = arith.index_cast %add3A_273 : i32 to index
        %get3A_549 = arith.constant 64 : index
        %get3A_550 = tpu.vector_load %arg11[%get3A_547, %get3A_548, %get3A_549] {strides = array<i32>} : memref<3x32x128xf32, #tpu.memory_space<vmem>>, vector<16xf32>,
        %get3A_551 = arith.index_cast %rem3A_170 : i32 to index
        %get3A_552 = arith.index_cast %add3A_273 : i32 to index
        %get3A_553 = arith.constant 64 : index
        %get3A_554 = tpu.vector_load %arg12[%get3A_551, %get3A_552, %get3A_553] {strides = array<i32>} : memref<3x32x128xf32, #tpu.memory_space<vmem>>, vector<16xf32>,
        %get3A_555 = arith.index_cast %rem3A_170 : i32 to index
        %get3A_556 = arith.index_cast %add3A_273 : i32 to index
        %get3A_557 = arith.constant 64 : index
        %get3A_558 = tpu.vector_load %arg13[%get3A_555, %get3A_556, %get3A_557] {strides = array<i32>} : memref<3x32x128xf32, #tpu.memory_space<vmem>>, vector<16xf32>,
        %mul3A_559 = arith.mulf %get3A_550, %get3A_554 : vector<16xf32>
        %mul3A_560 = arith.mulf %mul3A_559, %get3A_558 : vector<16xf32>
        %add3A_561 = arith.addf %add3A_501, %mul3A_560 : vector<16xf32>
        %get3A_562 = arith.index_cast %rem3A_170 : i32 to index
        %get3A_563 = arith.index_cast %add3A_279 : i32 to index
        %get3A_564 = arith.constant 64 : index
        %get3A_565 = tpu.vector_load %arg11[%get3A_562, %get3A_563, %get3A_564] {strides = array<i32>} : memref<3x32x128xf32, #tpu.memory_space<vmem>>, vector<16xf32>,
        %get3A_566 = arith.index_cast %rem3A_170 : i32 to index
        %get3A_567 = arith.index_cast %add3A_279 : i32 to index
        %get3A_568 = arith.constant 64 : index
        %get3A_569 = tpu.vector_load %arg12[%get3A_566, %get3A_567, %get3A_568] {strides = array<i32>} : memref<3x32x128xf32, #tpu.memory_space<vmem>>, vector<16xf32>,
        %get3A_570 = arith.index_cast %rem3A_170 : i32 to index
        %get3A_571 = arith.index_cast %add3A_279 : i32 to index
        %get3A_572 = arith.constant 64 : index
        %get3A_573 = tpu.vector_load %arg13[%get3A_570, %get3A_571, %get3A_572] {strides = array<i32>} : memref<3x32x128xf32, #tpu.memory_space<vmem>>, vector<16xf32>,
        %mul3A_574 = arith.mulf %get3A_565, %get3A_569 : vector<16xf32>
        %mul3A_575 = arith.mulf %mul3A_574, %get3A_573 : vector<16xf32>
        %add3A_576 = arith.addf %add3A_516, %mul3A_575 : vector<16xf32>
        %get3A_577 = arith.index_cast %rem3A_170 : i32 to index
        %get3A_578 = arith.index_cast %add3A_285 : i32 to index
        %get3A_579 = arith.constant 64 : index
        %get3A_580 = tpu.vector_load %arg11[%get3A_577, %get3A_578, %get3A_579] {strides = array<i32>} : memref<3x32x128xf32, #tpu.memory_space<vmem>>, vector<16xf32>,
        %get3A_581 = arith.index_cast %rem3A_170 : i32 to index
        %get3A_582 = arith.index_cast %add3A_285 : i32 to index
        %get3A_583 = arith.constant 64 : index
        %get3A_584 = tpu.vector_load %arg12[%get3A_581, %get3A_582, %get3A_583] {strides = array<i32>} : memref<3x32x128xf32, #tpu.memory_space<vmem>>, vector<16xf32>,
        %get3A_585 = arith.index_cast %rem3A_170 : i32 to index
        %get3A_586 = arith.index_cast %add3A_285 : i32 to index
        %get3A_587 = arith.constant 64 : index
        %get3A_588 = tpu.vector_load %arg13[%get3A_585, %get3A_586, %get3A_587] {strides = array<i32>} : memref<3x32x128xf32, #tpu.memory_space<vmem>>, vector<16xf32>,
        %mul3A_589 = arith.mulf %get3A_580, %get3A_584 : vector<16xf32>
        %mul3A_590 = arith.mulf %mul3A_589, %get3A_588 : vector<16xf32>
        %add3A_591 = arith.addf %add3A_531, %mul3A_590 : vector<16xf32>
        %get3A_592 = arith.index_cast %rem3A_170 : i32 to index
        %get3A_593 = arith.index_cast %add3A_267 : i32 to index
        %get3A_594 = arith.constant 80 : index
        %get3A_595 = tpu.vector_load %arg11[%get3A_592, %get3A_593, %get3A_594] {strides = array<i32>} : memref<3x32x128xf32, #tpu.memory_space<vmem>>, vector<16xf32>,
        %get3A_596 = arith.index_cast %rem3A_170 : i32 to index
        %get3A_597 = arith.index_cast %add3A_267 : i32 to index
        %get3A_598 = arith.constant 80 : index
        %get3A_599 = tpu.vector_load %arg12[%get3A_596, %get3A_597, %get3A_598] {strides = array<i32>} : memref<3x32x128xf32, #tpu.memory_space<vmem>>, vector<16xf32>,
        %get3A_600 = arith.index_cast %rem3A_170 : i32 to index
        %get3A_601 = arith.index_cast %add3A_267 : i32 to index
        %get3A_602 = arith.constant 80 : index
        %get3A_603 = tpu.vector_load %arg13[%get3A_600, %get3A_601, %get3A_602] {strides = array<i32>} : memref<3x32x128xf32, #tpu.memory_space<vmem>>, vector<16xf32>,
        %mul3A_604 = arith.mulf %get3A_595, %get3A_599 : vector<16xf32>
        %mul3A_605 = arith.mulf %mul3A_604, %get3A_603 : vector<16xf32>
        %add3A_606 = arith.addf %add3A_546, %mul3A_605 : vector<16xf32>
        %get3A_607 = arith.index_cast %rem3A_170 : i32 to index
        %get3A_608 = arith.index_cast %add3A_273 : i32 to index
        %get3A_609 = arith.constant 80 : index
        %get3A_610 = tpu.vector_load %arg11[%get3A_607, %get3A_608, %get3A_609] {strides = array<i32>} : memref<3x32x128xf32, #tpu.memory_space<vmem>>, vector<16xf32>,
        %get3A_611 = arith.index_cast %rem3A_170 : i32 to index
        %get3A_612 = arith.index_cast %add3A_273 : i32 to index
        %get3A_613 = arith.constant 80 : index
        %get3A_614 = tpu.vector_load %arg12[%get3A_611, %get3A_612, %get3A_613] {strides = array<i32>} : memref<3x32x128xf32, #tpu.memory_space<vmem>>, vector<16xf32>,
        %get3A_615 = arith.index_cast %rem3A_170 : i32 to index
        %get3A_616 = arith.index_cast %add3A_273 : i32 to index
        %get3A_617 = arith.constant 80 : index
        %get3A_618 = tpu.vector_load %arg13[%get3A_615, %get3A_616, %get3A_617] {strides = array<i32>} : memref<3x32x128xf32, #tpu.memory_space<vmem>>, vector<16xf32>,
        %mul3A_619 = arith.mulf %get3A_610, %get3A_614 : vector<16xf32>
        %mul3A_620 = arith.mulf %mul3A_619, %get3A_618 : vector<16xf32>
        %add3A_621 = arith.addf %add3A_561, %mul3A_620 : vector<16xf32>
        %get3A_622 = arith.index_cast %rem3A_170 : i32 to index
        %get3A_623 = arith.index_cast %add3A_279 : i32 to index
        %get3A_624 = arith.constant 80 : index
        %get3A_625 = tpu.vector_load %arg11[%get3A_622, %get3A_623, %get3A_624] {strides = array<i32>} : memref<3x32x128xf32, #tpu.memory_space<vmem>>, vector<16xf32>,
        %get3A_626 = arith.index_cast %rem3A_170 : i32 to index
        %get3A_627 = arith.index_cast %add3A_279 : i32 to index
        %get3A_628 = arith.constant 80 : index
        %get3A_629 = tpu.vector_load %arg12[%get3A_626, %get3A_627, %get3A_628] {strides = array<i32>} : memref<3x32x128xf32, #tpu.memory_space<vmem>>, vector<16xf32>,
        %get3A_630 = arith.index_cast %rem3A_170 : i32 to index
        %get3A_631 = arith.index_cast %add3A_279 : i32 to index
        %get3A_632 = arith.constant 80 : index
        %get3A_633 = tpu.vector_load %arg13[%get3A_630, %get3A_631, %get3A_632] {strides = array<i32>} : memref<3x32x128xf32, #tpu.memory_space<vmem>>, vector<16xf32>,
        %mul3A_634 = arith.mulf %get3A_625, %get3A_629 : vector<16xf32>
        %mul3A_635 = arith.mulf %mul3A_634, %get3A_633 : vector<16xf32>
        %add3A_636 = arith.addf %add3A_576, %mul3A_635 : vector<16xf32>
        %get3A_637 = arith.index_cast %rem3A_170 : i32 to index
        %get3A_638 = arith.index_cast %add3A_285 : i32 to index
        %get3A_639 = arith.constant 80 : index
        %get3A_640 = tpu.vector_load %arg11[%get3A_637, %get3A_638, %get3A_639] {strides = array<i32>} : memref<3x32x128xf32, #tpu.memory_space<vmem>>, vector<16xf32>,
        %get3A_641 = arith.index_cast %rem3A_170 : i32 to index
        %get3A_642 = arith.index_cast %add3A_285 : i32 to index
        %get3A_643 = arith.constant 80 : index
        %get3A_644 = tpu.vector_load %arg12[%get3A_641, %get3A_642, %get3A_643] {strides = array<i32>} : memref<3x32x128xf32, #tpu.memory_space<vmem>>, vector<16xf32>,
        %get3A_645 = arith.index_cast %rem3A_170 : i32 to index
        %get3A_646 = arith.index_cast %add3A_285 : i32 to index
        %get3A_647 = arith.constant 80 : index
        %get3A_648 = tpu.vector_load %arg13[%get3A_645, %get3A_646, %get3A_647] {strides = array<i32>} : memref<3x32x128xf32, #tpu.memory_space<vmem>>, vector<16xf32>,
        %mul3A_649 = arith.mulf %get3A_640, %get3A_644 : vector<16xf32>
        %mul3A_650 = arith.mulf %mul3A_649, %get3A_648 : vector<16xf32>
        %add3A_651 = arith.addf %add3A_591, %mul3A_650 : vector<16xf32>
        %get3A_652 = arith.index_cast %rem3A_170 : i32 to index
        %get3A_653 = arith.index_cast %add3A_267 : i32 to index
        %get3A_654 = arith.constant 96 : index
        %get3A_655 = tpu.vector_load %arg11[%get3A_652, %get3A_653, %get3A_654] {strides = array<i32>} : memref<3x32x128xf32, #tpu.memory_space<vmem>>, vector<16xf32>,
        %get3A_656 = arith.index_cast %rem3A_170 : i32 to index
        %get3A_657 = arith.index_cast %add3A_267 : i32 to index
        %get3A_658 = arith.constant 96 : index
        %get3A_659 = tpu.vector_load %arg12[%get3A_656, %get3A_657, %get3A_658] {strides = array<i32>} : memref<3x32x128xf32, #tpu.memory_space<vmem>>, vector<16xf32>,
        %get3A_660 = arith.index_cast %rem3A_170 : i32 to index
        %get3A_661 = arith.index_cast %add3A_267 : i32 to index
        %get3A_662 = arith.constant 96 : index
        %get3A_663 = tpu.vector_load %arg13[%get3A_660, %get3A_661, %get3A_662] {strides = array<i32>} : memref<3x32x128xf32, #tpu.memory_space<vmem>>, vector<16xf32>,
        %mul3A_664 = arith.mulf %get3A_655, %get3A_659 : vector<16xf32>
        %mul3A_665 = arith.mulf %mul3A_664, %get3A_663 : vector<16xf32>
        %add3A_666 = arith.addf %add3A_606, %mul3A_665 : vector<16xf32>
        %get3A_667 = arith.index_cast %rem3A_170 : i32 to index
        %get3A_668 = arith.index_cast %add3A_273 : i32 to index
        %get3A_669 = arith.constant 96 : index
        %get3A_670 = tpu.vector_load %arg11[%get3A_667, %get3A_668, %get3A_669] {strides = array<i32>} : memref<3x32x128xf32, #tpu.memory_space<vmem>>, vector<16xf32>,
        %get3A_671 = arith.index_cast %rem3A_170 : i32 to index
        %get3A_672 = arith.index_cast %add3A_273 : i32 to index
        %get3A_673 = arith.constant 96 : index
        %get3A_674 = tpu.vector_load %arg12[%get3A_671, %get3A_672, %get3A_673] {strides = array<i32>} : memref<3x32x128xf32, #tpu.memory_space<vmem>>, vector<16xf32>,
        %get3A_675 = arith.index_cast %rem3A_170 : i32 to index
        %get3A_676 = arith.index_cast %add3A_273 : i32 to index
        %get3A_677 = arith.constant 96 : index
        %get3A_678 = tpu.vector_load %arg13[%get3A_675, %get3A_676, %get3A_677] {strides = array<i32>} : memref<3x32x128xf32, #tpu.memory_space<vmem>>, vector<16xf32>,
        %mul3A_679 = arith.mulf %get3A_670, %get3A_674 : vector<16xf32>
        %mul3A_680 = arith.mulf %mul3A_679, %get3A_678 : vector<16xf32>
        %add3A_681 = arith.addf %add3A_621, %mul3A_680 : vector<16xf32>
        %get3A_682 = arith.index_cast %rem3A_170 : i32 to index
        %get3A_683 = arith.index_cast %add3A_279 : i32 to index
        %get3A_684 = arith.constant 96 : index
        %get3A_685 = tpu.vector_load %arg11[%get3A_682, %get3A_683, %get3A_684] {strides = array<i32>} : memref<3x32x128xf32, #tpu.memory_space<vmem>>, vector<16xf32>,
        %get3A_686 = arith.index_cast %rem3A_170 : i32 to index
        %get3A_687 = arith.index_cast %add3A_279 : i32 to index
        %get3A_688 = arith.constant 96 : index
        %get3A_689 = tpu.vector_load %arg12[%get3A_686, %get3A_687, %get3A_688] {strides = array<i32>} : memref<3x32x128xf32, #tpu.memory_space<vmem>>, vector<16xf32>,
        %get3A_690 = arith.index_cast %rem3A_170 : i32 to index
        %get3A_691 = arith.index_cast %add3A_279 : i32 to index
        %get3A_692 = arith.constant 96 : index
        %get3A_693 = tpu.vector_load %arg13[%get3A_690, %get3A_691, %get3A_692] {strides = array<i32>} : memref<3x32x128xf32, #tpu.memory_space<vmem>>, vector<16xf32>,
        %mul3A_694 = arith.mulf %get3A_685, %get3A_689 : vector<16xf32>
        %mul3A_695 = arith.mulf %mul3A_694, %get3A_693 : vector<16xf32>
        %add3A_696 = arith.addf %add3A_636, %mul3A_695 : vector<16xf32>
        %get3A_697 = arith.index_cast %rem3A_170 : i32 to index
        %get3A_698 = arith.index_cast %add3A_285 : i32 to index
        %get3A_699 = arith.constant 96 : index
        %get3A_700 = tpu.vector_load %arg11[%get3A_697, %get3A_698, %get3A_699] {strides = array<i32>} : memref<3x32x128xf32, #tpu.memory_space<vmem>>, vector<16xf32>,
        %get3A_701 = arith.index_cast %rem3A_170 : i32 to index
        %get3A_702 = arith.index_cast %add3A_285 : i32 to index
        %get3A_703 = arith.constant 96 : index
        %get3A_704 = tpu.vector_load %arg12[%get3A_701, %get3A_702, %get3A_703] {strides = array<i32>} : memref<3x32x128xf32, #tpu.memory_space<vmem>>, vector<16xf32>,
        %get3A_705 = arith.index_cast %rem3A_170 : i32 to index
        %get3A_706 = arith.index_cast %add3A_285 : i32 to index
        %get3A_707 = arith.constant 96 : index
        %get3A_708 = tpu.vector_load %arg13[%get3A_705, %get3A_706, %get3A_707] {strides = array<i32>} : memref<3x32x128xf32, #tpu.memory_space<vmem>>, vector<16xf32>,
        %mul3A_709 = arith.mulf %get3A_700, %get3A_704 : vector<16xf32>
        %mul3A_710 = arith.mulf %mul3A_709, %get3A_708 : vector<16xf32>
        %add3A_711 = arith.addf %add3A_651, %mul3A_710 : vector<16xf32>
        %get3A_712 = arith.index_cast %rem3A_170 : i32 to index
        %get3A_713 = arith.index_cast %add3A_267 : i32 to index
        %get3A_714 = arith.constant 112 : index
        %get3A_715 = tpu.vector_load %arg11[%get3A_712, %get3A_713, %get3A_714] {strides = array<i32>} : memref<3x32x128xf32, #tpu.memory_space<vmem>>, vector<16xf32>,
        %get3A_716 = arith.index_cast %rem3A_170 : i32 to index
        %get3A_717 = arith.index_cast %add3A_267 : i32 to index
        %get3A_718 = arith.constant 112 : index
        %get3A_719 = tpu.vector_load %arg12[%get3A_716, %get3A_717, %get3A_718] {strides = array<i32>} : memref<3x32x128xf32, #tpu.memory_space<vmem>>, vector<16xf32>,
        %get3A_720 = arith.index_cast %rem3A_170 : i32 to index
        %get3A_721 = arith.index_cast %add3A_267 : i32 to index
        %get3A_722 = arith.constant 112 : index
        %get3A_723 = tpu.vector_load %arg13[%get3A_720, %get3A_721, %get3A_722] {strides = array<i32>} : memref<3x32x128xf32, #tpu.memory_space<vmem>>, vector<16xf32>,
        %mul3A_724 = arith.mulf %get3A_715, %get3A_719 : vector<16xf32>
        %mul3A_725 = arith.mulf %mul3A_724, %get3A_723 : vector<16xf32>
        %add3A_726 = arith.addf %add3A_666, %mul3A_725 : vector<16xf32>
        %get3A_727 = arith.index_cast %rem3A_170 : i32 to index
        %get3A_728 = arith.index_cast %add3A_273 : i32 to index
        %get3A_729 = arith.constant 112 : index
        %get3A_730 = tpu.vector_load %arg11[%get3A_727, %get3A_728, %get3A_729] {strides = array<i32>} : memref<3x32x128xf32, #tpu.memory_space<vmem>>, vector<16xf32>,
        %get3A_731 = arith.index_cast %rem3A_170 : i32 to index
        %get3A_732 = arith.index_cast %add3A_273 : i32 to index
        %get3A_733 = arith.constant 112 : index
        %get3A_734 = tpu.vector_load %arg12[%get3A_731, %get3A_732, %get3A_733] {strides = array<i32>} : memref<3x32x128xf32, #tpu.memory_space<vmem>>, vector<16xf32>,
        %get3A_735 = arith.index_cast %rem3A_170 : i32 to index
        %get3A_736 = arith.index_cast %add3A_273 : i32 to index
        %get3A_737 = arith.constant 112 : index
        %get3A_738 = tpu.vector_load %arg13[%get3A_735, %get3A_736, %get3A_737] {strides = array<i32>} : memref<3x32x128xf32, #tpu.memory_space<vmem>>, vector<16xf32>,
        %mul3A_739 = arith.mulf %get3A_730, %get3A_734 : vector<16xf32>
        %mul3A_740 = arith.mulf %mul3A_739, %get3A_738 : vector<16xf32>
        %add3A_741 = arith.addf %add3A_681, %mul3A_740 : vector<16xf32>
        %get3A_742 = arith.index_cast %rem3A_170 : i32 to index
        %get3A_743 = arith.index_cast %add3A_279 : i32 to index
        %get3A_744 = arith.constant 112 : index
        %get3A_745 = tpu.vector_load %arg11[%get3A_742, %get3A_743, %get3A_744] {strides = array<i32>} : memref<3x32x128xf32, #tpu.memory_space<vmem>>, vector<16xf32>,
        %get3A_746 = arith.index_cast %rem3A_170 : i32 to index
        %get3A_747 = arith.index_cast %add3A_279 : i32 to index
        %get3A_748 = arith.constant 112 : index
        %get3A_749 = tpu.vector_load %arg12[%get3A_746, %get3A_747, %get3A_748] {strides = array<i32>} : memref<3x32x128xf32, #tpu.memory_space<vmem>>, vector<16xf32>,
        %get3A_750 = arith.index_cast %rem3A_170 : i32 to index
        %get3A_751 = arith.index_cast %add3A_279 : i32 to index
        %get3A_752 = arith.constant 112 : index
        %get3A_753 = tpu.vector_load %arg13[%get3A_750, %get3A_751, %get3A_752] {strides = array<i32>} : memref<3x32x128xf32, #tpu.memory_space<vmem>>, vector<16xf32>,
        %mul3A_754 = arith.mulf %get3A_745, %get3A_749 : vector<16xf32>
        %mul3A_755 = arith.mulf %mul3A_754, %get3A_753 : vector<16xf32>
        %add3A_756 = arith.addf %add3A_696, %mul3A_755 : vector<16xf32>
        %get3A_757 = arith.index_cast %rem3A_170 : i32 to index
        %get3A_758 = arith.index_cast %add3A_285 : i32 to index
        %get3A_759 = arith.constant 112 : index
        %get3A_760 = tpu.vector_load %arg11[%get3A_757, %get3A_758, %get3A_759] {strides = array<i32>} : memref<3x32x128xf32, #tpu.memory_space<vmem>>, vector<16xf32>,
        %get3A_761 = arith.index_cast %rem3A_170 : i32 to index
        %get3A_762 = arith.index_cast %add3A_285 : i32 to index
        %get3A_763 = arith.constant 112 : index
        %get3A_764 = tpu.vector_load %arg12[%get3A_761, %get3A_762, %get3A_763] {strides = array<i32>} : memref<3x32x128xf32, #tpu.memory_space<vmem>>, vector<16xf32>,
        %get3A_765 = arith.index_cast %rem3A_170 : i32 to index
        %get3A_766 = arith.index_cast %add3A_285 : i32 to index
        %get3A_767 = arith.constant 112 : index
        %get3A_768 = tpu.vector_load %arg13[%get3A_765, %get3A_766, %get3A_767] {strides = array<i32>} : memref<3x32x128xf32, #tpu.memory_space<vmem>>, vector<16xf32>,
        %mul3A_769 = arith.mulf %get3A_760, %get3A_764 : vector<16xf32>
        %mul3A_770 = arith.mulf %mul3A_769, %get3A_768 : vector<16xf32>
        %add3A_771 = arith.addf %add3A_711, %mul3A_770 : vector<16xf32>
        %mul3A_772 = arith.constant 16 : i32
        %mul3A_773 = vector.broadcast %mul3A_772 : i32 to vector<16xi32>
        %mul3A_774 = arith.muli %iota3A, %mul3A_773 : vector<16xi32>
        %add3A_775 = arith.constant 0 : i32
        %add3A_776 = vector.broadcast %add3A_775 : i32 to vector<16xi32>
        %add3A_777 = arith.addi %mul3A_774, %add3A_776 : vector<16xi32>
        tpu.vector_store_idx %arg16[%add3A_777], %add3A_726 : memref<256xf32, #tpu.memory_space<vmem>>[vector<16xi32>], vector<16xf32>,
        %mul3A_778 = arith.constant 16 : i32
        %mul3A_779 = vector.broadcast %mul3A_778 : i32 to vector<16xi32>
        %mul3A_780 = arith.muli %iota3A, %mul3A_779 : vector<16xi32>
        %add3A_781 = arith.constant 1 : i32
        %add3A_782 = vector.broadcast %add3A_781 : i32 to vector<16xi32>
        %add3A_783 = arith.addi %mul3A_780, %add3A_782 : vector<16xi32>
        tpu.vector_store_idx %arg16[%add3A_783], %add3A_741 : memref<256xf32, #tpu.memory_space<vmem>>[vector<16xi32>], vector<16xf32>,
        %mul3A_784 = arith.constant 16 : i32
        %mul3A_785 = vector.broadcast %mul3A_784 : i32 to vector<16xi32>
        %mul3A_786 = arith.muli %iota3A, %mul3A_785 : vector<16xi32>
        %add3A_787 = arith.constant 2 : i32
        %add3A_788 = vector.broadcast %add3A_787 : i32 to vector<16xi32>
        %add3A_789 = arith.addi %mul3A_786, %add3A_788 : vector<16xi32>
        tpu.vector_store_idx %arg16[%add3A_789], %add3A_756 : memref<256xf32, #tpu.memory_space<vmem>>[vector<16xi32>], vector<16xf32>,
        %mul3A_790 = arith.constant 16 : i32
        %mul3A_791 = vector.broadcast %mul3A_790 : i32 to vector<16xi32>
        %mul3A_792 = arith.muli %iota3A, %mul3A_791 : vector<16xi32>
        %add3A_793 = arith.constant 3 : i32
        %add3A_794 = vector.broadcast %add3A_793 : i32 to vector<16xi32>
        %add3A_795 = arith.addi %mul3A_792, %add3A_794 : vector<16xi32>
        tpu.vector_store_idx %arg16[%add3A_795], %add3A_771 : memref<256xf32, #tpu.memory_space<vmem>>[vector<16xi32>], vector<16xf32>,
        %mul3A_796 = arith.constant 16 : i32
        %mul3A_797 = arith.muli %add3A_261, %mul3A_796 : i32
        %add3A_798 = arith.constant 4 : i32
        %add3A_799 = arith.addi %mul3A_797, %add3A_798 : i32
        %add3A_800 = arith.constant 0 : i32
        %add3A_801 = arith.addi %add3A_799, %add3A_800 : i32
        %mul3A_802 = arith.constant 16 : i32
        %mul3A_803 = arith.muli %add3A_261, %mul3A_802 : i32
        %add3A_804 = arith.constant 4 : i32
        %add3A_805 = arith.addi %mul3A_803, %add3A_804 : i32
        %add3A_806 = arith.constant 1 : i32
        %add3A_807 = arith.addi %add3A_805, %add3A_806 : i32
        %mul3A_808 = arith.constant 16 : i32
        %mul3A_809 = arith.muli %add3A_261, %mul3A_808 : i32
        %add3A_810 = arith.constant 4 : i32
        %add3A_811 = arith.addi %mul3A_809, %add3A_810 : i32
        %add3A_812 = arith.constant 2 : i32
        %add3A_813 = arith.addi %add3A_811, %add3A_812 : i32
        %mul3A_814 = arith.constant 16 : i32
        %mul3A_815 = arith.muli %add3A_261, %mul3A_814 : i32
        %add3A_816 = arith.constant 4 : i32
        %add3A_817 = arith.addi %mul3A_815, %add3A_816 : i32
        %add3A_818 = arith.constant 3 : i32
        %add3A_819 = arith.addi %add3A_817, %add3A_818 : i32
        %broadcast_in_dim3A_820 = arith.constant 0.000000e+00 : f32
        %broadcast_in_dim3A_821 = vector.broadcast %broadcast_in_dim3A_820 : f32 to vector<16xf32>
        %broadcast_in_dim3A_822 = arith.constant 0.000000e+00 : f32
        %broadcast_in_dim3A_823 = vector.broadcast %broadcast_in_dim3A_822 : f32 to vector<16xf32>
        %broadcast_in_dim3A_824 = arith.constant 0.000000e+00 : f32
        %broadcast_in_dim3A_825 = vector.broadcast %broadcast_in_dim3A_824 : f32 to vector<16xf32>
        %broadcast_in_dim3A_826 = arith.constant 0.000000e+00 : f32
        %broadcast_in_dim3A_827 = vector.broadcast %broadcast_in_dim3A_826 : f32 to vector<16xf32>
        %get3A_828 = arith.index_cast %rem3A_170 : i32 to index
        %get3A_829 = arith.index_cast %add3A_801 : i32 to index
        %get3A_830 = arith.constant 0 : index
        %get3A_831 = tpu.vector_load %arg11[%get3A_828, %get3A_829, %get3A_830] {strides = array<i32>} : memref<3x32x128xf32, #tpu.memory_space<vmem>>, vector<16xf32>,
        %get3A_832 = arith.index_cast %rem3A_170 : i32 to index
        %get3A_833 = arith.index_cast %add3A_801 : i32 to index
        %get3A_834 = arith.constant 0 : index
        %get3A_835 = tpu.vector_load %arg12[%get3A_832, %get3A_833, %get3A_834] {strides = array<i32>} : memref<3x32x128xf32, #tpu.memory_space<vmem>>, vector<16xf32>,
        %get3A_836 = arith.index_cast %rem3A_170 : i32 to index
        %get3A_837 = arith.index_cast %add3A_801 : i32 to index
        %get3A_838 = arith.constant 0 : index
        %get3A_839 = tpu.vector_load %arg13[%get3A_836, %get3A_837, %get3A_838] {strides = array<i32>} : memref<3x32x128xf32, #tpu.memory_space<vmem>>, vector<16xf32>,
        %mul3A_840 = arith.mulf %get3A_831, %get3A_835 : vector<16xf32>
        %mul3A_841 = arith.mulf %mul3A_840, %get3A_839 : vector<16xf32>
        %add3A_842 = arith.addf %broadcast_in_dim3A_821, %mul3A_841 : vector<16xf32>
        %get3A_843 = arith.index_cast %rem3A_170 : i32 to index
        %get3A_844 = arith.index_cast %add3A_807 : i32 to index
        %get3A_845 = arith.constant 0 : index
        %get3A_846 = tpu.vector_load %arg11[%get3A_843, %get3A_844, %get3A_845] {strides = array<i32>} : memref<3x32x128xf32, #tpu.memory_space<vmem>>, vector<16xf32>,
        %get3A_847 = arith.index_cast %rem3A_170 : i32 to index
        %get3A_848 = arith.index_cast %add3A_807 : i32 to index
        %get3A_849 = arith.constant 0 : index
        %get3A_850 = tpu.vector_load %arg12[%get3A_847, %get3A_848, %get3A_849] {strides = array<i32>} : memref<3x32x128xf32, #tpu.memory_space<vmem>>, vector<16xf32>,
        %get3A_851 = arith.index_cast %rem3A_170 : i32 to index
        %get3A_852 = arith.index_cast %add3A_807 : i32 to index
        %get3A_853 = arith.constant 0 : index
        %get3A_854 = tpu.vector_load %arg13[%get3A_851, %get3A_852, %get3A_853] {strides = array<i32>} : memref<3x32x128xf32, #tpu.memory_space<vmem>>, vector<16xf32>,
        %mul3A_855 = arith.mulf %get3A_846, %get3A_850 : vector<16xf32>
        %mul3A_856 = arith.mulf %mul3A_855, %get3A_854 : vector<16xf32>
        %add3A_857 = arith.addf %broadcast_in_dim3A_823, %mul3A_856 : vector<16xf32>
        %get3A_858 = arith.index_cast %rem3A_170 : i32 to index
        %get3A_859 = arith.index_cast %add3A_813 : i32 to index
        %get3A_860 = arith.constant 0 : index
        %get3A_861 = tpu.vector_load %arg11[%get3A_858, %get3A_859, %get3A_860] {strides = array<i32>} : memref<3x32x128xf32, #tpu.memory_space<vmem>>, vector<16xf32>,
        %get3A_862 = arith.index_cast %rem3A_170 : i32 to index
        %get3A_863 = arith.index_cast %add3A_813 : i32 to index
        %get3A_864 = arith.constant 0 : index
        %get3A_865 = tpu.vector_load %arg12[%get3A_862, %get3A_863, %get3A_864] {strides = array<i32>} : memref<3x32x128xf32, #tpu.memory_space<vmem>>, vector<16xf32>,
        %get3A_866 = arith.index_cast %rem3A_170 : i32 to index
        %get3A_867 = arith.index_cast %add3A_813 : i32 to index
        %get3A_868 = arith.constant 0 : index
        %get3A_869 = tpu.vector_load %arg13[%get3A_866, %get3A_867, %get3A_868] {strides = array<i32>} : memref<3x32x128xf32, #tpu.memory_space<vmem>>, vector<16xf32>,
        %mul3A_870 = arith.mulf %get3A_861, %get3A_865 : vector<16xf32>
        %mul3A_871 = arith.mulf %mul3A_870, %get3A_869 : vector<16xf32>
        %add3A_872 = arith.addf %broadcast_in_dim3A_825, %mul3A_871 : vector<16xf32>
        %get3A_873 = arith.index_cast %rem3A_170 : i32 to index
        %get3A_874 = arith.index_cast %add3A_819 : i32 to index
        %get3A_875 = arith.constant 0 : index
        %get3A_876 = tpu.vector_load %arg11[%get3A_873, %get3A_874, %get3A_875] {strides = array<i32>} : memref<3x32x128xf32, #tpu.memory_space<vmem>>, vector<16xf32>,
        %get3A_877 = arith.index_cast %rem3A_170 : i32 to index
        %get3A_878 = arith.index_cast %add3A_819 : i32 to index
        %get3A_879 = arith.constant 0 : index
        %get3A_880 = tpu.vector_load %arg12[%get3A_877, %get3A_878, %get3A_879] {strides = array<i32>} : memref<3x32x128xf32, #tpu.memory_space<vmem>>, vector<16xf32>,
        %get3A_881 = arith.index_cast %rem3A_170 : i32 to index
        %get3A_882 = arith.index_cast %add3A_819 : i32 to index
        %get3A_883 = arith.constant 0 : index
        %get3A_884 = tpu.vector_load %arg13[%get3A_881, %get3A_882, %get3A_883] {strides = array<i32>} : memref<3x32x128xf32, #tpu.memory_space<vmem>>, vector<16xf32>,
        %mul3A_885 = arith.mulf %get3A_876, %get3A_880 : vector<16xf32>
        %mul3A_886 = arith.mulf %mul3A_885, %get3A_884 : vector<16xf32>
        %add3A_887 = arith.addf %broadcast_in_dim3A_827, %mul3A_886 : vector<16xf32>
        %get3A_888 = arith.index_cast %rem3A_170 : i32 to index
        %get3A_889 = arith.index_cast %add3A_801 : i32 to index
        %get3A_890 = arith.constant 16 : index
        %get3A_891 = tpu.vector_load %arg11[%get3A_888, %get3A_889, %get3A_890] {strides = array<i32>} : memref<3x32x128xf32, #tpu.memory_space<vmem>>, vector<16xf32>,
        %get3A_892 = arith.index_cast %rem3A_170 : i32 to index
        %get3A_893 = arith.index_cast %add3A_801 : i32 to index
        %get3A_894 = arith.constant 16 : index
        %get3A_895 = tpu.vector_load %arg12[%get3A_892, %get3A_893, %get3A_894] {strides = array<i32>} : memref<3x32x128xf32, #tpu.memory_space<vmem>>, vector<16xf32>,
        %get3A_896 = arith.index_cast %rem3A_170 : i32 to index
        %get3A_897 = arith.index_cast %add3A_801 : i32 to index
        %get3A_898 = arith.constant 16 : index
        %get3A_899 = tpu.vector_load %arg13[%get3A_896, %get3A_897, %get3A_898] {strides = array<i32>} : memref<3x32x128xf32, #tpu.memory_space<vmem>>, vector<16xf32>,
        %mul3A_900 = arith.mulf %get3A_891, %get3A_895 : vector<16xf32>
        %mul3A_901 = arith.mulf %mul3A_900, %get3A_899 : vector<16xf32>
        %add3A_902 = arith.addf %add3A_842, %mul3A_901 : vector<16xf32>
        %get3A_903 = arith.index_cast %rem3A_170 : i32 to index
        %get3A_904 = arith.index_cast %add3A_807 : i32 to index
        %get3A_905 = arith.constant 16 : index
        %get3A_906 = tpu.vector_load %arg11[%get3A_903, %get3A_904, %get3A_905] {strides = array<i32>} : memref<3x32x128xf32, #tpu.memory_space<vmem>>, vector<16xf32>,
        %get3A_907 = arith.index_cast %rem3A_170 : i32 to index
        %get3A_908 = arith.index_cast %add3A_807 : i32 to index
        %get3A_909 = arith.constant 16 : index
        %get3A_910 = tpu.vector_load %arg12[%get3A_907, %get3A_908, %get3A_909] {strides = array<i32>} : memref<3x32x128xf32, #tpu.memory_space<vmem>>, vector<16xf32>,
        %get3A_911 = arith.index_cast %rem3A_170 : i32 to index
        %get3A_912 = arith.index_cast %add3A_807 : i32 to index
        %get3A_913 = arith.constant 16 : index
        %get3A_914 = tpu.vector_load %arg13[%get3A_911, %get3A_912, %get3A_913] {strides = array<i32>} : memref<3x32x128xf32, #tpu.memory_space<vmem>>, vector<16xf32>,
        %mul3A_915 = arith.mulf %get3A_906, %get3A_910 : vector<16xf32>
        %mul3A_916 = arith.mulf %mul3A_915, %get3A_914 : vector<16xf32>
        %add3A_917 = arith.addf %add3A_857, %mul3A_916 : vector<16xf32>
        %get3A_918 = arith.index_cast %rem3A_170 : i32 to index
        %get3A_919 = arith.index_cast %add3A_813 : i32 to index
        %get3A_920 = arith.constant 16 : index
        %get3A_921 = tpu.vector_load %arg11[%get3A_918, %get3A_919, %get3A_920] {strides = array<i32>} : memref<3x32x128xf32, #tpu.memory_space<vmem>>, vector<16xf32>,
        %get3A_922 = arith.index_cast %rem3A_170 : i32 to index
        %get3A_923 = arith.index_cast %add3A_813 : i32 to index
        %get3A_924 = arith.constant 16 : index
        %get3A_925 = tpu.vector_load %arg12[%get3A_922, %get3A_923, %get3A_924] {strides = array<i32>} : memref<3x32x128xf32, #tpu.memory_space<vmem>>, vector<16xf32>,
        %get3A_926 = arith.index_cast %rem3A_170 : i32 to index
        %get3A_927 = arith.index_cast %add3A_813 : i32 to index
        %get3A_928 = arith.constant 16 : index
        %get3A_929 = tpu.vector_load %arg13[%get3A_926, %get3A_927, %get3A_928] {strides = array<i32>} : memref<3x32x128xf32, #tpu.memory_space<vmem>>, vector<16xf32>,
        %mul3A_930 = arith.mulf %get3A_921, %get3A_925 : vector<16xf32>
        %mul3A_931 = arith.mulf %mul3A_930, %get3A_929 : vector<16xf32>
        %add3A_932 = arith.addf %add3A_872, %mul3A_931 : vector<16xf32>
        %get3A_933 = arith.index_cast %rem3A_170 : i32 to index
        %get3A_934 = arith.index_cast %add3A_819 : i32 to index
        %get3A_935 = arith.constant 16 : index
        %get3A_936 = tpu.vector_load %arg11[%get3A_933, %get3A_934, %get3A_935] {strides = array<i32>} : memref<3x32x128xf32, #tpu.memory_space<vmem>>, vector<16xf32>,
        %get3A_937 = arith.index_cast %rem3A_170 : i32 to index
        %get3A_938 = arith.index_cast %add3A_819 : i32 to index
        %get3A_939 = arith.constant 16 : index
        %get3A_940 = tpu.vector_load %arg12[%get3A_937, %get3A_938, %get3A_939] {strides = array<i32>} : memref<3x32x128xf32, #tpu.memory_space<vmem>>, vector<16xf32>,
        %get3A_941 = arith.index_cast %rem3A_170 : i32 to index
        %get3A_942 = arith.index_cast %add3A_819 : i32 to index
        %get3A_943 = arith.constant 16 : index
        %get3A_944 = tpu.vector_load %arg13[%get3A_941, %get3A_942, %get3A_943] {strides = array<i32>} : memref<3x32x128xf32, #tpu.memory_space<vmem>>, vector<16xf32>,
        %mul3A_945 = arith.mulf %get3A_936, %get3A_940 : vector<16xf32>
        %mul3A_946 = arith.mulf %mul3A_945, %get3A_944 : vector<16xf32>
        %add3A_947 = arith.addf %add3A_887, %mul3A_946 : vector<16xf32>
        %get3A_948 = arith.index_cast %rem3A_170 : i32 to index
        %get3A_949 = arith.index_cast %add3A_801 : i32 to index
        %get3A_950 = arith.constant 32 : index
        %get3A_951 = tpu.vector_load %arg11[%get3A_948, %get3A_949, %get3A_950] {strides = array<i32>} : memref<3x32x128xf32, #tpu.memory_space<vmem>>, vector<16xf32>,
        %get3A_952 = arith.index_cast %rem3A_170 : i32 to index
        %get3A_953 = arith.index_cast %add3A_801 : i32 to index
        %get3A_954 = arith.constant 32 : index
        %get3A_955 = tpu.vector_load %arg12[%get3A_952, %get3A_953, %get3A_954] {strides = array<i32>} : memref<3x32x128xf32, #tpu.memory_space<vmem>>, vector<16xf32>,
        %get3A_956 = arith.index_cast %rem3A_170 : i32 to index
        %get3A_957 = arith.index_cast %add3A_801 : i32 to index
        %get3A_958 = arith.constant 32 : index
        %get3A_959 = tpu.vector_load %arg13[%get3A_956, %get3A_957, %get3A_958] {strides = array<i32>} : memref<3x32x128xf32, #tpu.memory_space<vmem>>, vector<16xf32>,
        %mul3A_960 = arith.mulf %get3A_951, %get3A_955 : vector<16xf32>
        %mul3A_961 = arith.mulf %mul3A_960, %get3A_959 : vector<16xf32>
        %add3A_962 = arith.addf %add3A_902, %mul3A_961 : vector<16xf32>
        %get3A_963 = arith.index_cast %rem3A_170 : i32 to index
        %get3A_964 = arith.index_cast %add3A_807 : i32 to index
        %get3A_965 = arith.constant 32 : index
        %get3A_966 = tpu.vector_load %arg11[%get3A_963, %get3A_964, %get3A_965] {strides = array<i32>} : memref<3x32x128xf32, #tpu.memory_space<vmem>>, vector<16xf32>,
        %get3A_967 = arith.index_cast %rem3A_170 : i32 to index
        %get3A_968 = arith.index_cast %add3A_807 : i32 to index
        %get3A_969 = arith.constant 32 : index
        %get3A_970 = tpu.vector_load %arg12[%get3A_967, %get3A_968, %get3A_969] {strides = array<i32>} : memref<3x32x128xf32, #tpu.memory_space<vmem>>, vector<16xf32>,
        %get3A_971 = arith.index_cast %rem3A_170 : i32 to index
        %get3A_972 = arith.index_cast %add3A_807 : i32 to index
        %get3A_973 = arith.constant 32 : index
        %get3A_974 = tpu.vector_load %arg13[%get3A_971, %get3A_972, %get3A_973] {strides = array<i32>} : memref<3x32x128xf32, #tpu.memory_space<vmem>>, vector<16xf32>,
        %mul3A_975 = arith.mulf %get3A_966, %get3A_970 : vector<16xf32>
        %mul3A_976 = arith.mulf %mul3A_975, %get3A_974 : vector<16xf32>
        %add3A_977 = arith.addf %add3A_917, %mul3A_976 : vector<16xf32>
        %get3A_978 = arith.index_cast %rem3A_170 : i32 to index
        %get3A_979 = arith.index_cast %add3A_813 : i32 to index
        %get3A_980 = arith.constant 32 : index
        %get3A_981 = tpu.vector_load %arg11[%get3A_978, %get3A_979, %get3A_980] {strides = array<i32>} : memref<3x32x128xf32, #tpu.memory_space<vmem>>, vector<16xf32>,
        %get3A_982 = arith.index_cast %rem3A_170 : i32 to index
        %get3A_983 = arith.index_cast %add3A_813 : i32 to index
        %get3A_984 = arith.constant 32 : index
        %get3A_985 = tpu.vector_load %arg12[%get3A_982, %get3A_983, %get3A_984] {strides = array<i32>} : memref<3x32x128xf32, #tpu.memory_space<vmem>>, vector<16xf32>,
        %get3A_986 = arith.index_cast %rem3A_170 : i32 to index
        %get3A_987 = arith.index_cast %add3A_813 : i32 to index
        %get3A_988 = arith.constant 32 : index
        %get3A_989 = tpu.vector_load %arg13[%get3A_986, %get3A_987, %get3A_988] {strides = array<i32>} : memref<3x32x128xf32, #tpu.memory_space<vmem>>, vector<16xf32>,
        %mul3A_990 = arith.mulf %get3A_981, %get3A_985 : vector<16xf32>
        %mul3A_991 = arith.mulf %mul3A_990, %get3A_989 : vector<16xf32>
        %add3A_992 = arith.addf %add3A_932, %mul3A_991 : vector<16xf32>
        %get3A_993 = arith.index_cast %rem3A_170 : i32 to index
        %get3A_994 = arith.index_cast %add3A_819 : i32 to index
        %get3A_995 = arith.constant 32 : index
        %get3A_996 = tpu.vector_load %arg11[%get3A_993, %get3A_994, %get3A_995] {strides = array<i32>} : memref<3x32x128xf32, #tpu.memory_space<vmem>>, vector<16xf32>,
        %get3A_997 = arith.index_cast %rem3A_170 : i32 to index
        %get3A_998 = arith.index_cast %add3A_819 : i32 to index
        %get3A_999 = arith.constant 32 : index
        %get3A_1000 = tpu.vector_load %arg12[%get3A_997, %get3A_998, %get3A_999] {strides = array<i32>} : memref<3x32x128xf32, #tpu.memory_space<vmem>>, vector<16xf32>,
        %get3A_1001 = arith.index_cast %rem3A_170 : i32 to index
        %get3A_1002 = arith.index_cast %add3A_819 : i32 to index
        %get3A_1003 = arith.constant 32 : index
        %get3A_1004 = tpu.vector_load %arg13[%get3A_1001, %get3A_1002, %get3A_1003] {strides = array<i32>} : memref<3x32x128xf32, #tpu.memory_space<vmem>>, vector<16xf32>,
        %mul3A_1005 = arith.mulf %get3A_996, %get3A_1000 : vector<16xf32>
        %mul3A_1006 = arith.mulf %mul3A_1005, %get3A_1004 : vector<16xf32>
        %add3A_1007 = arith.addf %add3A_947, %mul3A_1006 : vector<16xf32>
        %get3A_1008 = arith.index_cast %rem3A_170 : i32 to index
        %get3A_1009 = arith.index_cast %add3A_801 : i32 to index
        %get3A_1010 = arith.constant 48 : index
        %get3A_1011 = tpu.vector_load %arg11[%get3A_1008, %get3A_1009, %get3A_1010] {strides = array<i32>} : memref<3x32x128xf32, #tpu.memory_space<vmem>>, vector<16xf32>,
        %get3A_1012 = arith.index_cast %rem3A_170 : i32 to index
        %get3A_1013 = arith.index_cast %add3A_801 : i32 to index
        %get3A_1014 = arith.constant 48 : index
        %get3A_1015 = tpu.vector_load %arg12[%get3A_1012, %get3A_1013, %get3A_1014] {strides = array<i32>} : memref<3x32x128xf32, #tpu.memory_space<vmem>>, vector<16xf32>,
        %get3A_1016 = arith.index_cast %rem3A_170 : i32 to index
        %get3A_1017 = arith.index_cast %add3A_801 : i32 to index
        %get3A_1018 = arith.constant 48 : index
        %get3A_1019 = tpu.vector_load %arg13[%get3A_1016, %get3A_1017, %get3A_1018] {strides = array<i32>} : memref<3x32x128xf32, #tpu.memory_space<vmem>>, vector<16xf32>,
        %mul3A_1020 = arith.mulf %get3A_1011, %get3A_1015 : vector<16xf32>
        %mul3A_1021 = arith.mulf %mul3A_1020, %get3A_1019 : vector<16xf32>
        %add3A_1022 = arith.addf %add3A_962, %mul3A_1021 : vector<16xf32>
        %get3A_1023 = arith.index_cast %rem3A_170 : i32 to index
        %get3A_1024 = arith.index_cast %add3A_807 : i32 to index
        %get3A_1025 = arith.constant 48 : index
        %get3A_1026 = tpu.vector_load %arg11[%get3A_1023, %get3A_1024, %get3A_1025] {strides = array<i32>} : memref<3x32x128xf32, #tpu.memory_space<vmem>>, vector<16xf32>,
        %get3A_1027 = arith.index_cast %rem3A_170 : i32 to index
        %get3A_1028 = arith.index_cast %add3A_807 : i32 to index
        %get3A_1029 = arith.constant 48 : index
        %get3A_1030 = tpu.vector_load %arg12[%get3A_1027, %get3A_1028, %get3A_1029] {strides = array<i32>} : memref<3x32x128xf32, #tpu.memory_space<vmem>>, vector<16xf32>,
        %get3A_1031 = arith.index_cast %rem3A_170 : i32 to index
        %get3A_1032 = arith.index_cast %add3A_807 : i32 to index
        %get3A_1033 = arith.constant 48 : index
        %get3A_1034 = tpu.vector_load %arg13[%get3A_1031, %get3A_1032, %get3A_1033] {strides = array<i32>} : memref<3x32x128xf32, #tpu.memory_space<vmem>>, vector<16xf32>,
        %mul3A_1035 = arith.mulf %get3A_1026, %get3A_1030 : vector<16xf32>
        %mul3A_1036 = arith.mulf %mul3A_1035, %get3A_1034 : vector<16xf32>
        %add3A_1037 = arith.addf %add3A_977, %mul3A_1036 : vector<16xf32>
        %get3A_1038 = arith.index_cast %rem3A_170 : i32 to index
        %get3A_1039 = arith.index_cast %add3A_813 : i32 to index
        %get3A_1040 = arith.constant 48 : index
        %get3A_1041 = tpu.vector_load %arg11[%get3A_1038, %get3A_1039, %get3A_1040] {strides = array<i32>} : memref<3x32x128xf32, #tpu.memory_space<vmem>>, vector<16xf32>,
        %get3A_1042 = arith.index_cast %rem3A_170 : i32 to index
        %get3A_1043 = arith.index_cast %add3A_813 : i32 to index
        %get3A_1044 = arith.constant 48 : index
        %get3A_1045 = tpu.vector_load %arg12[%get3A_1042, %get3A_1043, %get3A_1044] {strides = array<i32>} : memref<3x32x128xf32, #tpu.memory_space<vmem>>, vector<16xf32>,
        %get3A_1046 = arith.index_cast %rem3A_170 : i32 to index
        %get3A_1047 = arith.index_cast %add3A_813 : i32 to index
        %get3A_1048 = arith.constant 48 : index
        %get3A_1049 = tpu.vector_load %arg13[%get3A_1046, %get3A_1047, %get3A_1048] {strides = array<i32>} : memref<3x32x128xf32, #tpu.memory_space<vmem>>, vector<16xf32>,
        %mul3A_1050 = arith.mulf %get3A_1041, %get3A_1045 : vector<16xf32>
        %mul3A_1051 = arith.mulf %mul3A_1050, %get3A_1049 : vector<16xf32>
        %add3A_1052 = arith.addf %add3A_992, %mul3A_1051 : vector<16xf32>
        %get3A_1053 = arith.index_cast %rem3A_170 : i32 to index
        %get3A_1054 = arith.index_cast %add3A_819 : i32 to index
        %get3A_1055 = arith.constant 48 : index
        %get3A_1056 = tpu.vector_load %arg11[%get3A_1053, %get3A_1054, %get3A_1055] {strides = array<i32>} : memref<3x32x128xf32, #tpu.memory_space<vmem>>, vector<16xf32>,
        %get3A_1057 = arith.index_cast %rem3A_170 : i32 to index
        %get3A_1058 = arith.index_cast %add3A_819 : i32 to index
        %get3A_1059 = arith.constant 48 : index
        %get3A_1060 = tpu.vector_load %arg12[%get3A_1057, %get3A_1058, %get3A_1059] {strides = array<i32>} : memref<3x32x128xf32, #tpu.memory_space<vmem>>, vector<16xf32>,
        %get3A_1061 = arith.index_cast %rem3A_170 : i32 to index
        %get3A_1062 = arith.index_cast %add3A_819 : i32 to index
        %get3A_1063 = arith.constant 48 : index
        %get3A_1064 = tpu.vector_load %arg13[%get3A_1061, %get3A_1062, %get3A_1063] {strides = array<i32>} : memref<3x32x128xf32, #tpu.memory_space<vmem>>, vector<16xf32>,
        %mul3A_1065 = arith.mulf %get3A_1056, %get3A_1060 : vector<16xf32>
        %mul3A_1066 = arith.mulf %mul3A_1065, %get3A_1064 : vector<16xf32>
        %add3A_1067 = arith.addf %add3A_1007, %mul3A_1066 : vector<16xf32>
        %get3A_1068 = arith.index_cast %rem3A_170 : i32 to index
        %get3A_1069 = arith.index_cast %add3A_801 : i32 to index
        %get3A_1070 = arith.constant 64 : index
        %get3A_1071 = tpu.vector_load %arg11[%get3A_1068, %get3A_1069, %get3A_1070] {strides = array<i32>} : memref<3x32x128xf32, #tpu.memory_space<vmem>>, vector<16xf32>,
        %get3A_1072 = arith.index_cast %rem3A_170 : i32 to index
        %get3A_1073 = arith.index_cast %add3A_801 : i32 to index
        %get3A_1074 = arith.constant 64 : index
        %get3A_1075 = tpu.vector_load %arg12[%get3A_1072, %get3A_1073, %get3A_1074] {strides = array<i32>} : memref<3x32x128xf32, #tpu.memory_space<vmem>>, vector<16xf32>,
        %get3A_1076 = arith.index_cast %rem3A_170 : i32 to index
        %get3A_1077 = arith.index_cast %add3A_801 : i32 to index
        %get3A_1078 = arith.constant 64 : index
        %get3A_1079 = tpu.vector_load %arg13[%get3A_1076, %get3A_1077, %get3A_1078] {strides = array<i32>} : memref<3x32x128xf32, #tpu.memory_space<vmem>>, vector<16xf32>,
        %mul3A_1080 = arith.mulf %get3A_1071, %get3A_1075 : vector<16xf32>
        %mul3A_1081 = arith.mulf %mul3A_1080, %get3A_1079 : vector<16xf32>
        %add3A_1082 = arith.addf %add3A_1022, %mul3A_1081 : vector<16xf32>
        %get3A_1083 = arith.index_cast %rem3A_170 : i32 to index
        %get3A_1084 = arith.index_cast %add3A_807 : i32 to index
        %get3A_1085 = arith.constant 64 : index
        %get3A_1086 = tpu.vector_load %arg11[%get3A_1083, %get3A_1084, %get3A_1085] {strides = array<i32>} : memref<3x32x128xf32, #tpu.memory_space<vmem>>, vector<16xf32>,
        %get3A_1087 = arith.index_cast %rem3A_170 : i32 to index
        %get3A_1088 = arith.index_cast %add3A_807 : i32 to index
        %get3A_1089 = arith.constant 64 : index
        %get3A_1090 = tpu.vector_load %arg12[%get3A_1087, %get3A_1088, %get3A_1089] {strides = array<i32>} : memref<3x32x128xf32, #tpu.memory_space<vmem>>, vector<16xf32>,
        %get3A_1091 = arith.index_cast %rem3A_170 : i32 to index
        %get3A_1092 = arith.index_cast %add3A_807 : i32 to index
        %get3A_1093 = arith.constant 64 : index
        %get3A_1094 = tpu.vector_load %arg13[%get3A_1091, %get3A_1092, %get3A_1093] {strides = array<i32>} : memref<3x32x128xf32, #tpu.memory_space<vmem>>, vector<16xf32>,
        %mul3A_1095 = arith.mulf %get3A_1086, %get3A_1090 : vector<16xf32>
        %mul3A_1096 = arith.mulf %mul3A_1095, %get3A_1094 : vector<16xf32>
        %add3A_1097 = arith.addf %add3A_1037, %mul3A_1096 : vector<16xf32>
        %get3A_1098 = arith.index_cast %rem3A_170 : i32 to index
        %get3A_1099 = arith.index_cast %add3A_813 : i32 to index
        %get3A_1100 = arith.constant 64 : index
        %get3A_1101 = tpu.vector_load %arg11[%get3A_1098, %get3A_1099, %get3A_1100] {strides = array<i32>} : memref<3x32x128xf32, #tpu.memory_space<vmem>>, vector<16xf32>,
        %get3A_1102 = arith.index_cast %rem3A_170 : i32 to index
        %get3A_1103 = arith.index_cast %add3A_813 : i32 to index
        %get3A_1104 = arith.constant 64 : index
        %get3A_1105 = tpu.vector_load %arg12[%get3A_1102, %get3A_1103, %get3A_1104] {strides = array<i32>} : memref<3x32x128xf32, #tpu.memory_space<vmem>>, vector<16xf32>,
        %get3A_1106 = arith.index_cast %rem3A_170 : i32 to index
        %get3A_1107 = arith.index_cast %add3A_813 : i32 to index
        %get3A_1108 = arith.constant 64 : index
        %get3A_1109 = tpu.vector_load %arg13[%get3A_1106, %get3A_1107, %get3A_1108] {strides = array<i32>} : memref<3x32x128xf32, #tpu.memory_space<vmem>>, vector<16xf32>,
        %mul3A_1110 = arith.mulf %get3A_1101, %get3A_1105 : vector<16xf32>
        %mul3A_1111 = arith.mulf %mul3A_1110, %get3A_1109 : vector<16xf32>
        %add3A_1112 = arith.addf %add3A_1052, %mul3A_1111 : vector<16xf32>
        %get3A_1113 = arith.index_cast %rem3A_170 : i32 to index
        %get3A_1114 = arith.index_cast %add3A_819 : i32 to index
        %get3A_1115 = arith.constant 64 : index
        %get3A_1116 = tpu.vector_load %arg11[%get3A_1113, %get3A_1114, %get3A_1115] {strides = array<i32>} : memref<3x32x128xf32, #tpu.memory_space<vmem>>, vector<16xf32>,
        %get3A_1117 = arith.index_cast %rem3A_170 : i32 to index
        %get3A_1118 = arith.index_cast %add3A_819 : i32 to index
        %get3A_1119 = arith.constant 64 : index
        %get3A_1120 = tpu.vector_load %arg12[%get3A_1117, %get3A_1118, %get3A_1119] {strides = array<i32>} : memref<3x32x128xf32, #tpu.memory_space<vmem>>, vector<16xf32>,
        %get3A_1121 = arith.index_cast %rem3A_170 : i32 to index
        %get3A_1122 = arith.index_cast %add3A_819 : i32 to index
        %get3A_1123 = arith.constant 64 : index
        %get3A_1124 = tpu.vector_load %arg13[%get3A_1121, %get3A_1122, %get3A_1123] {strides = array<i32>} : memref<3x32x128xf32, #tpu.memory_space<vmem>>, vector<16xf32>,
        %mul3A_1125 = arith.mulf %get3A_1116, %get3A_1120 : vector<16xf32>
        %mul3A_1126 = arith.mulf %mul3A_1125, %get3A_1124 : vector<16xf32>
        %add3A_1127 = arith.addf %add3A_1067, %mul3A_1126 : vector<16xf32>
        %get3A_1128 = arith.index_cast %rem3A_170 : i32 to index
        %get3A_1129 = arith.index_cast %add3A_801 : i32 to index
        %get3A_1130 = arith.constant 80 : index
        %get3A_1131 = tpu.vector_load %arg11[%get3A_1128, %get3A_1129, %get3A_1130] {strides = array<i32>} : memref<3x32x128xf32, #tpu.memory_space<vmem>>, vector<16xf32>,
        %get3A_1132 = arith.index_cast %rem3A_170 : i32 to index
        %get3A_1133 = arith.index_cast %add3A_801 : i32 to index
        %get3A_1134 = arith.constant 80 : index
        %get3A_1135 = tpu.vector_load %arg12[%get3A_1132, %get3A_1133, %get3A_1134] {strides = array<i32>} : memref<3x32x128xf32, #tpu.memory_space<vmem>>, vector<16xf32>,
        %get3A_1136 = arith.index_cast %rem3A_170 : i32 to index
        %get3A_1137 = arith.index_cast %add3A_801 : i32 to index
        %get3A_1138 = arith.constant 80 : index
        %get3A_1139 = tpu.vector_load %arg13[%get3A_1136, %get3A_1137, %get3A_1138] {strides = array<i32>} : memref<3x32x128xf32, #tpu.memory_space<vmem>>, vector<16xf32>,
        %mul3A_1140 = arith.mulf %get3A_1131, %get3A_1135 : vector<16xf32>
        %mul3A_1141 = arith.mulf %mul3A_1140, %get3A_1139 : vector<16xf32>
        %add3A_1142 = arith.addf %add3A_1082, %mul3A_1141 : vector<16xf32>
        %get3A_1143 = arith.index_cast %rem3A_170 : i32 to index
        %get3A_1144 = arith.index_cast %add3A_807 : i32 to index
        %get3A_1145 = arith.constant 80 : index
        %get3A_1146 = tpu.vector_load %arg11[%get3A_1143, %get3A_1144, %get3A_1145] {strides = array<i32>} : memref<3x32x128xf32, #tpu.memory_space<vmem>>, vector<16xf32>,
        %get3A_1147 = arith.index_cast %rem3A_170 : i32 to index
        %get3A_1148 = arith.index_cast %add3A_807 : i32 to index
        %get3A_1149 = arith.constant 80 : index
        %get3A_1150 = tpu.vector_load %arg12[%get3A_1147, %get3A_1148, %get3A_1149] {strides = array<i32>} : memref<3x32x128xf32, #tpu.memory_space<vmem>>, vector<16xf32>,
        %get3A_1151 = arith.index_cast %rem3A_170 : i32 to index
        %get3A_1152 = arith.index_cast %add3A_807 : i32 to index
        %get3A_1153 = arith.constant 80 : index
        %get3A_1154 = tpu.vector_load %arg13[%get3A_1151, %get3A_1152, %get3A_1153] {strides = array<i32>} : memref<3x32x128xf32, #tpu.memory_space<vmem>>, vector<16xf32>,
        %mul3A_1155 = arith.mulf %get3A_1146, %get3A_1150 : vector<16xf32>
        %mul3A_1156 = arith.mulf %mul3A_1155, %get3A_1154 : vector<16xf32>
        %add3A_1157 = arith.addf %add3A_1097, %mul3A_1156 : vector<16xf32>
        %get3A_1158 = arith.index_cast %rem3A_170 : i32 to index
        %get3A_1159 = arith.index_cast %add3A_813 : i32 to index
        %get3A_1160 = arith.constant 80 : index
        %get3A_1161 = tpu.vector_load %arg11[%get3A_1158, %get3A_1159, %get3A_1160] {strides = array<i32>} : memref<3x32x128xf32, #tpu.memory_space<vmem>>, vector<16xf32>,
        %get3A_1162 = arith.index_cast %rem3A_170 : i32 to index
        %get3A_1163 = arith.index_cast %add3A_813 : i32 to index
        %get3A_1164 = arith.constant 80 : index
        %get3A_1165 = tpu.vector_load %arg12[%get3A_1162, %get3A_1163, %get3A_1164] {strides = array<i32>} : memref<3x32x128xf32, #tpu.memory_space<vmem>>, vector<16xf32>,
        %get3A_1166 = arith.index_cast %rem3A_170 : i32 to index
        %get3A_1167 = arith.index_cast %add3A_813 : i32 to index
        %get3A_1168 = arith.constant 80 : index
        %get3A_1169 = tpu.vector_load %arg13[%get3A_1166, %get3A_1167, %get3A_1168] {strides = array<i32>} : memref<3x32x128xf32, #tpu.memory_space<vmem>>, vector<16xf32>,
        %mul3A_1170 = arith.mulf %get3A_1161, %get3A_1165 : vector<16xf32>
        %mul3A_1171 = arith.mulf %mul3A_1170, %get3A_1169 : vector<16xf32>
        %add3A_1172 = arith.addf %add3A_1112, %mul3A_1171 : vector<16xf32>
        %get3A_1173 = arith.index_cast %rem3A_170 : i32 to index
        %get3A_1174 = arith.index_cast %add3A_819 : i32 to index
        %get3A_1175 = arith.constant 80 : index
        %get3A_1176 = tpu.vector_load %arg11[%get3A_1173, %get3A_1174, %get3A_1175] {strides = array<i32>} : memref<3x32x128xf32, #tpu.memory_space<vmem>>, vector<16xf32>,
        %get3A_1177 = arith.index_cast %rem3A_170 : i32 to index
        %get3A_1178 = arith.index_cast %add3A_819 : i32 to index
        %get3A_1179 = arith.constant 80 : index
        %get3A_1180 = tpu.vector_load %arg12[%get3A_1177, %get3A_1178, %get3A_1179] {strides = array<i32>} : memref<3x32x128xf32, #tpu.memory_space<vmem>>, vector<16xf32>,
        %get3A_1181 = arith.index_cast %rem3A_170 : i32 to index
        %get3A_1182 = arith.index_cast %add3A_819 : i32 to index
        %get3A_1183 = arith.constant 80 : index
        %get3A_1184 = tpu.vector_load %arg13[%get3A_1181, %get3A_1182, %get3A_1183] {strides = array<i32>} : memref<3x32x128xf32, #tpu.memory_space<vmem>>, vector<16xf32>,
        %mul3A_1185 = arith.mulf %get3A_1176, %get3A_1180 : vector<16xf32>
        %mul3A_1186 = arith.mulf %mul3A_1185, %get3A_1184 : vector<16xf32>
        %add3A_1187 = arith.addf %add3A_1127, %mul3A_1186 : vector<16xf32>
        %get3A_1188 = arith.index_cast %rem3A_170 : i32 to index
        %get3A_1189 = arith.index_cast %add3A_801 : i32 to index
        %get3A_1190 = arith.constant 96 : index
        %get3A_1191 = tpu.vector_load %arg11[%get3A_1188, %get3A_1189, %get3A_1190] {strides = array<i32>} : memref<3x32x128xf32, #tpu.memory_space<vmem>>, vector<16xf32>,
        %get3A_1192 = arith.index_cast %rem3A_170 : i32 to index
        %get3A_1193 = arith.index_cast %add3A_801 : i32 to index
        %get3A_1194 = arith.constant 96 : index
        %get3A_1195 = tpu.vector_load %arg12[%get3A_1192, %get3A_1193, %get3A_1194] {strides = array<i32>} : memref<3x32x128xf32, #tpu.memory_space<vmem>>, vector<16xf32>,
        %get3A_1196 = arith.index_cast %rem3A_170 : i32 to index
        %get3A_1197 = arith.index_cast %add3A_801 : i32 to index
        %get3A_1198 = arith.constant 96 : index
        %get3A_1199 = tpu.vector_load %arg13[%get3A_1196, %get3A_1197, %get3A_1198] {strides = array<i32>} : memref<3x32x128xf32, #tpu.memory_space<vmem>>, vector<16xf32>,
        %mul3A_1200 = arith.mulf %get3A_1191, %get3A_1195 : vector<16xf32>
        %mul3A_1201 = arith.mulf %mul3A_1200, %get3A_1199 : vector<16xf32>
        %add3A_1202 = arith.addf %add3A_1142, %mul3A_1201 : vector<16xf32>
        %get3A_1203 = arith.index_cast %rem3A_170 : i32 to index
        %get3A_1204 = arith.index_cast %add3A_807 : i32 to index
        %get3A_1205 = arith.constant 96 : index
        %get3A_1206 = tpu.vector_load %arg11[%get3A_1203, %get3A_1204, %get3A_1205] {strides = array<i32>} : memref<3x32x128xf32, #tpu.memory_space<vmem>>, vector<16xf32>,
        %get3A_1207 = arith.index_cast %rem3A_170 : i32 to index
        %get3A_1208 = arith.index_cast %add3A_807 : i32 to index
        %get3A_1209 = arith.constant 96 : index
        %get3A_1210 = tpu.vector_load %arg12[%get3A_1207, %get3A_1208, %get3A_1209] {strides = array<i32>} : memref<3x32x128xf32, #tpu.memory_space<vmem>>, vector<16xf32>,
        %get3A_1211 = arith.index_cast %rem3A_170 : i32 to index
        %get3A_1212 = arith.index_cast %add3A_807 : i32 to index
        %get3A_1213 = arith.constant 96 : index
        %get3A_1214 = tpu.vector_load %arg13[%get3A_1211, %get3A_1212, %get3A_1213] {strides = array<i32>} : memref<3x32x128xf32, #tpu.memory_space<vmem>>, vector<16xf32>,
        %mul3A_1215 = arith.mulf %get3A_1206, %get3A_1210 : vector<16xf32>
        %mul3A_1216 = arith.mulf %mul3A_1215, %get3A_1214 : vector<16xf32>
        %add3A_1217 = arith.addf %add3A_1157, %mul3A_1216 : vector<16xf32>
        %get3A_1218 = arith.index_cast %rem3A_170 : i32 to index
        %get3A_1219 = arith.index_cast %add3A_813 : i32 to index
        %get3A_1220 = arith.constant 96 : index
        %get3A_1221 = tpu.vector_load %arg11[%get3A_1218, %get3A_1219, %get3A_1220] {strides = array<i32>} : memref<3x32x128xf32, #tpu.memory_space<vmem>>, vector<16xf32>,
        %get3A_1222 = arith.index_cast %rem3A_170 : i32 to index
        %get3A_1223 = arith.index_cast %add3A_813 : i32 to index
        %get3A_1224 = arith.constant 96 : index
        %get3A_1225 = tpu.vector_load %arg12[%get3A_1222, %get3A_1223, %get3A_1224] {strides = array<i32>} : memref<3x32x128xf32, #tpu.memory_space<vmem>>, vector<16xf32>,
        %get3A_1226 = arith.index_cast %rem3A_170 : i32 to index
        %get3A_1227 = arith.index_cast %add3A_813 : i32 to index
        %get3A_1228 = arith.constant 96 : index
        %get3A_1229 = tpu.vector_load %arg13[%get3A_1226, %get3A_1227, %get3A_1228] {strides = array<i32>} : memref<3x32x128xf32, #tpu.memory_space<vmem>>, vector<16xf32>,
        %mul3A_1230 = arith.mulf %get3A_1221, %get3A_1225 : vector<16xf32>
        %mul3A_1231 = arith.mulf %mul3A_1230, %get3A_1229 : vector<16xf32>
        %add3A_1232 = arith.addf %add3A_1172, %mul3A_1231 : vector<16xf32>
        %get3A_1233 = arith.index_cast %rem3A_170 : i32 to index
        %get3A_1234 = arith.index_cast %add3A_819 : i32 to index
        %get3A_1235 = arith.constant 96 : index
        %get3A_1236 = tpu.vector_load %arg11[%get3A_1233, %get3A_1234, %get3A_1235] {strides = array<i32>} : memref<3x32x128xf32, #tpu.memory_space<vmem>>, vector<16xf32>,
        %get3A_1237 = arith.index_cast %rem3A_170 : i32 to index
        %get3A_1238 = arith.index_cast %add3A_819 : i32 to index
        %get3A_1239 = arith.constant 96 : index
        %get3A_1240 = tpu.vector_load %arg12[%get3A_1237, %get3A_1238, %get3A_1239] {strides = array<i32>} : memref<3x32x128xf32, #tpu.memory_space<vmem>>, vector<16xf32>,
        %get3A_1241 = arith.index_cast %rem3A_170 : i32 to index
        %get3A_1242 = arith.index_cast %add3A_819 : i32 to index
        %get3A_1243 = arith.constant 96 : index
        %get3A_1244 = tpu.vector_load %arg13[%get3A_1241, %get3A_1242, %get3A_1243] {strides = array<i32>} : memref<3x32x128xf32, #tpu.memory_space<vmem>>, vector<16xf32>,
        %mul3A_1245 = arith.mulf %get3A_1236, %get3A_1240 : vector<16xf32>
        %mul3A_1246 = arith.mulf %mul3A_1245, %get3A_1244 : vector<16xf32>
        %add3A_1247 = arith.addf %add3A_1187, %mul3A_1246 : vector<16xf32>
        %get3A_1248 = arith.index_cast %rem3A_170 : i32 to index
        %get3A_1249 = arith.index_cast %add3A_801 : i32 to index
        %get3A_1250 = arith.constant 112 : index
        %get3A_1251 = tpu.vector_load %arg11[%get3A_1248, %get3A_1249, %get3A_1250] {strides = array<i32>} : memref<3x32x128xf32, #tpu.memory_space<vmem>>, vector<16xf32>,
        %get3A_1252 = arith.index_cast %rem3A_170 : i32 to index
        %get3A_1253 = arith.index_cast %add3A_801 : i32 to index
        %get3A_1254 = arith.constant 112 : index
        %get3A_1255 = tpu.vector_load %arg12[%get3A_1252, %get3A_1253, %get3A_1254] {strides = array<i32>} : memref<3x32x128xf32, #tpu.memory_space<vmem>>, vector<16xf32>,
        %get3A_1256 = arith.index_cast %rem3A_170 : i32 to index
        %get3A_1257 = arith.index_cast %add3A_801 : i32 to index
        %get3A_1258 = arith.constant 112 : index
        %get3A_1259 = tpu.vector_load %arg13[%get3A_1256, %get3A_1257, %get3A_1258] {strides = array<i32>} : memref<3x32x128xf32, #tpu.memory_space<vmem>>, vector<16xf32>,
        %mul3A_1260 = arith.mulf %get3A_1251, %get3A_1255 : vector<16xf32>
        %mul3A_1261 = arith.mulf %mul3A_1260, %get3A_1259 : vector<16xf32>
        %add3A_1262 = arith.addf %add3A_1202, %mul3A_1261 : vector<16xf32>
        %get3A_1263 = arith.index_cast %rem3A_170 : i32 to index
        %get3A_1264 = arith.index_cast %add3A_807 : i32 to index
        %get3A_1265 = arith.constant 112 : index
        %get3A_1266 = tpu.vector_load %arg11[%get3A_1263, %get3A_1264, %get3A_1265] {strides = array<i32>} : memref<3x32x128xf32, #tpu.memory_space<vmem>>, vector<16xf32>,
        %get3A_1267 = arith.index_cast %rem3A_170 : i32 to index
        %get3A_1268 = arith.index_cast %add3A_807 : i32 to index
        %get3A_1269 = arith.constant 112 : index
        %get3A_1270 = tpu.vector_load %arg12[%get3A_1267, %get3A_1268, %get3A_1269] {strides = array<i32>} : memref<3x32x128xf32, #tpu.memory_space<vmem>>, vector<16xf32>,
        %get3A_1271 = arith.index_cast %rem3A_170 : i32 to index
        %get3A_1272 = arith.index_cast %add3A_807 : i32 to index
        %get3A_1273 = arith.constant 112 : index
        %get3A_1274 = tpu.vector_load %arg13[%get3A_1271, %get3A_1272, %get3A_1273] {strides = array<i32>} : memref<3x32x128xf32, #tpu.memory_space<vmem>>, vector<16xf32>,
        %mul3A_1275 = arith.mulf %get3A_1266, %get3A_1270 : vector<16xf32>
        %mul3A_1276 = arith.mulf %mul3A_1275, %get3A_1274 : vector<16xf32>
        %add3A_1277 = arith.addf %add3A_1217, %mul3A_1276 : vector<16xf32>
        %get3A_1278 = arith.index_cast %rem3A_170 : i32 to index
        %get3A_1279 = arith.index_cast %add3A_813 : i32 to index
        %get3A_1280 = arith.constant 112 : index
        %get3A_1281 = tpu.vector_load %arg11[%get3A_1278, %get3A_1279, %get3A_1280] {strides = array<i32>} : memref<3x32x128xf32, #tpu.memory_space<vmem>>, vector<16xf32>,
        %get3A_1282 = arith.index_cast %rem3A_170 : i32 to index
        %get3A_1283 = arith.index_cast %add3A_813 : i32 to index
        %get3A_1284 = arith.constant 112 : index
        %get3A_1285 = tpu.vector_load %arg12[%get3A_1282, %get3A_1283, %get3A_1284] {strides = array<i32>} : memref<3x32x128xf32, #tpu.memory_space<vmem>>, vector<16xf32>,
        %get3A_1286 = arith.index_cast %rem3A_170 : i32 to index
        %get3A_1287 = arith.index_cast %add3A_813 : i32 to index
        %get3A_1288 = arith.constant 112 : index
        %get3A_1289 = tpu.vector_load %arg13[%get3A_1286, %get3A_1287, %get3A_1288] {strides = array<i32>} : memref<3x32x128xf32, #tpu.memory_space<vmem>>, vector<16xf32>,
        %mul3A_1290 = arith.mulf %get3A_1281, %get3A_1285 : vector<16xf32>
        %mul3A_1291 = arith.mulf %mul3A_1290, %get3A_1289 : vector<16xf32>
        %add3A_1292 = arith.addf %add3A_1232, %mul3A_1291 : vector<16xf32>
        %get3A_1293 = arith.index_cast %rem3A_170 : i32 to index
        %get3A_1294 = arith.index_cast %add3A_819 : i32 to index
        %get3A_1295 = arith.constant 112 : index
        %get3A_1296 = tpu.vector_load %arg11[%get3A_1293, %get3A_1294, %get3A_1295] {strides = array<i32>} : memref<3x32x128xf32, #tpu.memory_space<vmem>>, vector<16xf32>,
        %get3A_1297 = arith.index_cast %rem3A_170 : i32 to index
        %get3A_1298 = arith.index_cast %add3A_819 : i32 to index
        %get3A_1299 = arith.constant 112 : index
        %get3A_1300 = tpu.vector_load %arg12[%get3A_1297, %get3A_1298, %get3A_1299] {strides = array<i32>} : memref<3x32x128xf32, #tpu.memory_space<vmem>>, vector<16xf32>,
        %get3A_1301 = arith.index_cast %rem3A_170 : i32 to index
        %get3A_1302 = arith.index_cast %add3A_819 : i32 to index
        %get3A_1303 = arith.constant 112 : index
        %get3A_1304 = tpu.vector_load %arg13[%get3A_1301, %get3A_1302, %get3A_1303] {strides = array<i32>} : memref<3x32x128xf32, #tpu.memory_space<vmem>>, vector<16xf32>,
        %mul3A_1305 = arith.mulf %get3A_1296, %get3A_1300 : vector<16xf32>
        %mul3A_1306 = arith.mulf %mul3A_1305, %get3A_1304 : vector<16xf32>
        %add3A_1307 = arith.addf %add3A_1247, %mul3A_1306 : vector<16xf32>
        %mul3A_1308 = arith.constant 16 : i32
        %mul3A_1309 = vector.broadcast %mul3A_1308 : i32 to vector<16xi32>
        %mul3A_1310 = arith.muli %iota3A, %mul3A_1309 : vector<16xi32>
        %add3A_1311 = arith.constant 4 : i32
        %add3A_1312 = vector.broadcast %add3A_1311 : i32 to vector<16xi32>
        %add3A_1313 = arith.addi %mul3A_1310, %add3A_1312 : vector<16xi32>
        tpu.vector_store_idx %arg16[%add3A_1313], %add3A_1262 : memref<256xf32, #tpu.memory_space<vmem>>[vector<16xi32>], vector<16xf32>,
        %mul3A_1314 = arith.constant 16 : i32
        %mul3A_1315 = vector.broadcast %mul3A_1314 : i32 to vector<16xi32>
        %mul3A_1316 = arith.muli %iota3A, %mul3A_1315 : vector<16xi32>
        %add3A_1317 = arith.constant 5 : i32
        %add3A_1318 = vector.broadcast %add3A_1317 : i32 to vector<16xi32>
        %add3A_1319 = arith.addi %mul3A_1316, %add3A_1318 : vector<16xi32>
        tpu.vector_store_idx %arg16[%add3A_1319], %add3A_1277 : memref<256xf32, #tpu.memory_space<vmem>>[vector<16xi32>], vector<16xf32>,
        %mul3A_1320 = arith.constant 16 : i32
        %mul3A_1321 = vector.broadcast %mul3A_1320 : i32 to vector<16xi32>
        %mul3A_1322 = arith.muli %iota3A, %mul3A_1321 : vector<16xi32>
        %add3A_1323 = arith.constant 6 : i32
        %add3A_1324 = vector.broadcast %add3A_1323 : i32 to vector<16xi32>
        %add3A_1325 = arith.addi %mul3A_1322, %add3A_1324 : vector<16xi32>
        tpu.vector_store_idx %arg16[%add3A_1325], %add3A_1292 : memref<256xf32, #tpu.memory_space<vmem>>[vector<16xi32>], vector<16xf32>,
        %mul3A_1326 = arith.constant 16 : i32
        %mul3A_1327 = vector.broadcast %mul3A_1326 : i32 to vector<16xi32>
        %mul3A_1328 = arith.muli %iota3A, %mul3A_1327 : vector<16xi32>
        %add3A_1329 = arith.constant 7 : i32
        %add3A_1330 = vector.broadcast %add3A_1329 : i32 to vector<16xi32>
        %add3A_1331 = arith.addi %mul3A_1328, %add3A_1330 : vector<16xi32>
        tpu.vector_store_idx %arg16[%add3A_1331], %add3A_1307 : memref<256xf32, #tpu.memory_space<vmem>>[vector<16xi32>], vector<16xf32>,
        %mul3A_1332 = arith.constant 16 : i32
        %mul3A_1333 = arith.muli %add3A_261, %mul3A_1332 : i32
        %add3A_1334 = arith.constant 8 : i32
        %add3A_1335 = arith.addi %mul3A_1333, %add3A_1334 : i32
        %add3A_1336 = arith.constant 0 : i32
        %add3A_1337 = arith.addi %add3A_1335, %add3A_1336 : i32
        %mul3A_1338 = arith.constant 16 : i32
        %mul3A_1339 = arith.muli %add3A_261, %mul3A_1338 : i32
        %add3A_1340 = arith.constant 8 : i32
        %add3A_1341 = arith.addi %mul3A_1339, %add3A_1340 : i32
        %add3A_1342 = arith.constant 1 : i32
        %add3A_1343 = arith.addi %add3A_1341, %add3A_1342 : i32
        %mul3A_1344 = arith.constant 16 : i32
        %mul3A_1345 = arith.muli %add3A_261, %mul3A_1344 : i32
        %add3A_1346 = arith.constant 8 : i32
        %add3A_1347 = arith.addi %mul3A_1345, %add3A_1346 : i32
        %add3A_1348 = arith.constant 2 : i32
        %add3A_1349 = arith.addi %add3A_1347, %add3A_1348 : i32
        %mul3A_1350 = arith.constant 16 : i32
        %mul3A_1351 = arith.muli %add3A_261, %mul3A_1350 : i32
        %add3A_1352 = arith.constant 8 : i32
        %add3A_1353 = arith.addi %mul3A_1351, %add3A_1352 : i32
        %add3A_1354 = arith.constant 3 : i32
        %add3A_1355 = arith.addi %add3A_1353, %add3A_1354 : i32
        %broadcast_in_dim3A_1356 = arith.constant 0.000000e+00 : f32
        %broadcast_in_dim3A_1357 = vector.broadcast %broadcast_in_dim3A_1356 : f32 to vector<16xf32>
        %broadcast_in_dim3A_1358 = arith.constant 0.000000e+00 : f32
        %broadcast_in_dim3A_1359 = vector.broadcast %broadcast_in_dim3A_1358 : f32 to vector<16xf32>
        %broadcast_in_dim3A_1360 = arith.constant 0.000000e+00 : f32
        %broadcast_in_dim3A_1361 = vector.broadcast %broadcast_in_dim3A_1360 : f32 to vector<16xf32>
        %broadcast_in_dim3A_1362 = arith.constant 0.000000e+00 : f32
        %broadcast_in_dim3A_1363 = vector.broadcast %broadcast_in_dim3A_1362 : f32 to vector<16xf32>
        %get3A_1364 = arith.index_cast %rem3A_170 : i32 to index
        %get3A_1365 = arith.index_cast %add3A_1337 : i32 to index
        %get3A_1366 = arith.constant 0 : index
        %get3A_1367 = tpu.vector_load %arg11[%get3A_1364, %get3A_1365, %get3A_1366] {strides = array<i32>} : memref<3x32x128xf32, #tpu.memory_space<vmem>>, vector<16xf32>,
        %get3A_1368 = arith.index_cast %rem3A_170 : i32 to index
        %get3A_1369 = arith.index_cast %add3A_1337 : i32 to index
        %get3A_1370 = arith.constant 0 : index
        %get3A_1371 = tpu.vector_load %arg12[%get3A_1368, %get3A_1369, %get3A_1370] {strides = array<i32>} : memref<3x32x128xf32, #tpu.memory_space<vmem>>, vector<16xf32>,
        %get3A_1372 = arith.index_cast %rem3A_170 : i32 to index
        %get3A_1373 = arith.index_cast %add3A_1337 : i32 to index
        %get3A_1374 = arith.constant 0 : index
        %get3A_1375 = tpu.vector_load %arg13[%get3A_1372, %get3A_1373, %get3A_1374] {strides = array<i32>} : memref<3x32x128xf32, #tpu.memory_space<vmem>>, vector<16xf32>,
        %mul3A_1376 = arith.mulf %get3A_1367, %get3A_1371 : vector<16xf32>
        %mul3A_1377 = arith.mulf %mul3A_1376, %get3A_1375 : vector<16xf32>
        %add3A_1378 = arith.addf %broadcast_in_dim3A_1357, %mul3A_1377 : vector<16xf32>
        %get3A_1379 = arith.index_cast %rem3A_170 : i32 to index
        %get3A_1380 = arith.index_cast %add3A_1343 : i32 to index
        %get3A_1381 = arith.constant 0 : index
        %get3A_1382 = tpu.vector_load %arg11[%get3A_1379, %get3A_1380, %get3A_1381] {strides = array<i32>} : memref<3x32x128xf32, #tpu.memory_space<vmem>>, vector<16xf32>,
        %get3A_1383 = arith.index_cast %rem3A_170 : i32 to index
        %get3A_1384 = arith.index_cast %add3A_1343 : i32 to index
        %get3A_1385 = arith.constant 0 : index
        %get3A_1386 = tpu.vector_load %arg12[%get3A_1383, %get3A_1384, %get3A_1385] {strides = array<i32>} : memref<3x32x128xf32, #tpu.memory_space<vmem>>, vector<16xf32>,
        %get3A_1387 = arith.index_cast %rem3A_170 : i32 to index
        %get3A_1388 = arith.index_cast %add3A_1343 : i32 to index
        %get3A_1389 = arith.constant 0 : index
        %get3A_1390 = tpu.vector_load %arg13[%get3A_1387, %get3A_1388, %get3A_1389] {strides = array<i32>} : memref<3x32x128xf32, #tpu.memory_space<vmem>>, vector<16xf32>,
        %mul3A_1391 = arith.mulf %get3A_1382, %get3A_1386 : vector<16xf32>
        %mul3A_1392 = arith.mulf %mul3A_1391, %get3A_1390 : vector<16xf32>
        %add3A_1393 = arith.addf %broadcast_in_dim3A_1359, %mul3A_1392 : vector<16xf32>
        %get3A_1394 = arith.index_cast %rem3A_170 : i32 to index
        %get3A_1395 = arith.index_cast %add3A_1349 : i32 to index
        %get3A_1396 = arith.constant 0 : index
        %get3A_1397 = tpu.vector_load %arg11[%get3A_1394, %get3A_1395, %get3A_1396] {strides = array<i32>} : memref<3x32x128xf32, #tpu.memory_space<vmem>>, vector<16xf32>,
        %get3A_1398 = arith.index_cast %rem3A_170 : i32 to index
        %get3A_1399 = arith.index_cast %add3A_1349 : i32 to index
        %get3A_1400 = arith.constant 0 : index
        %get3A_1401 = tpu.vector_load %arg12[%get3A_1398, %get3A_1399, %get3A_1400] {strides = array<i32>} : memref<3x32x128xf32, #tpu.memory_space<vmem>>, vector<16xf32>,
        %get3A_1402 = arith.index_cast %rem3A_170 : i32 to index
        %get3A_1403 = arith.index_cast %add3A_1349 : i32 to index
        %get3A_1404 = arith.constant 0 : index
        %get3A_1405 = tpu.vector_load %arg13[%get3A_1402, %get3A_1403, %get3A_1404] {strides = array<i32>} : memref<3x32x128xf32, #tpu.memory_space<vmem>>, vector<16xf32>,
        %mul3A_1406 = arith.mulf %get3A_1397, %get3A_1401 : vector<16xf32>
        %mul3A_1407 = arith.mulf %mul3A_1406, %get3A_1405 : vector<16xf32>
        %add3A_1408 = arith.addf %broadcast_in_dim3A_1361, %mul3A_1407 : vector<16xf32>
        %get3A_1409 = arith.index_cast %rem3A_170 : i32 to index
        %get3A_1410 = arith.index_cast %add3A_1355 : i32 to index
        %get3A_1411 = arith.constant 0 : index
        %get3A_1412 = tpu.vector_load %arg11[%get3A_1409, %get3A_1410, %get3A_1411] {strides = array<i32>} : memref<3x32x128xf32, #tpu.memory_space<vmem>>, vector<16xf32>,
        %get3A_1413 = arith.index_cast %rem3A_170 : i32 to index
        %get3A_1414 = arith.index_cast %add3A_1355 : i32 to index
        %get3A_1415 = arith.constant 0 : index
        %get3A_1416 = tpu.vector_load %arg12[%get3A_1413, %get3A_1414, %get3A_1415] {strides = array<i32>} : memref<3x32x128xf32, #tpu.memory_space<vmem>>, vector<16xf32>,
        %get3A_1417 = arith.index_cast %rem3A_170 : i32 to index
        %get3A_1418 = arith.index_cast %add3A_1355 : i32 to index
        %get3A_1419 = arith.constant 0 : index
        %get3A_1420 = tpu.vector_load %arg13[%get3A_1417, %get3A_1418, %get3A_1419] {strides = array<i32>} : memref<3x32x128xf32, #tpu.memory_space<vmem>>, vector<16xf32>,
        %mul3A_1421 = arith.mulf %get3A_1412, %get3A_1416 : vector<16xf32>
        %mul3A_1422 = arith.mulf %mul3A_1421, %get3A_1420 : vector<16xf32>
        %add3A_1423 = arith.addf %broadcast_in_dim3A_1363, %mul3A_1422 : vector<16xf32>
        %get3A_1424 = arith.index_cast %rem3A_170 : i32 to index
        %get3A_1425 = arith.index_cast %add3A_1337 : i32 to index
        %get3A_1426 = arith.constant 16 : index
        %get3A_1427 = tpu.vector_load %arg11[%get3A_1424, %get3A_1425, %get3A_1426] {strides = array<i32>} : memref<3x32x128xf32, #tpu.memory_space<vmem>>, vector<16xf32>,
        %get3A_1428 = arith.index_cast %rem3A_170 : i32 to index
        %get3A_1429 = arith.index_cast %add3A_1337 : i32 to index
        %get3A_1430 = arith.constant 16 : index
        %get3A_1431 = tpu.vector_load %arg12[%get3A_1428, %get3A_1429, %get3A_1430] {strides = array<i32>} : memref<3x32x128xf32, #tpu.memory_space<vmem>>, vector<16xf32>,
        %get3A_1432 = arith.index_cast %rem3A_170 : i32 to index
        %get3A_1433 = arith.index_cast %add3A_1337 : i32 to index
        %get3A_1434 = arith.constant 16 : index
        %get3A_1435 = tpu.vector_load %arg13[%get3A_1432, %get3A_1433, %get3A_1434] {strides = array<i32>} : memref<3x32x128xf32, #tpu.memory_space<vmem>>, vector<16xf32>,
        %mul3A_1436 = arith.mulf %get3A_1427, %get3A_1431 : vector<16xf32>
        %mul3A_1437 = arith.mulf %mul3A_1436, %get3A_1435 : vector<16xf32>
        %add3A_1438 = arith.addf %add3A_1378, %mul3A_1437 : vector<16xf32>
        %get3A_1439 = arith.index_cast %rem3A_170 : i32 to index
        %get3A_1440 = arith.index_cast %add3A_1343 : i32 to index
        %get3A_1441 = arith.constant 16 : index
        %get3A_1442 = tpu.vector_load %arg11[%get3A_1439, %get3A_1440, %get3A_1441] {strides = array<i32>} : memref<3x32x128xf32, #tpu.memory_space<vmem>>, vector<16xf32>,
        %get3A_1443 = arith.index_cast %rem3A_170 : i32 to index
        %get3A_1444 = arith.index_cast %add3A_1343 : i32 to index
        %get3A_1445 = arith.constant 16 : index
        %get3A_1446 = tpu.vector_load %arg12[%get3A_1443, %get3A_1444, %get3A_1445] {strides = array<i32>} : memref<3x32x128xf32, #tpu.memory_space<vmem>>, vector<16xf32>,
        %get3A_1447 = arith.index_cast %rem3A_170 : i32 to index
        %get3A_1448 = arith.index_cast %add3A_1343 : i32 to index
        %get3A_1449 = arith.constant 16 : index
        %get3A_1450 = tpu.vector_load %arg13[%get3A_1447, %get3A_1448, %get3A_1449] {strides = array<i32>} : memref<3x32x128xf32, #tpu.memory_space<vmem>>, vector<16xf32>,
        %mul3A_1451 = arith.mulf %get3A_1442, %get3A_1446 : vector<16xf32>
        %mul3A_1452 = arith.mulf %mul3A_1451, %get3A_1450 : vector<16xf32>
        %add3A_1453 = arith.addf %add3A_1393, %mul3A_1452 : vector<16xf32>
        %get3A_1454 = arith.index_cast %rem3A_170 : i32 to index
        %get3A_1455 = arith.index_cast %add3A_1349 : i32 to index
        %get3A_1456 = arith.constant 16 : index
        %get3A_1457 = tpu.vector_load %arg11[%get3A_1454, %get3A_1455, %get3A_1456] {strides = array<i32>} : memref<3x32x128xf32, #tpu.memory_space<vmem>>, vector<16xf32>,
        %get3A_1458 = arith.index_cast %rem3A_170 : i32 to index
        %get3A_1459 = arith.index_cast %add3A_1349 : i32 to index
        %get3A_1460 = arith.constant 16 : index
        %get3A_1461 = tpu.vector_load %arg12[%get3A_1458, %get3A_1459, %get3A_1460] {strides = array<i32>} : memref<3x32x128xf32, #tpu.memory_space<vmem>>, vector<16xf32>,
        %get3A_1462 = arith.index_cast %rem3A_170 : i32 to index
        %get3A_1463 = arith.index_cast %add3A_1349 : i32 to index
        %get3A_1464 = arith.constant 16 : index
        %get3A_1465 = tpu.vector_load %arg13[%get3A_1462, %get3A_1463, %get3A_1464] {strides = array<i32>} : memref<3x32x128xf32, #tpu.memory_space<vmem>>, vector<16xf32>,
        %mul3A_1466 = arith.mulf %get3A_1457, %get3A_1461 : vector<16xf32>
        %mul3A_1467 = arith.mulf %mul3A_1466, %get3A_1465 : vector<16xf32>
        %add3A_1468 = arith.addf %add3A_1408, %mul3A_1467 : vector<16xf32>
        %get3A_1469 = arith.index_cast %rem3A_170 : i32 to index
        %get3A_1470 = arith.index_cast %add3A_1355 : i32 to index
        %get3A_1471 = arith.constant 16 : index
        %get3A_1472 = tpu.vector_load %arg11[%get3A_1469, %get3A_1470, %get3A_1471] {strides = array<i32>} : memref<3x32x128xf32, #tpu.memory_space<vmem>>, vector<16xf32>,
        %get3A_1473 = arith.index_cast %rem3A_170 : i32 to index
        %get3A_1474 = arith.index_cast %add3A_1355 : i32 to index
        %get3A_1475 = arith.constant 16 : index
        %get3A_1476 = tpu.vector_load %arg12[%get3A_1473, %get3A_1474, %get3A_1475] {strides = array<i32>} : memref<3x32x128xf32, #tpu.memory_space<vmem>>, vector<16xf32>,
        %get3A_1477 = arith.index_cast %rem3A_170 : i32 to index
        %get3A_1478 = arith.index_cast %add3A_1355 : i32 to index
        %get3A_1479 = arith.constant 16 : index
        %get3A_1480 = tpu.vector_load %arg13[%get3A_1477, %get3A_1478, %get3A_1479] {strides = array<i32>} : memref<3x32x128xf32, #tpu.memory_space<vmem>>, vector<16xf32>,
        %mul3A_1481 = arith.mulf %get3A_1472, %get3A_1476 : vector<16xf32>
        %mul3A_1482 = arith.mulf %mul3A_1481, %get3A_1480 : vector<16xf32>
        %add3A_1483 = arith.addf %add3A_1423, %mul3A_1482 : vector<16xf32>
        %get3A_1484 = arith.index_cast %rem3A_170 : i32 to index
        %get3A_1485 = arith.index_cast %add3A_1337 : i32 to index
        %get3A_1486 = arith.constant 32 : index
        %get3A_1487 = tpu.vector_load %arg11[%get3A_1484, %get3A_1485, %get3A_1486] {strides = array<i32>} : memref<3x32x128xf32, #tpu.memory_space<vmem>>, vector<16xf32>,
        %get3A_1488 = arith.index_cast %rem3A_170 : i32 to index
        %get3A_1489 = arith.index_cast %add3A_1337 : i32 to index
        %get3A_1490 = arith.constant 32 : index
        %get3A_1491 = tpu.vector_load %arg12[%get3A_1488, %get3A_1489, %get3A_1490] {strides = array<i32>} : memref<3x32x128xf32, #tpu.memory_space<vmem>>, vector<16xf32>,
        %get3A_1492 = arith.index_cast %rem3A_170 : i32 to index
        %get3A_1493 = arith.index_cast %add3A_1337 : i32 to index
        %get3A_1494 = arith.constant 32 : index
        %get3A_1495 = tpu.vector_load %arg13[%get3A_1492, %get3A_1493, %get3A_1494] {strides = array<i32>} : memref<3x32x128xf32, #tpu.memory_space<vmem>>, vector<16xf32>,
        %mul3A_1496 = arith.mulf %get3A_1487, %get3A_1491 : vector<16xf32>
        %mul3A_1497 = arith.mulf %mul3A_1496, %get3A_1495 : vector<16xf32>
        %add3A_1498 = arith.addf %add3A_1438, %mul3A_1497 : vector<16xf32>
        %get3A_1499 = arith.index_cast %rem3A_170 : i32 to index
        %get3A_1500 = arith.index_cast %add3A_1343 : i32 to index
        %get3A_1501 = arith.constant 32 : index
        %get3A_1502 = tpu.vector_load %arg11[%get3A_1499, %get3A_1500, %get3A_1501] {strides = array<i32>} : memref<3x32x128xf32, #tpu.memory_space<vmem>>, vector<16xf32>,
        %get3A_1503 = arith.index_cast %rem3A_170 : i32 to index
        %get3A_1504 = arith.index_cast %add3A_1343 : i32 to index
        %get3A_1505 = arith.constant 32 : index
        %get3A_1506 = tpu.vector_load %arg12[%get3A_1503, %get3A_1504, %get3A_1505] {strides = array<i32>} : memref<3x32x128xf32, #tpu.memory_space<vmem>>, vector<16xf32>,
        %get3A_1507 = arith.index_cast %rem3A_170 : i32 to index
        %get3A_1508 = arith.index_cast %add3A_1343 : i32 to index
        %get3A_1509 = arith.constant 32 : index
        %get3A_1510 = tpu.vector_load %arg13[%get3A_1507, %get3A_1508, %get3A_1509] {strides = array<i32>} : memref<3x32x128xf32, #tpu.memory_space<vmem>>, vector<16xf32>,
        %mul3A_1511 = arith.mulf %get3A_1502, %get3A_1506 : vector<16xf32>
        %mul3A_1512 = arith.mulf %mul3A_1511, %get3A_1510 : vector<16xf32>
        %add3A_1513 = arith.addf %add3A_1453, %mul3A_1512 : vector<16xf32>
        %get3A_1514 = arith.index_cast %rem3A_170 : i32 to index
        %get3A_1515 = arith.index_cast %add3A_1349 : i32 to index
        %get3A_1516 = arith.constant 32 : index
        %get3A_1517 = tpu.vector_load %arg11[%get3A_1514, %get3A_1515, %get3A_1516] {strides = array<i32>} : memref<3x32x128xf32, #tpu.memory_space<vmem>>, vector<16xf32>,
        %get3A_1518 = arith.index_cast %rem3A_170 : i32 to index
        %get3A_1519 = arith.index_cast %add3A_1349 : i32 to index
        %get3A_1520 = arith.constant 32 : index
        %get3A_1521 = tpu.vector_load %arg12[%get3A_1518, %get3A_1519, %get3A_1520] {strides = array<i32>} : memref<3x32x128xf32, #tpu.memory_space<vmem>>, vector<16xf32>,
        %get3A_1522 = arith.index_cast %rem3A_170 : i32 to index
        %get3A_1523 = arith.index_cast %add3A_1349 : i32 to index
        %get3A_1524 = arith.constant 32 : index
        %get3A_1525 = tpu.vector_load %arg13[%get3A_1522, %get3A_1523, %get3A_1524] {strides = array<i32>} : memref<3x32x128xf32, #tpu.memory_space<vmem>>, vector<16xf32>,
        %mul3A_1526 = arith.mulf %get3A_1517, %get3A_1521 : vector<16xf32>
        %mul3A_1527 = arith.mulf %mul3A_1526, %get3A_1525 : vector<16xf32>
        %add3A_1528 = arith.addf %add3A_1468, %mul3A_1527 : vector<16xf32>
        %get3A_1529 = arith.index_cast %rem3A_170 : i32 to index
        %get3A_1530 = arith.index_cast %add3A_1355 : i32 to index
        %get3A_1531 = arith.constant 32 : index
        %get3A_1532 = tpu.vector_load %arg11[%get3A_1529, %get3A_1530, %get3A_1531] {strides = array<i32>} : memref<3x32x128xf32, #tpu.memory_space<vmem>>, vector<16xf32>,
        %get3A_1533 = arith.index_cast %rem3A_170 : i32 to index
        %get3A_1534 = arith.index_cast %add3A_1355 : i32 to index
        %get3A_1535 = arith.constant 32 : index
        %get3A_1536 = tpu.vector_load %arg12[%get3A_1533, %get3A_1534, %get3A_1535] {strides = array<i32>} : memref<3x32x128xf32, #tpu.memory_space<vmem>>, vector<16xf32>,
        %get3A_1537 = arith.index_cast %rem3A_170 : i32 to index
        %get3A_1538 = arith.index_cast %add3A_1355 : i32 to index
        %get3A_1539 = arith.constant 32 : index
        %get3A_1540 = tpu.vector_load %arg13[%get3A_1537, %get3A_1538, %get3A_1539] {strides = array<i32>} : memref<3x32x128xf32, #tpu.memory_space<vmem>>, vector<16xf32>,
        %mul3A_1541 = arith.mulf %get3A_1532, %get3A_1536 : vector<16xf32>
        %mul3A_1542 = arith.mulf %mul3A_1541, %get3A_1540 : vector<16xf32>
        %add3A_1543 = arith.addf %add3A_1483, %mul3A_1542 : vector<16xf32>
        %get3A_1544 = arith.index_cast %rem3A_170 : i32 to index
        %get3A_1545 = arith.index_cast %add3A_1337 : i32 to index
        %get3A_1546 = arith.constant 48 : index
        %get3A_1547 = tpu.vector_load %arg11[%get3A_1544, %get3A_1545, %get3A_1546] {strides = array<i32>} : memref<3x32x128xf32, #tpu.memory_space<vmem>>, vector<16xf32>,
        %get3A_1548 = arith.index_cast %rem3A_170 : i32 to index
        %get3A_1549 = arith.index_cast %add3A_1337 : i32 to index
        %get3A_1550 = arith.constant 48 : index
        %get3A_1551 = tpu.vector_load %arg12[%get3A_1548, %get3A_1549, %get3A_1550] {strides = array<i32>} : memref<3x32x128xf32, #tpu.memory_space<vmem>>, vector<16xf32>,
        %get3A_1552 = arith.index_cast %rem3A_170 : i32 to index
        %get3A_1553 = arith.index_cast %add3A_1337 : i32 to index
        %get3A_1554 = arith.constant 48 : index
        %get3A_1555 = tpu.vector_load %arg13[%get3A_1552, %get3A_1553, %get3A_1554] {strides = array<i32>} : memref<3x32x128xf32, #tpu.memory_space<vmem>>, vector<16xf32>,
        %mul3A_1556 = arith.mulf %get3A_1547, %get3A_1551 : vector<16xf32>
        %mul3A_1557 = arith.mulf %mul3A_1556, %get3A_1555 : vector<16xf32>
        %add3A_1558 = arith.addf %add3A_1498, %mul3A_1557 : vector<16xf32>
        %get3A_1559 = arith.index_cast %rem3A_170 : i32 to index
        %get3A_1560 = arith.index_cast %add3A_1343 : i32 to index
        %get3A_1561 = arith.constant 48 : index
        %get3A_1562 = tpu.vector_load %arg11[%get3A_1559, %get3A_1560, %get3A_1561] {strides = array<i32>} : memref<3x32x128xf32, #tpu.memory_space<vmem>>, vector<16xf32>,
        %get3A_1563 = arith.index_cast %rem3A_170 : i32 to index
        %get3A_1564 = arith.index_cast %add3A_1343 : i32 to index
        %get3A_1565 = arith.constant 48 : index
        %get3A_1566 = tpu.vector_load %arg12[%get3A_1563, %get3A_1564, %get3A_1565] {strides = array<i32>} : memref<3x32x128xf32, #tpu.memory_space<vmem>>, vector<16xf32>,
        %get3A_1567 = arith.index_cast %rem3A_170 : i32 to index
        %get3A_1568 = arith.index_cast %add3A_1343 : i32 to index
        %get3A_1569 = arith.constant 48 : index
        %get3A_1570 = tpu.vector_load %arg13[%get3A_1567, %get3A_1568, %get3A_1569] {strides = array<i32>} : memref<3x32x128xf32, #tpu.memory_space<vmem>>, vector<16xf32>,
        %mul3A_1571 = arith.mulf %get3A_1562, %get3A_1566 : vector<16xf32>
        %mul3A_1572 = arith.mulf %mul3A_1571, %get3A_1570 : vector<16xf32>
        %add3A_1573 = arith.addf %add3A_1513, %mul3A_1572 : vector<16xf32>
        %get3A_1574 = arith.index_cast %rem3A_170 : i32 to index
        %get3A_1575 = arith.index_cast %add3A_1349 : i32 to index
        %get3A_1576 = arith.constant 48 : index
        %get3A_1577 = tpu.vector_load %arg11[%get3A_1574, %get3A_1575, %get3A_1576] {strides = array<i32>} : memref<3x32x128xf32, #tpu.memory_space<vmem>>, vector<16xf32>,
        %get3A_1578 = arith.index_cast %rem3A_170 : i32 to index
        %get3A_1579 = arith.index_cast %add3A_1349 : i32 to index
        %get3A_1580 = arith.constant 48 : index
        %get3A_1581 = tpu.vector_load %arg12[%get3A_1578, %get3A_1579, %get3A_1580] {strides = array<i32>} : memref<3x32x128xf32, #tpu.memory_space<vmem>>, vector<16xf32>,
        %get3A_1582 = arith.index_cast %rem3A_170 : i32 to index
        %get3A_1583 = arith.index_cast %add3A_1349 : i32 to index
        %get3A_1584 = arith.constant 48 : index
        %get3A_1585 = tpu.vector_load %arg13[%get3A_1582, %get3A_1583, %get3A_1584] {strides = array<i32>} : memref<3x32x128xf32, #tpu.memory_space<vmem>>, vector<16xf32>,
        %mul3A_1586 = arith.mulf %get3A_1577, %get3A_1581 : vector<16xf32>
        %mul3A_1587 = arith.mulf %mul3A_1586, %get3A_1585 : vector<16xf32>
        %add3A_1588 = arith.addf %add3A_1528, %mul3A_1587 : vector<16xf32>
        %get3A_1589 = arith.index_cast %rem3A_170 : i32 to index
        %get3A_1590 = arith.index_cast %add3A_1355 : i32 to index
        %get3A_1591 = arith.constant 48 : index
        %get3A_1592 = tpu.vector_load %arg11[%get3A_1589, %get3A_1590, %get3A_1591] {strides = array<i32>} : memref<3x32x128xf32, #tpu.memory_space<vmem>>, vector<16xf32>,
        %get3A_1593 = arith.index_cast %rem3A_170 : i32 to index
        %get3A_1594 = arith.index_cast %add3A_1355 : i32 to index
        %get3A_1595 = arith.constant 48 : index
        %get3A_1596 = tpu.vector_load %arg12[%get3A_1593, %get3A_1594, %get3A_1595] {strides = array<i32>} : memref<3x32x128xf32, #tpu.memory_space<vmem>>, vector<16xf32>,
        %get3A_1597 = arith.index_cast %rem3A_170 : i32 to index
        %get3A_1598 = arith.index_cast %add3A_1355 : i32 to index
        %get3A_1599 = arith.constant 48 : index
        %get3A_1600 = tpu.vector_load %arg13[%get3A_1597, %get3A_1598, %get3A_1599] {strides = array<i32>} : memref<3x32x128xf32, #tpu.memory_space<vmem>>, vector<16xf32>,
        %mul3A_1601 = arith.mulf %get3A_1592, %get3A_1596 : vector<16xf32>
        %mul3A_1602 = arith.mulf %mul3A_1601, %get3A_1600 : vector<16xf32>
        %add3A_1603 = arith.addf %add3A_1543, %mul3A_1602 : vector<16xf32>
        %get3A_1604 = arith.index_cast %rem3A_170 : i32 to index
        %get3A_1605 = arith.index_cast %add3A_1337 : i32 to index
        %get3A_1606 = arith.constant 64 : index
        %get3A_1607 = tpu.vector_load %arg11[%get3A_1604, %get3A_1605, %get3A_1606] {strides = array<i32>} : memref<3x32x128xf32, #tpu.memory_space<vmem>>, vector<16xf32>,
        %get3A_1608 = arith.index_cast %rem3A_170 : i32 to index
        %get3A_1609 = arith.index_cast %add3A_1337 : i32 to index
        %get3A_1610 = arith.constant 64 : index
        %get3A_1611 = tpu.vector_load %arg12[%get3A_1608, %get3A_1609, %get3A_1610] {strides = array<i32>} : memref<3x32x128xf32, #tpu.memory_space<vmem>>, vector<16xf32>,
        %get3A_1612 = arith.index_cast %rem3A_170 : i32 to index
        %get3A_1613 = arith.index_cast %add3A_1337 : i32 to index
        %get3A_1614 = arith.constant 64 : index
        %get3A_1615 = tpu.vector_load %arg13[%get3A_1612, %get3A_1613, %get3A_1614] {strides = array<i32>} : memref<3x32x128xf32, #tpu.memory_space<vmem>>, vector<16xf32>,
        %mul3A_1616 = arith.mulf %get3A_1607, %get3A_1611 : vector<16xf32>
        %mul3A_1617 = arith.mulf %mul3A_1616, %get3A_1615 : vector<16xf32>
        %add3A_1618 = arith.addf %add3A_1558, %mul3A_1617 : vector<16xf32>
        %get3A_1619 = arith.index_cast %rem3A_170 : i32 to index
        %get3A_1620 = arith.index_cast %add3A_1343 : i32 to index
        %get3A_1621 = arith.constant 64 : index
        %get3A_1622 = tpu.vector_load %arg11[%get3A_1619, %get3A_1620, %get3A_1621] {strides = array<i32>} : memref<3x32x128xf32, #tpu.memory_space<vmem>>, vector<16xf32>,
        %get3A_1623 = arith.index_cast %rem3A_170 : i32 to index
        %get3A_1624 = arith.index_cast %add3A_1343 : i32 to index
        %get3A_1625 = arith.constant 64 : index
        %get3A_1626 = tpu.vector_load %arg12[%get3A_1623, %get3A_1624, %get3A_1625] {strides = array<i32>} : memref<3x32x128xf32, #tpu.memory_space<vmem>>, vector<16xf32>,
        %get3A_1627 = arith.index_cast %rem3A_170 : i32 to index
        %get3A_1628 = arith.index_cast %add3A_1343 : i32 to index
        %get3A_1629 = arith.constant 64 : index
        %get3A_1630 = tpu.vector_load %arg13[%get3A_1627, %get3A_1628, %get3A_1629] {strides = array<i32>} : memref<3x32x128xf32, #tpu.memory_space<vmem>>, vector<16xf32>,
        %mul3A_1631 = arith.mulf %get3A_1622, %get3A_1626 : vector<16xf32>
        %mul3A_1632 = arith.mulf %mul3A_1631, %get3A_1630 : vector<16xf32>
        %add3A_1633 = arith.addf %add3A_1573, %mul3A_1632 : vector<16xf32>
        %get3A_1634 = arith.index_cast %rem3A_170 : i32 to index
        %get3A_1635 = arith.index_cast %add3A_1349 : i32 to index
        %get3A_1636 = arith.constant 64 : index
        %get3A_1637 = tpu.vector_load %arg11[%get3A_1634, %get3A_1635, %get3A_1636] {strides = array<i32>} : memref<3x32x128xf32, #tpu.memory_space<vmem>>, vector<16xf32>,
        %get3A_1638 = arith.index_cast %rem3A_170 : i32 to index
        %get3A_1639 = arith.index_cast %add3A_1349 : i32 to index
        %get3A_1640 = arith.constant 64 : index
        %get3A_1641 = tpu.vector_load %arg12[%get3A_1638, %get3A_1639, %get3A_1640] {strides = array<i32>} : memref<3x32x128xf32, #tpu.memory_space<vmem>>, vector<16xf32>,
        %get3A_1642 = arith.index_cast %rem3A_170 : i32 to index
        %get3A_1643 = arith.index_cast %add3A_1349 : i32 to index
        %get3A_1644 = arith.constant 64 : index
        %get3A_1645 = tpu.vector_load %arg13[%get3A_1642, %get3A_1643, %get3A_1644] {strides = array<i32>} : memref<3x32x128xf32, #tpu.memory_space<vmem>>, vector<16xf32>,
        %mul3A_1646 = arith.mulf %get3A_1637, %get3A_1641 : vector<16xf32>
        %mul3A_1647 = arith.mulf %mul3A_1646, %get3A_1645 : vector<16xf32>
        %add3A_1648 = arith.addf %add3A_1588, %mul3A_1647 : vector<16xf32>
        %get3A_1649 = arith.index_cast %rem3A_170 : i32 to index
        %get3A_1650 = arith.index_cast %add3A_1355 : i32 to index
        %get3A_1651 = arith.constant 64 : index
        %get3A_1652 = tpu.vector_load %arg11[%get3A_1649, %get3A_1650, %get3A_1651] {strides = array<i32>} : memref<3x32x128xf32, #tpu.memory_space<vmem>>, vector<16xf32>,
        %get3A_1653 = arith.index_cast %rem3A_170 : i32 to index
        %get3A_1654 = arith.index_cast %add3A_1355 : i32 to index
        %get3A_1655 = arith.constant 64 : index
        %get3A_1656 = tpu.vector_load %arg12[%get3A_1653, %get3A_1654, %get3A_1655] {strides = array<i32>} : memref<3x32x128xf32, #tpu.memory_space<vmem>>, vector<16xf32>,
        %get3A_1657 = arith.index_cast %rem3A_170 : i32 to index
        %get3A_1658 = arith.index_cast %add3A_1355 : i32 to index
        %get3A_1659 = arith.constant 64 : index
        %get3A_1660 = tpu.vector_load %arg13[%get3A_1657, %get3A_1658, %get3A_1659] {strides = array<i32>} : memref<3x32x128xf32, #tpu.memory_space<vmem>>, vector<16xf32>,
        %mul3A_1661 = arith.mulf %get3A_1652, %get3A_1656 : vector<16xf32>
        %mul3A_1662 = arith.mulf %mul3A_1661, %get3A_1660 : vector<16xf32>
        %add3A_1663 = arith.addf %add3A_1603, %mul3A_1662 : vector<16xf32>
        %get3A_1664 = arith.index_cast %rem3A_170 : i32 to index
        %get3A_1665 = arith.index_cast %add3A_1337 : i32 to index
        %get3A_1666 = arith.constant 80 : index
        %get3A_1667 = tpu.vector_load %arg11[%get3A_1664, %get3A_1665, %get3A_1666] {strides = array<i32>} : memref<3x32x128xf32, #tpu.memory_space<vmem>>, vector<16xf32>,
        %get3A_1668 = arith.index_cast %rem3A_170 : i32 to index
        %get3A_1669 = arith.index_cast %add3A_1337 : i32 to index
        %get3A_1670 = arith.constant 80 : index
        %get3A_1671 = tpu.vector_load %arg12[%get3A_1668, %get3A_1669, %get3A_1670] {strides = array<i32>} : memref<3x32x128xf32, #tpu.memory_space<vmem>>, vector<16xf32>,
        %get3A_1672 = arith.index_cast %rem3A_170 : i32 to index
        %get3A_1673 = arith.index_cast %add3A_1337 : i32 to index
        %get3A_1674 = arith.constant 80 : index
        %get3A_1675 = tpu.vector_load %arg13[%get3A_1672, %get3A_1673, %get3A_1674] {strides = array<i32>} : memref<3x32x128xf32, #tpu.memory_space<vmem>>, vector<16xf32>,
        %mul3A_1676 = arith.mulf %get3A_1667, %get3A_1671 : vector<16xf32>
        %mul3A_1677 = arith.mulf %mul3A_1676, %get3A_1675 : vector<16xf32>
        %add3A_1678 = arith.addf %add3A_1618, %mul3A_1677 : vector<16xf32>
        %get3A_1679 = arith.index_cast %rem3A_170 : i32 to index
        %get3A_1680 = arith.index_cast %add3A_1343 : i32 to index
        %get3A_1681 = arith.constant 80 : index
        %get3A_1682 = tpu.vector_load %arg11[%get3A_1679, %get3A_1680, %get3A_1681] {strides = array<i32>} : memref<3x32x128xf32, #tpu.memory_space<vmem>>, vector<16xf32>,
        %get3A_1683 = arith.index_cast %rem3A_170 : i32 to index
        %get3A_1684 = arith.index_cast %add3A_1343 : i32 to index
        %get3A_1685 = arith.constant 80 : index
        %get3A_1686 = tpu.vector_load %arg12[%get3A_1683, %get3A_1684, %get3A_1685] {strides = array<i32>} : memref<3x32x128xf32, #tpu.memory_space<vmem>>, vector<16xf32>,
        %get3A_1687 = arith.index_cast %rem3A_170 : i32 to index
        %get3A_1688 = arith.index_cast %add3A_1343 : i32 to index
        %get3A_1689 = arith.constant 80 : index
        %get3A_1690 = tpu.vector_load %arg13[%get3A_1687, %get3A_1688, %get3A_1689] {strides = array<i32>} : memref<3x32x128xf32, #tpu.memory_space<vmem>>, vector<16xf32>,
        %mul3A_1691 = arith.mulf %get3A_1682, %get3A_1686 : vector<16xf32>
        %mul3A_1692 = arith.mulf %mul3A_1691, %get3A_1690 : vector<16xf32>
        %add3A_1693 = arith.addf %add3A_1633, %mul3A_1692 : vector<16xf32>
        %get3A_1694 = arith.index_cast %rem3A_170 : i32 to index
        %get3A_1695 = arith.index_cast %add3A_1349 : i32 to index
        %get3A_1696 = arith.constant 80 : index
        %get3A_1697 = tpu.vector_load %arg11[%get3A_1694, %get3A_1695, %get3A_1696] {strides = array<i32>} : memref<3x32x128xf32, #tpu.memory_space<vmem>>, vector<16xf32>,
        %get3A_1698 = arith.index_cast %rem3A_170 : i32 to index
        %get3A_1699 = arith.index_cast %add3A_1349 : i32 to index
        %get3A_1700 = arith.constant 80 : index
        %get3A_1701 = tpu.vector_load %arg12[%get3A_1698, %get3A_1699, %get3A_1700] {strides = array<i32>} : memref<3x32x128xf32, #tpu.memory_space<vmem>>, vector<16xf32>,
        %get3A_1702 = arith.index_cast %rem3A_170 : i32 to index
        %get3A_1703 = arith.index_cast %add3A_1349 : i32 to index
        %get3A_1704 = arith.constant 80 : index
        %get3A_1705 = tpu.vector_load %arg13[%get3A_1702, %get3A_1703, %get3A_1704] {strides = array<i32>} : memref<3x32x128xf32, #tpu.memory_space<vmem>>, vector<16xf32>,
        %mul3A_1706 = arith.mulf %get3A_1697, %get3A_1701 : vector<16xf32>
        %mul3A_1707 = arith.mulf %mul3A_1706, %get3A_1705 : vector<16xf32>
        %add3A_1708 = arith.addf %add3A_1648, %mul3A_1707 : vector<16xf32>
        %get3A_1709 = arith.index_cast %rem3A_170 : i32 to index
        %get3A_1710 = arith.index_cast %add3A_1355 : i32 to index
        %get3A_1711 = arith.constant 80 : index
        %get3A_1712 = tpu.vector_load %arg11[%get3A_1709, %get3A_1710, %get3A_1711] {strides = array<i32>} : memref<3x32x128xf32, #tpu.memory_space<vmem>>, vector<16xf32>,
        %get3A_1713 = arith.index_cast %rem3A_170 : i32 to index
        %get3A_1714 = arith.index_cast %add3A_1355 : i32 to index
        %get3A_1715 = arith.constant 80 : index
        %get3A_1716 = tpu.vector_load %arg12[%get3A_1713, %get3A_1714, %get3A_1715] {strides = array<i32>} : memref<3x32x128xf32, #tpu.memory_space<vmem>>, vector<16xf32>,
        %get3A_1717 = arith.index_cast %rem3A_170 : i32 to index
        %get3A_1718 = arith.index_cast %add3A_1355 : i32 to index
        %get3A_1719 = arith.constant 80 : index
        %get3A_1720 = tpu.vector_load %arg13[%get3A_1717, %get3A_1718, %get3A_1719] {strides = array<i32>} : memref<3x32x128xf32, #tpu.memory_space<vmem>>, vector<16xf32>,
        %mul3A_1721 = arith.mulf %get3A_1712, %get3A_1716 : vector<16xf32>
        %mul3A_1722 = arith.mulf %mul3A_1721, %get3A_1720 : vector<16xf32>
        %add3A_1723 = arith.addf %add3A_1663, %mul3A_1722 : vector<16xf32>
        %get3A_1724 = arith.index_cast %rem3A_170 : i32 to index
        %get3A_1725 = arith.index_cast %add3A_1337 : i32 to index
        %get3A_1726 = arith.constant 96 : index
        %get3A_1727 = tpu.vector_load %arg11[%get3A_1724, %get3A_1725, %get3A_1726] {strides = array<i32>} : memref<3x32x128xf32, #tpu.memory_space<vmem>>, vector<16xf32>,
        %get3A_1728 = arith.index_cast %rem3A_170 : i32 to index
        %get3A_1729 = arith.index_cast %add3A_1337 : i32 to index
        %get3A_1730 = arith.constant 96 : index
        %get3A_1731 = tpu.vector_load %arg12[%get3A_1728, %get3A_1729, %get3A_1730] {strides = array<i32>} : memref<3x32x128xf32, #tpu.memory_space<vmem>>, vector<16xf32>,
        %get3A_1732 = arith.index_cast %rem3A_170 : i32 to index
        %get3A_1733 = arith.index_cast %add3A_1337 : i32 to index
        %get3A_1734 = arith.constant 96 : index
        %get3A_1735 = tpu.vector_load %arg13[%get3A_1732, %get3A_1733, %get3A_1734] {strides = array<i32>} : memref<3x32x128xf32, #tpu.memory_space<vmem>>, vector<16xf32>,
        %mul3A_1736 = arith.mulf %get3A_1727, %get3A_1731 : vector<16xf32>
        %mul3A_1737 = arith.mulf %mul3A_1736, %get3A_1735 : vector<16xf32>
        %add3A_1738 = arith.addf %add3A_1678, %mul3A_1737 : vector<16xf32>
        %get3A_1739 = arith.index_cast %rem3A_170 : i32 to index
        %get3A_1740 = arith.index_cast %add3A_1343 : i32 to index
        %get3A_1741 = arith.constant 96 : index
        %get3A_1742 = tpu.vector_load %arg11[%get3A_1739, %get3A_1740, %get3A_1741] {strides = array<i32>} : memref<3x32x128xf32, #tpu.memory_space<vmem>>, vector<16xf32>,
        %get3A_1743 = arith.index_cast %rem3A_170 : i32 to index
        %get3A_1744 = arith.index_cast %add3A_1343 : i32 to index
        %get3A_1745 = arith.constant 96 : index
        %get3A_1746 = tpu.vector_load %arg12[%get3A_1743, %get3A_1744, %get3A_1745] {strides = array<i32>} : memref<3x32x128xf32, #tpu.memory_space<vmem>>, vector<16xf32>,
        %get3A_1747 = arith.index_cast %rem3A_170 : i32 to index
        %get3A_1748 = arith.index_cast %add3A_1343 : i32 to index
        %get3A_1749 = arith.constant 96 : index
        %get3A_1750 = tpu.vector_load %arg13[%get3A_1747, %get3A_1748, %get3A_1749] {strides = array<i32>} : memref<3x32x128xf32, #tpu.memory_space<vmem>>, vector<16xf32>,
        %mul3A_1751 = arith.mulf %get3A_1742, %get3A_1746 : vector<16xf32>
        %mul3A_1752 = arith.mulf %mul3A_1751, %get3A_1750 : vector<16xf32>
        %add3A_1753 = arith.addf %add3A_1693, %mul3A_1752 : vector<16xf32>
        %get3A_1754 = arith.index_cast %rem3A_170 : i32 to index
        %get3A_1755 = arith.index_cast %add3A_1349 : i32 to index
        %get3A_1756 = arith.constant 96 : index
        %get3A_1757 = tpu.vector_load %arg11[%get3A_1754, %get3A_1755, %get3A_1756] {strides = array<i32>} : memref<3x32x128xf32, #tpu.memory_space<vmem>>, vector<16xf32>,
        %get3A_1758 = arith.index_cast %rem3A_170 : i32 to index
        %get3A_1759 = arith.index_cast %add3A_1349 : i32 to index
        %get3A_1760 = arith.constant 96 : index
        %get3A_1761 = tpu.vector_load %arg12[%get3A_1758, %get3A_1759, %get3A_1760] {strides = array<i32>} : memref<3x32x128xf32, #tpu.memory_space<vmem>>, vector<16xf32>,
        %get3A_1762 = arith.index_cast %rem3A_170 : i32 to index
        %get3A_1763 = arith.index_cast %add3A_1349 : i32 to index
        %get3A_1764 = arith.constant 96 : index
        %get3A_1765 = tpu.vector_load %arg13[%get3A_1762, %get3A_1763, %get3A_1764] {strides = array<i32>} : memref<3x32x128xf32, #tpu.memory_space<vmem>>, vector<16xf32>,
        %mul3A_1766 = arith.mulf %get3A_1757, %get3A_1761 : vector<16xf32>
        %mul3A_1767 = arith.mulf %mul3A_1766, %get3A_1765 : vector<16xf32>
        %add3A_1768 = arith.addf %add3A_1708, %mul3A_1767 : vector<16xf32>
        %get3A_1769 = arith.index_cast %rem3A_170 : i32 to index
        %get3A_1770 = arith.index_cast %add3A_1355 : i32 to index
        %get3A_1771 = arith.constant 96 : index
        %get3A_1772 = tpu.vector_load %arg11[%get3A_1769, %get3A_1770, %get3A_1771] {strides = array<i32>} : memref<3x32x128xf32, #tpu.memory_space<vmem>>, vector<16xf32>,
        %get3A_1773 = arith.index_cast %rem3A_170 : i32 to index
        %get3A_1774 = arith.index_cast %add3A_1355 : i32 to index
        %get3A_1775 = arith.constant 96 : index
        %get3A_1776 = tpu.vector_load %arg12[%get3A_1773, %get3A_1774, %get3A_1775] {strides = array<i32>} : memref<3x32x128xf32, #tpu.memory_space<vmem>>, vector<16xf32>,
        %get3A_1777 = arith.index_cast %rem3A_170 : i32 to index
        %get3A_1778 = arith.index_cast %add3A_1355 : i32 to index
        %get3A_1779 = arith.constant 96 : index
        %get3A_1780 = tpu.vector_load %arg13[%get3A_1777, %get3A_1778, %get3A_1779] {strides = array<i32>} : memref<3x32x128xf32, #tpu.memory_space<vmem>>, vector<16xf32>,
        %mul3A_1781 = arith.mulf %get3A_1772, %get3A_1776 : vector<16xf32>
        %mul3A_1782 = arith.mulf %mul3A_1781, %get3A_1780 : vector<16xf32>
        %add3A_1783 = arith.addf %add3A_1723, %mul3A_1782 : vector<16xf32>
        %get3A_1784 = arith.index_cast %rem3A_170 : i32 to index
        %get3A_1785 = arith.index_cast %add3A_1337 : i32 to index
        %get3A_1786 = arith.constant 112 : index
        %get3A_1787 = tpu.vector_load %arg11[%get3A_1784, %get3A_1785, %get3A_1786] {strides = array<i32>} : memref<3x32x128xf32, #tpu.memory_space<vmem>>, vector<16xf32>,
        %get3A_1788 = arith.index_cast %rem3A_170 : i32 to index
        %get3A_1789 = arith.index_cast %add3A_1337 : i32 to index
        %get3A_1790 = arith.constant 112 : index
        %get3A_1791 = tpu.vector_load %arg12[%get3A_1788, %get3A_1789, %get3A_1790] {strides = array<i32>} : memref<3x32x128xf32, #tpu.memory_space<vmem>>, vector<16xf32>,
        %get3A_1792 = arith.index_cast %rem3A_170 : i32 to index
        %get3A_1793 = arith.index_cast %add3A_1337 : i32 to index
        %get3A_1794 = arith.constant 112 : index
        %get3A_1795 = tpu.vector_load %arg13[%get3A_1792, %get3A_1793, %get3A_1794] {strides = array<i32>} : memref<3x32x128xf32, #tpu.memory_space<vmem>>, vector<16xf32>,
        %mul3A_1796 = arith.mulf %get3A_1787, %get3A_1791 : vector<16xf32>
        %mul3A_1797 = arith.mulf %mul3A_1796, %get3A_1795 : vector<16xf32>
        %add3A_1798 = arith.addf %add3A_1738, %mul3A_1797 : vector<16xf32>
        %get3A_1799 = arith.index_cast %rem3A_170 : i32 to index
        %get3A_1800 = arith.index_cast %add3A_1343 : i32 to index
        %get3A_1801 = arith.constant 112 : index
        %get3A_1802 = tpu.vector_load %arg11[%get3A_1799, %get3A_1800, %get3A_1801] {strides = array<i32>} : memref<3x32x128xf32, #tpu.memory_space<vmem>>, vector<16xf32>,
        %get3A_1803 = arith.index_cast %rem3A_170 : i32 to index
        %get3A_1804 = arith.index_cast %add3A_1343 : i32 to index
        %get3A_1805 = arith.constant 112 : index
        %get3A_1806 = tpu.vector_load %arg12[%get3A_1803, %get3A_1804, %get3A_1805] {strides = array<i32>} : memref<3x32x128xf32, #tpu.memory_space<vmem>>, vector<16xf32>,
        %get3A_1807 = arith.index_cast %rem3A_170 : i32 to index
        %get3A_1808 = arith.index_cast %add3A_1343 : i32 to index
        %get3A_1809 = arith.constant 112 : index
        %get3A_1810 = tpu.vector_load %arg13[%get3A_1807, %get3A_1808, %get3A_1809] {strides = array<i32>} : memref<3x32x128xf32, #tpu.memory_space<vmem>>, vector<16xf32>,
        %mul3A_1811 = arith.mulf %get3A_1802, %get3A_1806 : vector<16xf32>
        %mul3A_1812 = arith.mulf %mul3A_1811, %get3A_1810 : vector<16xf32>
        %add3A_1813 = arith.addf %add3A_1753, %mul3A_1812 : vector<16xf32>
        %get3A_1814 = arith.index_cast %rem3A_170 : i32 to index
        %get3A_1815 = arith.index_cast %add3A_1349 : i32 to index
        %get3A_1816 = arith.constant 112 : index
        %get3A_1817 = tpu.vector_load %arg11[%get3A_1814, %get3A_1815, %get3A_1816] {strides = array<i32>} : memref<3x32x128xf32, #tpu.memory_space<vmem>>, vector<16xf32>,
        %get3A_1818 = arith.index_cast %rem3A_170 : i32 to index
        %get3A_1819 = arith.index_cast %add3A_1349 : i32 to index
        %get3A_1820 = arith.constant 112 : index
        %get3A_1821 = tpu.vector_load %arg12[%get3A_1818, %get3A_1819, %get3A_1820] {strides = array<i32>} : memref<3x32x128xf32, #tpu.memory_space<vmem>>, vector<16xf32>,
        %get3A_1822 = arith.index_cast %rem3A_170 : i32 to index
        %get3A_1823 = arith.index_cast %add3A_1349 : i32 to index
        %get3A_1824 = arith.constant 112 : index
        %get3A_1825 = tpu.vector_load %arg13[%get3A_1822, %get3A_1823, %get3A_1824] {strides = array<i32>} : memref<3x32x128xf32, #tpu.memory_space<vmem>>, vector<16xf32>,
        %mul3A_1826 = arith.mulf %get3A_1817, %get3A_1821 : vector<16xf32>
        %mul3A_1827 = arith.mulf %mul3A_1826, %get3A_1825 : vector<16xf32>
        %add3A_1828 = arith.addf %add3A_1768, %mul3A_1827 : vector<16xf32>
        %get3A_1829 = arith.index_cast %rem3A_170 : i32 to index
        %get3A_1830 = arith.index_cast %add3A_1355 : i32 to index
        %get3A_1831 = arith.constant 112 : index
        %get3A_1832 = tpu.vector_load %arg11[%get3A_1829, %get3A_1830, %get3A_1831] {strides = array<i32>} : memref<3x32x128xf32, #tpu.memory_space<vmem>>, vector<16xf32>,
        %get3A_1833 = arith.index_cast %rem3A_170 : i32 to index
        %get3A_1834 = arith.index_cast %add3A_1355 : i32 to index
        %get3A_1835 = arith.constant 112 : index
        %get3A_1836 = tpu.vector_load %arg12[%get3A_1833, %get3A_1834, %get3A_1835] {strides = array<i32>} : memref<3x32x128xf32, #tpu.memory_space<vmem>>, vector<16xf32>,
        %get3A_1837 = arith.index_cast %rem3A_170 : i32 to index
        %get3A_1838 = arith.index_cast %add3A_1355 : i32 to index
        %get3A_1839 = arith.constant 112 : index
        %get3A_1840 = tpu.vector_load %arg13[%get3A_1837, %get3A_1838, %get3A_1839] {strides = array<i32>} : memref<3x32x128xf32, #tpu.memory_space<vmem>>, vector<16xf32>,
        %mul3A_1841 = arith.mulf %get3A_1832, %get3A_1836 : vector<16xf32>
        %mul3A_1842 = arith.mulf %mul3A_1841, %get3A_1840 : vector<16xf32>
        %add3A_1843 = arith.addf %add3A_1783, %mul3A_1842 : vector<16xf32>
        %mul3A_1844 = arith.constant 16 : i32
        %mul3A_1845 = vector.broadcast %mul3A_1844 : i32 to vector<16xi32>
        %mul3A_1846 = arith.muli %iota3A, %mul3A_1845 : vector<16xi32>
        %add3A_1847 = arith.constant 8 : i32
        %add3A_1848 = vector.broadcast %add3A_1847 : i32 to vector<16xi32>
        %add3A_1849 = arith.addi %mul3A_1846, %add3A_1848 : vector<16xi32>
        tpu.vector_store_idx %arg16[%add3A_1849], %add3A_1798 : memref<256xf32, #tpu.memory_space<vmem>>[vector<16xi32>], vector<16xf32>,
        %mul3A_1850 = arith.constant 16 : i32
        %mul3A_1851 = vector.broadcast %mul3A_1850 : i32 to vector<16xi32>
        %mul3A_1852 = arith.muli %iota3A, %mul3A_1851 : vector<16xi32>
        %add3A_1853 = arith.constant 9 : i32
        %add3A_1854 = vector.broadcast %add3A_1853 : i32 to vector<16xi32>
        %add3A_1855 = arith.addi %mul3A_1852, %add3A_1854 : vector<16xi32>
        tpu.vector_store_idx %arg16[%add3A_1855], %add3A_1813 : memref<256xf32, #tpu.memory_space<vmem>>[vector<16xi32>], vector<16xf32>,
        %mul3A_1856 = arith.constant 16 : i32
        %mul3A_1857 = vector.broadcast %mul3A_1856 : i32 to vector<16xi32>
        %mul3A_1858 = arith.muli %iota3A, %mul3A_1857 : vector<16xi32>
        %add3A_1859 = arith.constant 10 : i32
        %add3A_1860 = vector.broadcast %add3A_1859 : i32 to vector<16xi32>
        %add3A_1861 = arith.addi %mul3A_1858, %add3A_1860 : vector<16xi32>
        tpu.vector_store_idx %arg16[%add3A_1861], %add3A_1828 : memref<256xf32, #tpu.memory_space<vmem>>[vector<16xi32>], vector<16xf32>,
        %mul3A_1862 = arith.constant 16 : i32
        %mul3A_1863 = vector.broadcast %mul3A_1862 : i32 to vector<16xi32>
        %mul3A_1864 = arith.muli %iota3A, %mul3A_1863 : vector<16xi32>
        %add3A_1865 = arith.constant 11 : i32
        %add3A_1866 = vector.broadcast %add3A_1865 : i32 to vector<16xi32>
        %add3A_1867 = arith.addi %mul3A_1864, %add3A_1866 : vector<16xi32>
        tpu.vector_store_idx %arg16[%add3A_1867], %add3A_1843 : memref<256xf32, #tpu.memory_space<vmem>>[vector<16xi32>], vector<16xf32>,
        %mul3A_1868 = arith.constant 16 : i32
        %mul3A_1869 = arith.muli %add3A_261, %mul3A_1868 : i32
        %add3A_1870 = arith.constant 12 : i32
        %add3A_1871 = arith.addi %mul3A_1869, %add3A_1870 : i32
        %add3A_1872 = arith.constant 0 : i32
        %add3A_1873 = arith.addi %add3A_1871, %add3A_1872 : i32
        %mul3A_1874 = arith.constant 16 : i32
        %mul3A_1875 = arith.muli %add3A_261, %mul3A_1874 : i32
        %add3A_1876 = arith.constant 12 : i32
        %add3A_1877 = arith.addi %mul3A_1875, %add3A_1876 : i32
        %add3A_1878 = arith.constant 1 : i32
        %add3A_1879 = arith.addi %add3A_1877, %add3A_1878 : i32
        %mul3A_1880 = arith.constant 16 : i32
        %mul3A_1881 = arith.muli %add3A_261, %mul3A_1880 : i32
        %add3A_1882 = arith.constant 12 : i32
        %add3A_1883 = arith.addi %mul3A_1881, %add3A_1882 : i32
        %add3A_1884 = arith.constant 2 : i32
        %add3A_1885 = arith.addi %add3A_1883, %add3A_1884 : i32
        %mul3A_1886 = arith.constant 16 : i32
        %mul3A_1887 = arith.muli %add3A_261, %mul3A_1886 : i32
        %add3A_1888 = arith.constant 12 : i32
        %add3A_1889 = arith.addi %mul3A_1887, %add3A_1888 : i32
        %add3A_1890 = arith.constant 3 : i32
        %add3A_1891 = arith.addi %add3A_1889, %add3A_1890 : i32
        %broadcast_in_dim3A_1892 = arith.constant 0.000000e+00 : f32
        %broadcast_in_dim3A_1893 = vector.broadcast %broadcast_in_dim3A_1892 : f32 to vector<16xf32>
        %broadcast_in_dim3A_1894 = arith.constant 0.000000e+00 : f32
        %broadcast_in_dim3A_1895 = vector.broadcast %broadcast_in_dim3A_1894 : f32 to vector<16xf32>
        %broadcast_in_dim3A_1896 = arith.constant 0.000000e+00 : f32
        %broadcast_in_dim3A_1897 = vector.broadcast %broadcast_in_dim3A_1896 : f32 to vector<16xf32>
        %broadcast_in_dim3A_1898 = arith.constant 0.000000e+00 : f32
        %broadcast_in_dim3A_1899 = vector.broadcast %broadcast_in_dim3A_1898 : f32 to vector<16xf32>
        %get3A_1900 = arith.index_cast %rem3A_170 : i32 to index
        %get3A_1901 = arith.index_cast %add3A_1873 : i32 to index
        %get3A_1902 = arith.constant 0 : index
        %get3A_1903 = tpu.vector_load %arg11[%get3A_1900, %get3A_1901, %get3A_1902] {strides = array<i32>} : memref<3x32x128xf32, #tpu.memory_space<vmem>>, vector<16xf32>,
        %get3A_1904 = arith.index_cast %rem3A_170 : i32 to index
        %get3A_1905 = arith.index_cast %add3A_1873 : i32 to index
        %get3A_1906 = arith.constant 0 : index
        %get3A_1907 = tpu.vector_load %arg12[%get3A_1904, %get3A_1905, %get3A_1906] {strides = array<i32>} : memref<3x32x128xf32, #tpu.memory_space<vmem>>, vector<16xf32>,
        %get3A_1908 = arith.index_cast %rem3A_170 : i32 to index
        %get3A_1909 = arith.index_cast %add3A_1873 : i32 to index
        %get3A_1910 = arith.constant 0 : index
        %get3A_1911 = tpu.vector_load %arg13[%get3A_1908, %get3A_1909, %get3A_1910] {strides = array<i32>} : memref<3x32x128xf32, #tpu.memory_space<vmem>>, vector<16xf32>,
        %mul3A_1912 = arith.mulf %get3A_1903, %get3A_1907 : vector<16xf32>
        %mul3A_1913 = arith.mulf %mul3A_1912, %get3A_1911 : vector<16xf32>
        %add3A_1914 = arith.addf %broadcast_in_dim3A_1893, %mul3A_1913 : vector<16xf32>
        %get3A_1915 = arith.index_cast %rem3A_170 : i32 to index
        %get3A_1916 = arith.index_cast %add3A_1879 : i32 to index
        %get3A_1917 = arith.constant 0 : index
        %get3A_1918 = tpu.vector_load %arg11[%get3A_1915, %get3A_1916, %get3A_1917] {strides = array<i32>} : memref<3x32x128xf32, #tpu.memory_space<vmem>>, vector<16xf32>,
        %get3A_1919 = arith.index_cast %rem3A_170 : i32 to index
        %get3A_1920 = arith.index_cast %add3A_1879 : i32 to index
        %get3A_1921 = arith.constant 0 : index
        %get3A_1922 = tpu.vector_load %arg12[%get3A_1919, %get3A_1920, %get3A_1921] {strides = array<i32>} : memref<3x32x128xf32, #tpu.memory_space<vmem>>, vector<16xf32>,
        %get3A_1923 = arith.index_cast %rem3A_170 : i32 to index
        %get3A_1924 = arith.index_cast %add3A_1879 : i32 to index
        %get3A_1925 = arith.constant 0 : index
        %get3A_1926 = tpu.vector_load %arg13[%get3A_1923, %get3A_1924, %get3A_1925] {strides = array<i32>} : memref<3x32x128xf32, #tpu.memory_space<vmem>>, vector<16xf32>,
        %mul3A_1927 = arith.mulf %get3A_1918, %get3A_1922 : vector<16xf32>
        %mul3A_1928 = arith.mulf %mul3A_1927, %get3A_1926 : vector<16xf32>
        %add3A_1929 = arith.addf %broadcast_in_dim3A_1895, %mul3A_1928 : vector<16xf32>
        %get3A_1930 = arith.index_cast %rem3A_170 : i32 to index
        %get3A_1931 = arith.index_cast %add3A_1885 : i32 to index
        %get3A_1932 = arith.constant 0 : index
        %get3A_1933 = tpu.vector_load %arg11[%get3A_1930, %get3A_1931, %get3A_1932] {strides = array<i32>} : memref<3x32x128xf32, #tpu.memory_space<vmem>>, vector<16xf32>,
        %get3A_1934 = arith.index_cast %rem3A_170 : i32 to index
        %get3A_1935 = arith.index_cast %add3A_1885 : i32 to index
        %get3A_1936 = arith.constant 0 : index
        %get3A_1937 = tpu.vector_load %arg12[%get3A_1934, %get3A_1935, %get3A_1936] {strides = array<i32>} : memref<3x32x128xf32, #tpu.memory_space<vmem>>, vector<16xf32>,
        %get3A_1938 = arith.index_cast %rem3A_170 : i32 to index
        %get3A_1939 = arith.index_cast %add3A_1885 : i32 to index
        %get3A_1940 = arith.constant 0 : index
        %get3A_1941 = tpu.vector_load %arg13[%get3A_1938, %get3A_1939, %get3A_1940] {strides = array<i32>} : memref<3x32x128xf32, #tpu.memory_space<vmem>>, vector<16xf32>,
        %mul3A_1942 = arith.mulf %get3A_1933, %get3A_1937 : vector<16xf32>
        %mul3A_1943 = arith.mulf %mul3A_1942, %get3A_1941 : vector<16xf32>
        %add3A_1944 = arith.addf %broadcast_in_dim3A_1897, %mul3A_1943 : vector<16xf32>
        %get3A_1945 = arith.index_cast %rem3A_170 : i32 to index
        %get3A_1946 = arith.index_cast %add3A_1891 : i32 to index
        %get3A_1947 = arith.constant 0 : index
        %get3A_1948 = tpu.vector_load %arg11[%get3A_1945, %get3A_1946, %get3A_1947] {strides = array<i32>} : memref<3x32x128xf32, #tpu.memory_space<vmem>>, vector<16xf32>,
        %get3A_1949 = arith.index_cast %rem3A_170 : i32 to index
        %get3A_1950 = arith.index_cast %add3A_1891 : i32 to index
        %get3A_1951 = arith.constant 0 : index
        %get3A_1952 = tpu.vector_load %arg12[%get3A_1949, %get3A_1950, %get3A_1951] {strides = array<i32>} : memref<3x32x128xf32, #tpu.memory_space<vmem>>, vector<16xf32>,
        %get3A_1953 = arith.index_cast %rem3A_170 : i32 to index
        %get3A_1954 = arith.index_cast %add3A_1891 : i32 to index
        %get3A_1955 = arith.constant 0 : index
        %get3A_1956 = tpu.vector_load %arg13[%get3A_1953, %get3A_1954, %get3A_1955] {strides = array<i32>} : memref<3x32x128xf32, #tpu.memory_space<vmem>>, vector<16xf32>,
        %mul3A_1957 = arith.mulf %get3A_1948, %get3A_1952 : vector<16xf32>
        %mul3A_1958 = arith.mulf %mul3A_1957, %get3A_1956 : vector<16xf32>
        %add3A_1959 = arith.addf %broadcast_in_dim3A_1899, %mul3A_1958 : vector<16xf32>
        %get3A_1960 = arith.index_cast %rem3A_170 : i32 to index
        %get3A_1961 = arith.index_cast %add3A_1873 : i32 to index
        %get3A_1962 = arith.constant 16 : index
        %get3A_1963 = tpu.vector_load %arg11[%get3A_1960, %get3A_1961, %get3A_1962] {strides = array<i32>} : memref<3x32x128xf32, #tpu.memory_space<vmem>>, vector<16xf32>,
        %get3A_1964 = arith.index_cast %rem3A_170 : i32 to index
        %get3A_1965 = arith.index_cast %add3A_1873 : i32 to index
        %get3A_1966 = arith.constant 16 : index
        %get3A_1967 = tpu.vector_load %arg12[%get3A_1964, %get3A_1965, %get3A_1966] {strides = array<i32>} : memref<3x32x128xf32, #tpu.memory_space<vmem>>, vector<16xf32>,
        %get3A_1968 = arith.index_cast %rem3A_170 : i32 to index
        %get3A_1969 = arith.index_cast %add3A_1873 : i32 to index
        %get3A_1970 = arith.constant 16 : index
        %get3A_1971 = tpu.vector_load %arg13[%get3A_1968, %get3A_1969, %get3A_1970] {strides = array<i32>} : memref<3x32x128xf32, #tpu.memory_space<vmem>>, vector<16xf32>,
        %mul3A_1972 = arith.mulf %get3A_1963, %get3A_1967 : vector<16xf32>
        %mul3A_1973 = arith.mulf %mul3A_1972, %get3A_1971 : vector<16xf32>
        %add3A_1974 = arith.addf %add3A_1914, %mul3A_1973 : vector<16xf32>
        %get3A_1975 = arith.index_cast %rem3A_170 : i32 to index
        %get3A_1976 = arith.index_cast %add3A_1879 : i32 to index
        %get3A_1977 = arith.constant 16 : index
        %get3A_1978 = tpu.vector_load %arg11[%get3A_1975, %get3A_1976, %get3A_1977] {strides = array<i32>} : memref<3x32x128xf32, #tpu.memory_space<vmem>>, vector<16xf32>,
        %get3A_1979 = arith.index_cast %rem3A_170 : i32 to index
        %get3A_1980 = arith.index_cast %add3A_1879 : i32 to index
        %get3A_1981 = arith.constant 16 : index
        %get3A_1982 = tpu.vector_load %arg12[%get3A_1979, %get3A_1980, %get3A_1981] {strides = array<i32>} : memref<3x32x128xf32, #tpu.memory_space<vmem>>, vector<16xf32>,
        %get3A_1983 = arith.index_cast %rem3A_170 : i32 to index
        %get3A_1984 = arith.index_cast %add3A_1879 : i32 to index
        %get3A_1985 = arith.constant 16 : index
        %get3A_1986 = tpu.vector_load %arg13[%get3A_1983, %get3A_1984, %get3A_1985] {strides = array<i32>} : memref<3x32x128xf32, #tpu.memory_space<vmem>>, vector<16xf32>,
        %mul3A_1987 = arith.mulf %get3A_1978, %get3A_1982 : vector<16xf32>
        %mul3A_1988 = arith.mulf %mul3A_1987, %get3A_1986 : vector<16xf32>
        %add3A_1989 = arith.addf %add3A_1929, %mul3A_1988 : vector<16xf32>
        %get3A_1990 = arith.index_cast %rem3A_170 : i32 to index
        %get3A_1991 = arith.index_cast %add3A_1885 : i32 to index
        %get3A_1992 = arith.constant 16 : index
        %get3A_1993 = tpu.vector_load %arg11[%get3A_1990, %get3A_1991, %get3A_1992] {strides = array<i32>} : memref<3x32x128xf32, #tpu.memory_space<vmem>>, vector<16xf32>,
        %get3A_1994 = arith.index_cast %rem3A_170 : i32 to index
        %get3A_1995 = arith.index_cast %add3A_1885 : i32 to index
        %get3A_1996 = arith.constant 16 : index
        %get3A_1997 = tpu.vector_load %arg12[%get3A_1994, %get3A_1995, %get3A_1996] {strides = array<i32>} : memref<3x32x128xf32, #tpu.memory_space<vmem>>, vector<16xf32>,
        %get3A_1998 = arith.index_cast %rem3A_170 : i32 to index
        %get3A_1999 = arith.index_cast %add3A_1885 : i32 to index
        %get3A_2000 = arith.constant 16 : index
        %get3A_2001 = tpu.vector_load %arg13[%get3A_1998, %get3A_1999, %get3A_2000] {strides = array<i32>} : memref<3x32x128xf32, #tpu.memory_space<vmem>>, vector<16xf32>,
        %mul3A_2002 = arith.mulf %get3A_1993, %get3A_1997 : vector<16xf32>
        %mul3A_2003 = arith.mulf %mul3A_2002, %get3A_2001 : vector<16xf32>
        %add3A_2004 = arith.addf %add3A_1944, %mul3A_2003 : vector<16xf32>
        %get3A_2005 = arith.index_cast %rem3A_170 : i32 to index
        %get3A_2006 = arith.index_cast %add3A_1891 : i32 to index
        %get3A_2007 = arith.constant 16 : index
        %get3A_2008 = tpu.vector_load %arg11[%get3A_2005, %get3A_2006, %get3A_2007] {strides = array<i32>} : memref<3x32x128xf32, #tpu.memory_space<vmem>>, vector<16xf32>,
        %get3A_2009 = arith.index_cast %rem3A_170 : i32 to index
        %get3A_2010 = arith.index_cast %add3A_1891 : i32 to index
        %get3A_2011 = arith.constant 16 : index
        %get3A_2012 = tpu.vector_load %arg12[%get3A_2009, %get3A_2010, %get3A_2011] {strides = array<i32>} : memref<3x32x128xf32, #tpu.memory_space<vmem>>, vector<16xf32>,
        %get3A_2013 = arith.index_cast %rem3A_170 : i32 to index
        %get3A_2014 = arith.index_cast %add3A_1891 : i32 to index
        %get3A_2015 = arith.constant 16 : index
        %get3A_2016 = tpu.vector_load %arg13[%get3A_2013, %get3A_2014, %get3A_2015] {strides = array<i32>} : memref<3x32x128xf32, #tpu.memory_space<vmem>>, vector<16xf32>,
        %mul3A_2017 = arith.mulf %get3A_2008, %get3A_2012 : vector<16xf32>
        %mul3A_2018 = arith.mulf %mul3A_2017, %get3A_2016 : vector<16xf32>
        %add3A_2019 = arith.addf %add3A_1959, %mul3A_2018 : vector<16xf32>
        %get3A_2020 = arith.index_cast %rem3A_170 : i32 to index
        %get3A_2021 = arith.index_cast %add3A_1873 : i32 to index
        %get3A_2022 = arith.constant 32 : index
        %get3A_2023 = tpu.vector_load %arg11[%get3A_2020, %get3A_2021, %get3A_2022] {strides = array<i32>} : memref<3x32x128xf32, #tpu.memory_space<vmem>>, vector<16xf32>,
        %get3A_2024 = arith.index_cast %rem3A_170 : i32 to index
        %get3A_2025 = arith.index_cast %add3A_1873 : i32 to index
        %get3A_2026 = arith.constant 32 : index
        %get3A_2027 = tpu.vector_load %arg12[%get3A_2024, %get3A_2025, %get3A_2026] {strides = array<i32>} : memref<3x32x128xf32, #tpu.memory_space<vmem>>, vector<16xf32>,
        %get3A_2028 = arith.index_cast %rem3A_170 : i32 to index
        %get3A_2029 = arith.index_cast %add3A_1873 : i32 to index
        %get3A_2030 = arith.constant 32 : index
        %get3A_2031 = tpu.vector_load %arg13[%get3A_2028, %get3A_2029, %get3A_2030] {strides = array<i32>} : memref<3x32x128xf32, #tpu.memory_space<vmem>>, vector<16xf32>,
        %mul3A_2032 = arith.mulf %get3A_2023, %get3A_2027 : vector<16xf32>
        %mul3A_2033 = arith.mulf %mul3A_2032, %get3A_2031 : vector<16xf32>
        %add3A_2034 = arith.addf %add3A_1974, %mul3A_2033 : vector<16xf32>
        %get3A_2035 = arith.index_cast %rem3A_170 : i32 to index
        %get3A_2036 = arith.index_cast %add3A_1879 : i32 to index
        %get3A_2037 = arith.constant 32 : index
        %get3A_2038 = tpu.vector_load %arg11[%get3A_2035, %get3A_2036, %get3A_2037] {strides = array<i32>} : memref<3x32x128xf32, #tpu.memory_space<vmem>>, vector<16xf32>,
        %get3A_2039 = arith.index_cast %rem3A_170 : i32 to index
        %get3A_2040 = arith.index_cast %add3A_1879 : i32 to index
        %get3A_2041 = arith.constant 32 : index
        %get3A_2042 = tpu.vector_load %arg12[%get3A_2039, %get3A_2040, %get3A_2041] {strides = array<i32>} : memref<3x32x128xf32, #tpu.memory_space<vmem>>, vector<16xf32>,
        %get3A_2043 = arith.index_cast %rem3A_170 : i32 to index
        %get3A_2044 = arith.index_cast %add3A_1879 : i32 to index
        %get3A_2045 = arith.constant 32 : index
        %get3A_2046 = tpu.vector_load %arg13[%get3A_2043, %get3A_2044, %get3A_2045] {strides = array<i32>} : memref<3x32x128xf32, #tpu.memory_space<vmem>>, vector<16xf32>,
        %mul3A_2047 = arith.mulf %get3A_2038, %get3A_2042 : vector<16xf32>
        %mul3A_2048 = arith.mulf %mul3A_2047, %get3A_2046 : vector<16xf32>
        %add3A_2049 = arith.addf %add3A_1989, %mul3A_2048 : vector<16xf32>
        %get3A_2050 = arith.index_cast %rem3A_170 : i32 to index
        %get3A_2051 = arith.index_cast %add3A_1885 : i32 to index
        %get3A_2052 = arith.constant 32 : index
        %get3A_2053 = tpu.vector_load %arg11[%get3A_2050, %get3A_2051, %get3A_2052] {strides = array<i32>} : memref<3x32x128xf32, #tpu.memory_space<vmem>>, vector<16xf32>,
        %get3A_2054 = arith.index_cast %rem3A_170 : i32 to index
        %get3A_2055 = arith.index_cast %add3A_1885 : i32 to index
        %get3A_2056 = arith.constant 32 : index
        %get3A_2057 = tpu.vector_load %arg12[%get3A_2054, %get3A_2055, %get3A_2056] {strides = array<i32>} : memref<3x32x128xf32, #tpu.memory_space<vmem>>, vector<16xf32>,
        %get3A_2058 = arith.index_cast %rem3A_170 : i32 to index
        %get3A_2059 = arith.index_cast %add3A_1885 : i32 to index
        %get3A_2060 = arith.constant 32 : index
        %get3A_2061 = tpu.vector_load %arg13[%get3A_2058, %get3A_2059, %get3A_2060] {strides = array<i32>} : memref<3x32x128xf32, #tpu.memory_space<vmem>>, vector<16xf32>,
        %mul3A_2062 = arith.mulf %get3A_2053, %get3A_2057 : vector<16xf32>
        %mul3A_2063 = arith.mulf %mul3A_2062, %get3A_2061 : vector<16xf32>
        %add3A_2064 = arith.addf %add3A_2004, %mul3A_2063 : vector<16xf32>
        %get3A_2065 = arith.index_cast %rem3A_170 : i32 to index
        %get3A_2066 = arith.index_cast %add3A_1891 : i32 to index
        %get3A_2067 = arith.constant 32 : index
        %get3A_2068 = tpu.vector_load %arg11[%get3A_2065, %get3A_2066, %get3A_2067] {strides = array<i32>} : memref<3x32x128xf32, #tpu.memory_space<vmem>>, vector<16xf32>,
        %get3A_2069 = arith.index_cast %rem3A_170 : i32 to index
        %get3A_2070 = arith.index_cast %add3A_1891 : i32 to index
        %get3A_2071 = arith.constant 32 : index
        %get3A_2072 = tpu.vector_load %arg12[%get3A_2069, %get3A_2070, %get3A_2071] {strides = array<i32>} : memref<3x32x128xf32, #tpu.memory_space<vmem>>, vector<16xf32>,
        %get3A_2073 = arith.index_cast %rem3A_170 : i32 to index
        %get3A_2074 = arith.index_cast %add3A_1891 : i32 to index
        %get3A_2075 = arith.constant 32 : index
        %get3A_2076 = tpu.vector_load %arg13[%get3A_2073, %get3A_2074, %get3A_2075] {strides = array<i32>} : memref<3x32x128xf32, #tpu.memory_space<vmem>>, vector<16xf32>,
        %mul3A_2077 = arith.mulf %get3A_2068, %get3A_2072 : vector<16xf32>
        %mul3A_2078 = arith.mulf %mul3A_2077, %get3A_2076 : vector<16xf32>
        %add3A_2079 = arith.addf %add3A_2019, %mul3A_2078 : vector<16xf32>
        %get3A_2080 = arith.index_cast %rem3A_170 : i32 to index
        %get3A_2081 = arith.index_cast %add3A_1873 : i32 to index
        %get3A_2082 = arith.constant 48 : index
        %get3A_2083 = tpu.vector_load %arg11[%get3A_2080, %get3A_2081, %get3A_2082] {strides = array<i32>} : memref<3x32x128xf32, #tpu.memory_space<vmem>>, vector<16xf32>,
        %get3A_2084 = arith.index_cast %rem3A_170 : i32 to index
        %get3A_2085 = arith.index_cast %add3A_1873 : i32 to index
        %get3A_2086 = arith.constant 48 : index
        %get3A_2087 = tpu.vector_load %arg12[%get3A_2084, %get3A_2085, %get3A_2086] {strides = array<i32>} : memref<3x32x128xf32, #tpu.memory_space<vmem>>, vector<16xf32>,
        %get3A_2088 = arith.index_cast %rem3A_170 : i32 to index
        %get3A_2089 = arith.index_cast %add3A_1873 : i32 to index
        %get3A_2090 = arith.constant 48 : index
        %get3A_2091 = tpu.vector_load %arg13[%get3A_2088, %get3A_2089, %get3A_2090] {strides = array<i32>} : memref<3x32x128xf32, #tpu.memory_space<vmem>>, vector<16xf32>,
        %mul3A_2092 = arith.mulf %get3A_2083, %get3A_2087 : vector<16xf32>
        %mul3A_2093 = arith.mulf %mul3A_2092, %get3A_2091 : vector<16xf32>
        %add3A_2094 = arith.addf %add3A_2034, %mul3A_2093 : vector<16xf32>
        %get3A_2095 = arith.index_cast %rem3A_170 : i32 to index
        %get3A_2096 = arith.index_cast %add3A_1879 : i32 to index
        %get3A_2097 = arith.constant 48 : index
        %get3A_2098 = tpu.vector_load %arg11[%get3A_2095, %get3A_2096, %get3A_2097] {strides = array<i32>} : memref<3x32x128xf32, #tpu.memory_space<vmem>>, vector<16xf32>,
        %get3A_2099 = arith.index_cast %rem3A_170 : i32 to index
        %get3A_2100 = arith.index_cast %add3A_1879 : i32 to index
        %get3A_2101 = arith.constant 48 : index
        %get3A_2102 = tpu.vector_load %arg12[%get3A_2099, %get3A_2100, %get3A_2101] {strides = array<i32>} : memref<3x32x128xf32, #tpu.memory_space<vmem>>, vector<16xf32>,
        %get3A_2103 = arith.index_cast %rem3A_170 : i32 to index
        %get3A_2104 = arith.index_cast %add3A_1879 : i32 to index
        %get3A_2105 = arith.constant 48 : index
        %get3A_2106 = tpu.vector_load %arg13[%get3A_2103, %get3A_2104, %get3A_2105] {strides = array<i32>} : memref<3x32x128xf32, #tpu.memory_space<vmem>>, vector<16xf32>,
        %mul3A_2107 = arith.mulf %get3A_2098, %get3A_2102 : vector<16xf32>
        %mul3A_2108 = arith.mulf %mul3A_2107, %get3A_2106 : vector<16xf32>
        %add3A_2109 = arith.addf %add3A_2049, %mul3A_2108 : vector<16xf32>
        %get3A_2110 = arith.index_cast %rem3A_170 : i32 to index
        %get3A_2111 = arith.index_cast %add3A_1885 : i32 to index
        %get3A_2112 = arith.constant 48 : index
        %get3A_2113 = tpu.vector_load %arg11[%get3A_2110, %get3A_2111, %get3A_2112] {strides = array<i32>} : memref<3x32x128xf32, #tpu.memory_space<vmem>>, vector<16xf32>,
        %get3A_2114 = arith.index_cast %rem3A_170 : i32 to index
        %get3A_2115 = arith.index_cast %add3A_1885 : i32 to index
        %get3A_2116 = arith.constant 48 : index
        %get3A_2117 = tpu.vector_load %arg12[%get3A_2114, %get3A_2115, %get3A_2116] {strides = array<i32>} : memref<3x32x128xf32, #tpu.memory_space<vmem>>, vector<16xf32>,
        %get3A_2118 = arith.index_cast %rem3A_170 : i32 to index
        %get3A_2119 = arith.index_cast %add3A_1885 : i32 to index
        %get3A_2120 = arith.constant 48 : index
        %get3A_2121 = tpu.vector_load %arg13[%get3A_2118, %get3A_2119, %get3A_2120] {strides = array<i32>} : memref<3x32x128xf32, #tpu.memory_space<vmem>>, vector<16xf32>,
        %mul3A_2122 = arith.mulf %get3A_2113, %get3A_2117 : vector<16xf32>
        %mul3A_2123 = arith.mulf %mul3A_2122, %get3A_2121 : vector<16xf32>
        %add3A_2124 = arith.addf %add3A_2064, %mul3A_2123 : vector<16xf32>
        %get3A_2125 = arith.index_cast %rem3A_170 : i32 to index
        %get3A_2126 = arith.index_cast %add3A_1891 : i32 to index
        %get3A_2127 = arith.constant 48 : index
        %get3A_2128 = tpu.vector_load %arg11[%get3A_2125, %get3A_2126, %get3A_2127] {strides = array<i32>} : memref<3x32x128xf32, #tpu.memory_space<vmem>>, vector<16xf32>,
        %get3A_2129 = arith.index_cast %rem3A_170 : i32 to index
        %get3A_2130 = arith.index_cast %add3A_1891 : i32 to index
        %get3A_2131 = arith.constant 48 : index
        %get3A_2132 = tpu.vector_load %arg12[%get3A_2129, %get3A_2130, %get3A_2131] {strides = array<i32>} : memref<3x32x128xf32, #tpu.memory_space<vmem>>, vector<16xf32>,
        %get3A_2133 = arith.index_cast %rem3A_170 : i32 to index
        %get3A_2134 = arith.index_cast %add3A_1891 : i32 to index
        %get3A_2135 = arith.constant 48 : index
        %get3A_2136 = tpu.vector_load %arg13[%get3A_2133, %get3A_2134, %get3A_2135] {strides = array<i32>} : memref<3x32x128xf32, #tpu.memory_space<vmem>>, vector<16xf32>,
        %mul3A_2137 = arith.mulf %get3A_2128, %get3A_2132 : vector<16xf32>
        %mul3A_2138 = arith.mulf %mul3A_2137, %get3A_2136 : vector<16xf32>
        %add3A_2139 = arith.addf %add3A_2079, %mul3A_2138 : vector<16xf32>
        %get3A_2140 = arith.index_cast %rem3A_170 : i32 to index
        %get3A_2141 = arith.index_cast %add3A_1873 : i32 to index
        %get3A_2142 = arith.constant 64 : index
        %get3A_2143 = tpu.vector_load %arg11[%get3A_2140, %get3A_2141, %get3A_2142] {strides = array<i32>} : memref<3x32x128xf32, #tpu.memory_space<vmem>>, vector<16xf32>,
        %get3A_2144 = arith.index_cast %rem3A_170 : i32 to index
        %get3A_2145 = arith.index_cast %add3A_1873 : i32 to index
        %get3A_2146 = arith.constant 64 : index
        %get3A_2147 = tpu.vector_load %arg12[%get3A_2144, %get3A_2145, %get3A_2146] {strides = array<i32>} : memref<3x32x128xf32, #tpu.memory_space<vmem>>, vector<16xf32>,
        %get3A_2148 = arith.index_cast %rem3A_170 : i32 to index
        %get3A_2149 = arith.index_cast %add3A_1873 : i32 to index
        %get3A_2150 = arith.constant 64 : index
        %get3A_2151 = tpu.vector_load %arg13[%get3A_2148, %get3A_2149, %get3A_2150] {strides = array<i32>} : memref<3x32x128xf32, #tpu.memory_space<vmem>>, vector<16xf32>,
        %mul3A_2152 = arith.mulf %get3A_2143, %get3A_2147 : vector<16xf32>
        %mul3A_2153 = arith.mulf %mul3A_2152, %get3A_2151 : vector<16xf32>
        %add3A_2154 = arith.addf %add3A_2094, %mul3A_2153 : vector<16xf32>
        %get3A_2155 = arith.index_cast %rem3A_170 : i32 to index
        %get3A_2156 = arith.index_cast %add3A_1879 : i32 to index
        %get3A_2157 = arith.constant 64 : index
        %get3A_2158 = tpu.vector_load %arg11[%get3A_2155, %get3A_2156, %get3A_2157] {strides = array<i32>} : memref<3x32x128xf32, #tpu.memory_space<vmem>>, vector<16xf32>,
        %get3A_2159 = arith.index_cast %rem3A_170 : i32 to index
        %get3A_2160 = arith.index_cast %add3A_1879 : i32 to index
        %get3A_2161 = arith.constant 64 : index
        %get3A_2162 = tpu.vector_load %arg12[%get3A_2159, %get3A_2160, %get3A_2161] {strides = array<i32>} : memref<3x32x128xf32, #tpu.memory_space<vmem>>, vector<16xf32>,
        %get3A_2163 = arith.index_cast %rem3A_170 : i32 to index
        %get3A_2164 = arith.index_cast %add3A_1879 : i32 to index
        %get3A_2165 = arith.constant 64 : index
        %get3A_2166 = tpu.vector_load %arg13[%get3A_2163, %get3A_2164, %get3A_2165] {strides = array<i32>} : memref<3x32x128xf32, #tpu.memory_space<vmem>>, vector<16xf32>,
        %mul3A_2167 = arith.mulf %get3A_2158, %get3A_2162 : vector<16xf32>
        %mul3A_2168 = arith.mulf %mul3A_2167, %get3A_2166 : vector<16xf32>
        %add3A_2169 = arith.addf %add3A_2109, %mul3A_2168 : vector<16xf32>
        %get3A_2170 = arith.index_cast %rem3A_170 : i32 to index
        %get3A_2171 = arith.index_cast %add3A_1885 : i32 to index
        %get3A_2172 = arith.constant 64 : index
        %get3A_2173 = tpu.vector_load %arg11[%get3A_2170, %get3A_2171, %get3A_2172] {strides = array<i32>} : memref<3x32x128xf32, #tpu.memory_space<vmem>>, vector<16xf32>,
        %get3A_2174 = arith.index_cast %rem3A_170 : i32 to index
        %get3A_2175 = arith.index_cast %add3A_1885 : i32 to index
        %get3A_2176 = arith.constant 64 : index
        %get3A_2177 = tpu.vector_load %arg12[%get3A_2174, %get3A_2175, %get3A_2176] {strides = array<i32>} : memref<3x32x128xf32, #tpu.memory_space<vmem>>, vector<16xf32>,
        %get3A_2178 = arith.index_cast %rem3A_170 : i32 to index
        %get3A_2179 = arith.index_cast %add3A_1885 : i32 to index
        %get3A_2180 = arith.constant 64 : index
        %get3A_2181 = tpu.vector_load %arg13[%get3A_2178, %get3A_2179, %get3A_2180] {strides = array<i32>} : memref<3x32x128xf32, #tpu.memory_space<vmem>>, vector<16xf32>,
        %mul3A_2182 = arith.mulf %get3A_2173, %get3A_2177 : vector<16xf32>
        %mul3A_2183 = arith.mulf %mul3A_2182, %get3A_2181 : vector<16xf32>
        %add3A_2184 = arith.addf %add3A_2124, %mul3A_2183 : vector<16xf32>
        %get3A_2185 = arith.index_cast %rem3A_170 : i32 to index
        %get3A_2186 = arith.index_cast %add3A_1891 : i32 to index
        %get3A_2187 = arith.constant 64 : index
        %get3A_2188 = tpu.vector_load %arg11[%get3A_2185, %get3A_2186, %get3A_2187] {strides = array<i32>} : memref<3x32x128xf32, #tpu.memory_space<vmem>>, vector<16xf32>,
        %get3A_2189 = arith.index_cast %rem3A_170 : i32 to index
        %get3A_2190 = arith.index_cast %add3A_1891 : i32 to index
        %get3A_2191 = arith.constant 64 : index
        %get3A_2192 = tpu.vector_load %arg12[%get3A_2189, %get3A_2190, %get3A_2191] {strides = array<i32>} : memref<3x32x128xf32, #tpu.memory_space<vmem>>, vector<16xf32>,
        %get3A_2193 = arith.index_cast %rem3A_170 : i32 to index
        %get3A_2194 = arith.index_cast %add3A_1891 : i32 to index
        %get3A_2195 = arith.constant 64 : index
        %get3A_2196 = tpu.vector_load %arg13[%get3A_2193, %get3A_2194, %get3A_2195] {strides = array<i32>} : memref<3x32x128xf32, #tpu.memory_space<vmem>>, vector<16xf32>,
        %mul3A_2197 = arith.mulf %get3A_2188, %get3A_2192 : vector<16xf32>
        %mul3A_2198 = arith.mulf %mul3A_2197, %get3A_2196 : vector<16xf32>
        %add3A_2199 = arith.addf %add3A_2139, %mul3A_2198 : vector<16xf32>
        %get3A_2200 = arith.index_cast %rem3A_170 : i32 to index
        %get3A_2201 = arith.index_cast %add3A_1873 : i32 to index
        %get3A_2202 = arith.constant 80 : index
        %get3A_2203 = tpu.vector_load %arg11[%get3A_2200, %get3A_2201, %get3A_2202] {strides = array<i32>} : memref<3x32x128xf32, #tpu.memory_space<vmem>>, vector<16xf32>,
        %get3A_2204 = arith.index_cast %rem3A_170 : i32 to index
        %get3A_2205 = arith.index_cast %add3A_1873 : i32 to index
        %get3A_2206 = arith.constant 80 : index
        %get3A_2207 = tpu.vector_load %arg12[%get3A_2204, %get3A_2205, %get3A_2206] {strides = array<i32>} : memref<3x32x128xf32, #tpu.memory_space<vmem>>, vector<16xf32>,
        %get3A_2208 = arith.index_cast %rem3A_170 : i32 to index
        %get3A_2209 = arith.index_cast %add3A_1873 : i32 to index
        %get3A_2210 = arith.constant 80 : index
        %get3A_2211 = tpu.vector_load %arg13[%get3A_2208, %get3A_2209, %get3A_2210] {strides = array<i32>} : memref<3x32x128xf32, #tpu.memory_space<vmem>>, vector<16xf32>,
        %mul3A_2212 = arith.mulf %get3A_2203, %get3A_2207 : vector<16xf32>
        %mul3A_2213 = arith.mulf %mul3A_2212, %get3A_2211 : vector<16xf32>
        %add3A_2214 = arith.addf %add3A_2154, %mul3A_2213 : vector<16xf32>
        %get3A_2215 = arith.index_cast %rem3A_170 : i32 to index
        %get3A_2216 = arith.index_cast %add3A_1879 : i32 to index
        %get3A_2217 = arith.constant 80 : index
        %get3A_2218 = tpu.vector_load %arg11[%get3A_2215, %get3A_2216, %get3A_2217] {strides = array<i32>} : memref<3x32x128xf32, #tpu.memory_space<vmem>>, vector<16xf32>,
        %get3A_2219 = arith.index_cast %rem3A_170 : i32 to index
        %get3A_2220 = arith.index_cast %add3A_1879 : i32 to index
        %get3A_2221 = arith.constant 80 : index
        %get3A_2222 = tpu.vector_load %arg12[%get3A_2219, %get3A_2220, %get3A_2221] {strides = array<i32>} : memref<3x32x128xf32, #tpu.memory_space<vmem>>, vector<16xf32>,
        %get3A_2223 = arith.index_cast %rem3A_170 : i32 to index
        %get3A_2224 = arith.index_cast %add3A_1879 : i32 to index
        %get3A_2225 = arith.constant 80 : index
        %get3A_2226 = tpu.vector_load %arg13[%get3A_2223, %get3A_2224, %get3A_2225] {strides = array<i32>} : memref<3x32x128xf32, #tpu.memory_space<vmem>>, vector<16xf32>,
        %mul3A_2227 = arith.mulf %get3A_2218, %get3A_2222 : vector<16xf32>
        %mul3A_2228 = arith.mulf %mul3A_2227, %get3A_2226 : vector<16xf32>
        %add3A_2229 = arith.addf %add3A_2169, %mul3A_2228 : vector<16xf32>
        %get3A_2230 = arith.index_cast %rem3A_170 : i32 to index
        %get3A_2231 = arith.index_cast %add3A_1885 : i32 to index
        %get3A_2232 = arith.constant 80 : index
        %get3A_2233 = tpu.vector_load %arg11[%get3A_2230, %get3A_2231, %get3A_2232] {strides = array<i32>} : memref<3x32x128xf32, #tpu.memory_space<vmem>>, vector<16xf32>,
        %get3A_2234 = arith.index_cast %rem3A_170 : i32 to index
        %get3A_2235 = arith.index_cast %add3A_1885 : i32 to index
        %get3A_2236 = arith.constant 80 : index
        %get3A_2237 = tpu.vector_load %arg12[%get3A_2234, %get3A_2235, %get3A_2236] {strides = array<i32>} : memref<3x32x128xf32, #tpu.memory_space<vmem>>, vector<16xf32>,
        %get3A_2238 = arith.index_cast %rem3A_170 : i32 to index
        %get3A_2239 = arith.index_cast %add3A_1885 : i32 to index
        %get3A_2240 = arith.constant 80 : index
        %get3A_2241 = tpu.vector_load %arg13[%get3A_2238, %get3A_2239, %get3A_2240] {strides = array<i32>} : memref<3x32x128xf32, #tpu.memory_space<vmem>>, vector<16xf32>,
        %mul3A_2242 = arith.mulf %get3A_2233, %get3A_2237 : vector<16xf32>
        %mul3A_2243 = arith.mulf %mul3A_2242, %get3A_2241 : vector<16xf32>
        %add3A_2244 = arith.addf %add3A_2184, %mul3A_2243 : vector<16xf32>
        %get3A_2245 = arith.index_cast %rem3A_170 : i32 to index
        %get3A_2246 = arith.index_cast %add3A_1891 : i32 to index
        %get3A_2247 = arith.constant 80 : index
        %get3A_2248 = tpu.vector_load %arg11[%get3A_2245, %get3A_2246, %get3A_2247] {strides = array<i32>} : memref<3x32x128xf32, #tpu.memory_space<vmem>>, vector<16xf32>,
        %get3A_2249 = arith.index_cast %rem3A_170 : i32 to index
        %get3A_2250 = arith.index_cast %add3A_1891 : i32 to index
        %get3A_2251 = arith.constant 80 : index
        %get3A_2252 = tpu.vector_load %arg12[%get3A_2249, %get3A_2250, %get3A_2251] {strides = array<i32>} : memref<3x32x128xf32, #tpu.memory_space<vmem>>, vector<16xf32>,
        %get3A_2253 = arith.index_cast %rem3A_170 : i32 to index
        %get3A_2254 = arith.index_cast %add3A_1891 : i32 to index
        %get3A_2255 = arith.constant 80 : index
        %get3A_2256 = tpu.vector_load %arg13[%get3A_2253, %get3A_2254, %get3A_2255] {strides = array<i32>} : memref<3x32x128xf32, #tpu.memory_space<vmem>>, vector<16xf32>,
        %mul3A_2257 = arith.mulf %get3A_2248, %get3A_2252 : vector<16xf32>
        %mul3A_2258 = arith.mulf %mul3A_2257, %get3A_2256 : vector<16xf32>
        %add3A_2259 = arith.addf %add3A_2199, %mul3A_2258 : vector<16xf32>
        %get3A_2260 = arith.index_cast %rem3A_170 : i32 to index
        %get3A_2261 = arith.index_cast %add3A_1873 : i32 to index
        %get3A_2262 = arith.constant 96 : index
        %get3A_2263 = tpu.vector_load %arg11[%get3A_2260, %get3A_2261, %get3A_2262] {strides = array<i32>} : memref<3x32x128xf32, #tpu.memory_space<vmem>>, vector<16xf32>,
        %get3A_2264 = arith.index_cast %rem3A_170 : i32 to index
        %get3A_2265 = arith.index_cast %add3A_1873 : i32 to index
        %get3A_2266 = arith.constant 96 : index
        %get3A_2267 = tpu.vector_load %arg12[%get3A_2264, %get3A_2265, %get3A_2266] {strides = array<i32>} : memref<3x32x128xf32, #tpu.memory_space<vmem>>, vector<16xf32>,
        %get3A_2268 = arith.index_cast %rem3A_170 : i32 to index
        %get3A_2269 = arith.index_cast %add3A_1873 : i32 to index
        %get3A_2270 = arith.constant 96 : index
        %get3A_2271 = tpu.vector_load %arg13[%get3A_2268, %get3A_2269, %get3A_2270] {strides = array<i32>} : memref<3x32x128xf32, #tpu.memory_space<vmem>>, vector<16xf32>,
        %mul3A_2272 = arith.mulf %get3A_2263, %get3A_2267 : vector<16xf32>
        %mul3A_2273 = arith.mulf %mul3A_2272, %get3A_2271 : vector<16xf32>
        %add3A_2274 = arith.addf %add3A_2214, %mul3A_2273 : vector<16xf32>
        %get3A_2275 = arith.index_cast %rem3A_170 : i32 to index
        %get3A_2276 = arith.index_cast %add3A_1879 : i32 to index
        %get3A_2277 = arith.constant 96 : index
        %get3A_2278 = tpu.vector_load %arg11[%get3A_2275, %get3A_2276, %get3A_2277] {strides = array<i32>} : memref<3x32x128xf32, #tpu.memory_space<vmem>>, vector<16xf32>,
        %get3A_2279 = arith.index_cast %rem3A_170 : i32 to index
        %get3A_2280 = arith.index_cast %add3A_1879 : i32 to index
        %get3A_2281 = arith.constant 96 : index
        %get3A_2282 = tpu.vector_load %arg12[%get3A_2279, %get3A_2280, %get3A_2281] {strides = array<i32>} : memref<3x32x128xf32, #tpu.memory_space<vmem>>, vector<16xf32>,
        %get3A_2283 = arith.index_cast %rem3A_170 : i32 to index
        %get3A_2284 = arith.index_cast %add3A_1879 : i32 to index
        %get3A_2285 = arith.constant 96 : index
        %get3A_2286 = tpu.vector_load %arg13[%get3A_2283, %get3A_2284, %get3A_2285] {strides = array<i32>} : memref<3x32x128xf32, #tpu.memory_space<vmem>>, vector<16xf32>,
        %mul3A_2287 = arith.mulf %get3A_2278, %get3A_2282 : vector<16xf32>
        %mul3A_2288 = arith.mulf %mul3A_2287, %get3A_2286 : vector<16xf32>
        %add3A_2289 = arith.addf %add3A_2229, %mul3A_2288 : vector<16xf32>
        %get3A_2290 = arith.index_cast %rem3A_170 : i32 to index
        %get3A_2291 = arith.index_cast %add3A_1885 : i32 to index
        %get3A_2292 = arith.constant 96 : index
        %get3A_2293 = tpu.vector_load %arg11[%get3A_2290, %get3A_2291, %get3A_2292] {strides = array<i32>} : memref<3x32x128xf32, #tpu.memory_space<vmem>>, vector<16xf32>,
        %get3A_2294 = arith.index_cast %rem3A_170 : i32 to index
        %get3A_2295 = arith.index_cast %add3A_1885 : i32 to index
        %get3A_2296 = arith.constant 96 : index
        %get3A_2297 = tpu.vector_load %arg12[%get3A_2294, %get3A_2295, %get3A_2296] {strides = array<i32>} : memref<3x32x128xf32, #tpu.memory_space<vmem>>, vector<16xf32>,
        %get3A_2298 = arith.index_cast %rem3A_170 : i32 to index
        %get3A_2299 = arith.index_cast %add3A_1885 : i32 to index
        %get3A_2300 = arith.constant 96 : index
        %get3A_2301 = tpu.vector_load %arg13[%get3A_2298, %get3A_2299, %get3A_2300] {strides = array<i32>} : memref<3x32x128xf32, #tpu.memory_space<vmem>>, vector<16xf32>,
        %mul3A_2302 = arith.mulf %get3A_2293, %get3A_2297 : vector<16xf32>
        %mul3A_2303 = arith.mulf %mul3A_2302, %get3A_2301 : vector<16xf32>
        %add3A_2304 = arith.addf %add3A_2244, %mul3A_2303 : vector<16xf32>
        %get3A_2305 = arith.index_cast %rem3A_170 : i32 to index
        %get3A_2306 = arith.index_cast %add3A_1891 : i32 to index
        %get3A_2307 = arith.constant 96 : index
        %get3A_2308 = tpu.vector_load %arg11[%get3A_2305, %get3A_2306, %get3A_2307] {strides = array<i32>} : memref<3x32x128xf32, #tpu.memory_space<vmem>>, vector<16xf32>,
        %get3A_2309 = arith.index_cast %rem3A_170 : i32 to index
        %get3A_2310 = arith.index_cast %add3A_1891 : i32 to index
        %get3A_2311 = arith.constant 96 : index
        %get3A_2312 = tpu.vector_load %arg12[%get3A_2309, %get3A_2310, %get3A_2311] {strides = array<i32>} : memref<3x32x128xf32, #tpu.memory_space<vmem>>, vector<16xf32>,
        %get3A_2313 = arith.index_cast %rem3A_170 : i32 to index
        %get3A_2314 = arith.index_cast %add3A_1891 : i32 to index
        %get3A_2315 = arith.constant 96 : index
        %get3A_2316 = tpu.vector_load %arg13[%get3A_2313, %get3A_2314, %get3A_2315] {strides = array<i32>} : memref<3x32x128xf32, #tpu.memory_space<vmem>>, vector<16xf32>,
        %mul3A_2317 = arith.mulf %get3A_2308, %get3A_2312 : vector<16xf32>
        %mul3A_2318 = arith.mulf %mul3A_2317, %get3A_2316 : vector<16xf32>
        %add3A_2319 = arith.addf %add3A_2259, %mul3A_2318 : vector<16xf32>
        %get3A_2320 = arith.index_cast %rem3A_170 : i32 to index
        %get3A_2321 = arith.index_cast %add3A_1873 : i32 to index
        %get3A_2322 = arith.constant 112 : index
        %get3A_2323 = tpu.vector_load %arg11[%get3A_2320, %get3A_2321, %get3A_2322] {strides = array<i32>} : memref<3x32x128xf32, #tpu.memory_space<vmem>>, vector<16xf32>,
        %get3A_2324 = arith.index_cast %rem3A_170 : i32 to index
        %get3A_2325 = arith.index_cast %add3A_1873 : i32 to index
        %get3A_2326 = arith.constant 112 : index
        %get3A_2327 = tpu.vector_load %arg12[%get3A_2324, %get3A_2325, %get3A_2326] {strides = array<i32>} : memref<3x32x128xf32, #tpu.memory_space<vmem>>, vector<16xf32>,
        %get3A_2328 = arith.index_cast %rem3A_170 : i32 to index
        %get3A_2329 = arith.index_cast %add3A_1873 : i32 to index
        %get3A_2330 = arith.constant 112 : index
        %get3A_2331 = tpu.vector_load %arg13[%get3A_2328, %get3A_2329, %get3A_2330] {strides = array<i32>} : memref<3x32x128xf32, #tpu.memory_space<vmem>>, vector<16xf32>,
        %mul3A_2332 = arith.mulf %get3A_2323, %get3A_2327 : vector<16xf32>
        %mul3A_2333 = arith.mulf %mul3A_2332, %get3A_2331 : vector<16xf32>
        %add3A_2334 = arith.addf %add3A_2274, %mul3A_2333 : vector<16xf32>
        %get3A_2335 = arith.index_cast %rem3A_170 : i32 to index
        %get3A_2336 = arith.index_cast %add3A_1879 : i32 to index
        %get3A_2337 = arith.constant 112 : index
        %get3A_2338 = tpu.vector_load %arg11[%get3A_2335, %get3A_2336, %get3A_2337] {strides = array<i32>} : memref<3x32x128xf32, #tpu.memory_space<vmem>>, vector<16xf32>,
        %get3A_2339 = arith.index_cast %rem3A_170 : i32 to index
        %get3A_2340 = arith.index_cast %add3A_1879 : i32 to index
        %get3A_2341 = arith.constant 112 : index
        %get3A_2342 = tpu.vector_load %arg12[%get3A_2339, %get3A_2340, %get3A_2341] {strides = array<i32>} : memref<3x32x128xf32, #tpu.memory_space<vmem>>, vector<16xf32>,
        %get3A_2343 = arith.index_cast %rem3A_170 : i32 to index
        %get3A_2344 = arith.index_cast %add3A_1879 : i32 to index
        %get3A_2345 = arith.constant 112 : index
        %get3A_2346 = tpu.vector_load %arg13[%get3A_2343, %get3A_2344, %get3A_2345] {strides = array<i32>} : memref<3x32x128xf32, #tpu.memory_space<vmem>>, vector<16xf32>,
        %mul3A_2347 = arith.mulf %get3A_2338, %get3A_2342 : vector<16xf32>
        %mul3A_2348 = arith.mulf %mul3A_2347, %get3A_2346 : vector<16xf32>
        %add3A_2349 = arith.addf %add3A_2289, %mul3A_2348 : vector<16xf32>
        %get3A_2350 = arith.index_cast %rem3A_170 : i32 to index
        %get3A_2351 = arith.index_cast %add3A_1885 : i32 to index
        %get3A_2352 = arith.constant 112 : index
        %get3A_2353 = tpu.vector_load %arg11[%get3A_2350, %get3A_2351, %get3A_2352] {strides = array<i32>} : memref<3x32x128xf32, #tpu.memory_space<vmem>>, vector<16xf32>,
        %get3A_2354 = arith.index_cast %rem3A_170 : i32 to index
        %get3A_2355 = arith.index_cast %add3A_1885 : i32 to index
        %get3A_2356 = arith.constant 112 : index
        %get3A_2357 = tpu.vector_load %arg12[%get3A_2354, %get3A_2355, %get3A_2356] {strides = array<i32>} : memref<3x32x128xf32, #tpu.memory_space<vmem>>, vector<16xf32>,
        %get3A_2358 = arith.index_cast %rem3A_170 : i32 to index
        %get3A_2359 = arith.index_cast %add3A_1885 : i32 to index
        %get3A_2360 = arith.constant 112 : index
        %get3A_2361 = tpu.vector_load %arg13[%get3A_2358, %get3A_2359, %get3A_2360] {strides = array<i32>} : memref<3x32x128xf32, #tpu.memory_space<vmem>>, vector<16xf32>,
        %mul3A_2362 = arith.mulf %get3A_2353, %get3A_2357 : vector<16xf32>
        %mul3A_2363 = arith.mulf %mul3A_2362, %get3A_2361 : vector<16xf32>
        %add3A_2364 = arith.addf %add3A_2304, %mul3A_2363 : vector<16xf32>
        %get3A_2365 = arith.index_cast %rem3A_170 : i32 to index
        %get3A_2366 = arith.index_cast %add3A_1891 : i32 to index
        %get3A_2367 = arith.constant 112 : index
        %get3A_2368 = tpu.vector_load %arg11[%get3A_2365, %get3A_2366, %get3A_2367] {strides = array<i32>} : memref<3x32x128xf32, #tpu.memory_space<vmem>>, vector<16xf32>,
        %get3A_2369 = arith.index_cast %rem3A_170 : i32 to index
        %get3A_2370 = arith.index_cast %add3A_1891 : i32 to index
        %get3A_2371 = arith.constant 112 : index
        %get3A_2372 = tpu.vector_load %arg12[%get3A_2369, %get3A_2370, %get3A_2371] {strides = array<i32>} : memref<3x32x128xf32, #tpu.memory_space<vmem>>, vector<16xf32>,
        %get3A_2373 = arith.index_cast %rem3A_170 : i32 to index
        %get3A_2374 = arith.index_cast %add3A_1891 : i32 to index
        %get3A_2375 = arith.constant 112 : index
        %get3A_2376 = tpu.vector_load %arg13[%get3A_2373, %get3A_2374, %get3A_2375] {strides = array<i32>} : memref<3x32x128xf32, #tpu.memory_space<vmem>>, vector<16xf32>,
        %mul3A_2377 = arith.mulf %get3A_2368, %get3A_2372 : vector<16xf32>
        %mul3A_2378 = arith.mulf %mul3A_2377, %get3A_2376 : vector<16xf32>
        %add3A_2379 = arith.addf %add3A_2319, %mul3A_2378 : vector<16xf32>
        %mul3A_2380 = arith.constant 16 : i32
        %mul3A_2381 = vector.broadcast %mul3A_2380 : i32 to vector<16xi32>
        %mul3A_2382 = arith.muli %iota3A, %mul3A_2381 : vector<16xi32>
        %add3A_2383 = arith.constant 12 : i32
        %add3A_2384 = vector.broadcast %add3A_2383 : i32 to vector<16xi32>
        %add3A_2385 = arith.addi %mul3A_2382, %add3A_2384 : vector<16xi32>
        tpu.vector_store_idx %arg16[%add3A_2385], %add3A_2334 : memref<256xf32, #tpu.memory_space<vmem>>[vector<16xi32>], vector<16xf32>,
        %mul3A_2386 = arith.constant 16 : i32
        %mul3A_2387 = vector.broadcast %mul3A_2386 : i32 to vector<16xi32>
        %mul3A_2388 = arith.muli %iota3A, %mul3A_2387 : vector<16xi32>
        %add3A_2389 = arith.constant 13 : i32
        %add3A_2390 = vector.broadcast %add3A_2389 : i32 to vector<16xi32>
        %add3A_2391 = arith.addi %mul3A_2388, %add3A_2390 : vector<16xi32>
        tpu.vector_store_idx %arg16[%add3A_2391], %add3A_2349 : memref<256xf32, #tpu.memory_space<vmem>>[vector<16xi32>], vector<16xf32>,
        %mul3A_2392 = arith.constant 16 : i32
        %mul3A_2393 = vector.broadcast %mul3A_2392 : i32 to vector<16xi32>
        %mul3A_2394 = arith.muli %iota3A, %mul3A_2393 : vector<16xi32>
        %add3A_2395 = arith.constant 14 : i32
        %add3A_2396 = vector.broadcast %add3A_2395 : i32 to vector<16xi32>
        %add3A_2397 = arith.addi %mul3A_2394, %add3A_2396 : vector<16xi32>
        tpu.vector_store_idx %arg16[%add3A_2397], %add3A_2364 : memref<256xf32, #tpu.memory_space<vmem>>[vector<16xi32>], vector<16xf32>,
        %mul3A_2398 = arith.constant 16 : i32
        %mul3A_2399 = vector.broadcast %mul3A_2398 : i32 to vector<16xi32>
        %mul3A_2400 = arith.muli %iota3A, %mul3A_2399 : vector<16xi32>
        %add3A_2401 = arith.constant 15 : i32
        %add3A_2402 = vector.broadcast %add3A_2401 : i32 to vector<16xi32>
        %add3A_2403 = arith.addi %mul3A_2400, %add3A_2402 : vector<16xi32>
        tpu.vector_store_idx %arg16[%add3A_2403], %add3A_2379 : memref<256xf32, #tpu.memory_space<vmem>>[vector<16xi32>], vector<16xf32>,
        %get3A_2404 = arith.constant 0 : index
        %get3A_2405 = tpu.vector_load %arg16[%get3A_2404] {strides = array<i32>} : memref<256xf32, #tpu.memory_space<vmem>>, vector<16xf32>,
        %get3A_2406 = arith.constant 16 : index
        %get3A_2407 = tpu.vector_load %arg16[%get3A_2406] {strides = array<i32>} : memref<256xf32, #tpu.memory_space<vmem>>, vector<16xf32>,
        %get3A_2408 = arith.constant 32 : index
        %get3A_2409 = tpu.vector_load %arg16[%get3A_2408] {strides = array<i32>} : memref<256xf32, #tpu.memory_space<vmem>>, vector<16xf32>,
        %get3A_2410 = arith.constant 48 : index
        %get3A_2411 = tpu.vector_load %arg16[%get3A_2410] {strides = array<i32>} : memref<256xf32, #tpu.memory_space<vmem>>, vector<16xf32>,
        %get3A_2412 = arith.constant 64 : index
        %get3A_2413 = tpu.vector_load %arg16[%get3A_2412] {strides = array<i32>} : memref<256xf32, #tpu.memory_space<vmem>>, vector<16xf32>,
        %get3A_2414 = arith.constant 80 : index
        %get3A_2415 = tpu.vector_load %arg16[%get3A_2414] {strides = array<i32>} : memref<256xf32, #tpu.memory_space<vmem>>, vector<16xf32>,
        %get3A_2416 = arith.constant 96 : index
        %get3A_2417 = tpu.vector_load %arg16[%get3A_2416] {strides = array<i32>} : memref<256xf32, #tpu.memory_space<vmem>>, vector<16xf32>,
        %get3A_2418 = arith.constant 112 : index
        %get3A_2419 = tpu.vector_load %arg16[%get3A_2418] {strides = array<i32>} : memref<256xf32, #tpu.memory_space<vmem>>, vector<16xf32>,
        %get3A_2420 = arith.constant 128 : index
        %get3A_2421 = tpu.vector_load %arg16[%get3A_2420] {strides = array<i32>} : memref<256xf32, #tpu.memory_space<vmem>>, vector<16xf32>,
        %get3A_2422 = arith.constant 144 : index
        %get3A_2423 = tpu.vector_load %arg16[%get3A_2422] {strides = array<i32>} : memref<256xf32, #tpu.memory_space<vmem>>, vector<16xf32>,
        %get3A_2424 = arith.constant 160 : index
        %get3A_2425 = tpu.vector_load %arg16[%get3A_2424] {strides = array<i32>} : memref<256xf32, #tpu.memory_space<vmem>>, vector<16xf32>,
        %get3A_2426 = arith.constant 176 : index
        %get3A_2427 = tpu.vector_load %arg16[%get3A_2426] {strides = array<i32>} : memref<256xf32, #tpu.memory_space<vmem>>, vector<16xf32>,
        %get3A_2428 = arith.constant 192 : index
        %get3A_2429 = tpu.vector_load %arg16[%get3A_2428] {strides = array<i32>} : memref<256xf32, #tpu.memory_space<vmem>>, vector<16xf32>,
        %get3A_2430 = arith.constant 208 : index
        %get3A_2431 = tpu.vector_load %arg16[%get3A_2430] {strides = array<i32>} : memref<256xf32, #tpu.memory_space<vmem>>, vector<16xf32>,
        %get3A_2432 = arith.constant 224 : index
        %get3A_2433 = tpu.vector_load %arg16[%get3A_2432] {strides = array<i32>} : memref<256xf32, #tpu.memory_space<vmem>>, vector<16xf32>,
        %get3A_2434 = arith.constant 240 : index
        %get3A_2435 = tpu.vector_load %arg16[%get3A_2434] {strides = array<i32>} : memref<256xf32, #tpu.memory_space<vmem>>, vector<16xf32>,
        %add3A_2436 = arith.addf %get3A_2405, %get3A_2407 : vector<16xf32>
        %add3A_2437 = arith.addf %get3A_2409, %get3A_2411 : vector<16xf32>
        %add3A_2438 = arith.addf %get3A_2413, %get3A_2415 : vector<16xf32>
        %add3A_2439 = arith.addf %get3A_2417, %get3A_2419 : vector<16xf32>
        %add3A_2440 = arith.addf %get3A_2421, %get3A_2423 : vector<16xf32>
        %add3A_2441 = arith.addf %get3A_2425, %get3A_2427 : vector<16xf32>
        %add3A_2442 = arith.addf %get3A_2429, %get3A_2431 : vector<16xf32>
        %add3A_2443 = arith.addf %get3A_2433, %get3A_2435 : vector<16xf32>
        %add3A_2444 = arith.addf %add3A_2436, %add3A_2437 : vector<16xf32>
        %add3A_2445 = arith.addf %add3A_2438, %add3A_2439 : vector<16xf32>
        %add3A_2446 = arith.addf %add3A_2440, %add3A_2441 : vector<16xf32>
        %add3A_2447 = arith.addf %add3A_2442, %add3A_2443 : vector<16xf32>
        %add3A_2448 = arith.addf %add3A_2444, %add3A_2445 : vector<16xf32>
        %add3A_2449 = arith.addf %add3A_2446, %add3A_2447 : vector<16xf32>
        %add3A_2450 = arith.addf %add3A_2448, %add3A_2449 : vector<16xf32>
        %mul3A_2451 = arith.constant 16 : i32
        %mul3A_2452 = arith.muli %add3A_261, %mul3A_2451 : i32
        %get3A_2453 = arith.index_cast %rem3A_170 : i32 to index
        %get3A_2454 = arith.index_cast %mul3A_2452 : i32 to index
        %get3A_2455 = tpu.vector_load %arg14[%get3A_2453, %get3A_2454] {strides = array<i32>} : memref<3x32xf32, #tpu.memory_space<vmem>>, vector<16xf32>,
        %sub3A = arith.subf %get3A_2455, %add3A_2450 : vector<16xf32>
        %exp3A = math.exp %sub3A : vector<16xf32>
        %add3A_2456 = arith.constant 1.000000e+00 : f32
        %add3A_2457 = vector.broadcast %add3A_2456 : f32 to vector<16xf32>
        %add3A_2458 = arith.addf %add3A_2457, %exp3A : vector<16xf32>
        %div3A = arith.constant 1.000000e+00 : f32
        %div3A_2459 = vector.broadcast %div3A : f32 to vector<16xf32>
        %div3A_2460 = arith.divf %div3A_2459, %add3A_2458 : vector<16xf32>
        %mul3A_2461 = arith.constant 16 : i32
        %mul3A_2462 = arith.muli %add3A_261, %mul3A_2461 : i32
        %swap3A = arith.index_cast %rem3A_170 : i32 to index
        %swap3A_2463 = arith.index_cast %mul3A_2462 : i32 to index
        %swap3A_2464 = tpu.vector_load %arg15[%swap3A, %swap3A_2463] {strides = array<i32>} : memref<3x32xf32, #tpu.memory_space<vmem>>, vector<16xf32>,
        tpu.vector_store %arg15[%swap3A, %swap3A_2463], %div3A_2460 {strides = array<i32>} : memref<3x32xf32, #tpu.memory_space<vmem>>, vector<16xf32>,
      }
      %scan3A_243 = arith.constant 2 : i32
      %mul3A_244 = arith.constant 32 : i32
      %mul3A_245 = arith.muli %add3A_169, %mul3A_244 : i32
      %add3A_246 = arith.addi %mul3A_2, %mul3A_245 : i32
      %dma_start3A_247 = arith.constant 0 : i32
      %dma_start3A_248 = tpu.memref_slice %arg15[%rem3A_170, %dma_start3A_247] : memref<3x32xf32, #tpu.memory_space<vmem>> -> memref<1x32xf32, #tpu.memory_space<vmem>>
      %dma_start3A_249 = tpu.memref_squeeze %dma_start3A_248 : memref<1x32xf32, #tpu.memory_space<vmem>> -> memref<32xf32, #tpu.memory_space<vmem>>
      %dma_start3A_250 = tpu.memref_slice %arg8[%add3A_246] : memref<16384xf32, #tpu.memory_space<hbm>> -> memref<32xf32, #tpu.memory_space<hbm>>
      %dma_start3A_251 = tpu.memref_slice %arg18[%rem3A_170] : memref<3x!tpu.dma_semaphore, #tpu.memory_space<semaphore_mem>> -> memref<1x!tpu.dma_semaphore, #tpu.memory_space<semaphore_mem>>
      %dma_start3A_252 = tpu.memref_squeeze %dma_start3A_251 : memref<1x!tpu.dma_semaphore, #tpu.memory_space<semaphore_mem>> -> memref<!tpu.dma_semaphore, #tpu.memory_space<semaphore_mem>>
      %dma_start3A_253 = tpu.memref_slice %arg8[%add3A_246] : memref<16384xf32, #tpu.memory_space<hbm>> -> memref<32xf32, #tpu.memory_space<hbm>>
      %dma_start3A_254 = arith.constant 0 : i32
      %dma_start3A_255 = tpu.memref_slice %arg15[%rem3A_170, %dma_start3A_254] : memref<3x32xf32, #tpu.memory_space<vmem>> -> memref<1x32xf32, #tpu.memory_space<vmem>>
      %dma_start3A_256 = tpu.memref_squeeze %dma_start3A_255 : memref<1x32xf32, #tpu.memory_space<vmem>> -> memref<32xf32, #tpu.memory_space<vmem>>
      tpu.enqueue_dma source(%dma_start3A_256 : memref<32xf32, #tpu.memory_space<vmem>>) target(%dma_start3A_253 : memref<32xf32, #tpu.memory_space<hbm>>) target_semaphore(%dma_start3A_252 : memref<!tpu.dma_semaphore, #tpu.memory_space<semaphore_mem>>)
    }
    %scan3A_122 = arith.constant 16 : i32
    %dma_wait3A_123 = arith.constant 0 : i32
    %dma_wait3A_124 = arith.constant 0 : i32
    %dma_wait3A_125 = arith.constant 0 : i32
    %dma_wait3A_126 = tpu.memref_slice %arg15[%dma_wait3A_123, %dma_wait3A_125] : memref<3x32xf32, #tpu.memory_space<vmem>> -> memref<1x32xf32, #tpu.memory_space<vmem>>
    %dma_wait3A_127 = tpu.memref_squeeze %dma_wait3A_126 : memref<1x32xf32, #tpu.memory_space<vmem>> -> memref<32xf32, #tpu.memory_space<vmem>>
    %dma_wait3A_128 = arith.constant 0 : i32
    %dma_wait3A_129 = tpu.memref_slice %arg8[%dma_wait3A_128] : memref<16384xf32, #tpu.memory_space<hbm>> -> memref<32xf32, #tpu.memory_space<hbm>>
    %dma_wait3A_130 = tpu.memref_slice %arg18[%dma_wait3A_124] : memref<3x!tpu.dma_semaphore, #tpu.memory_space<semaphore_mem>> -> memref<1x!tpu.dma_semaphore, #tpu.memory_space<semaphore_mem>>
    %dma_wait3A_131 = tpu.memref_squeeze %dma_wait3A_130 : memref<1x!tpu.dma_semaphore, #tpu.memory_space<semaphore_mem>> -> memref<!tpu.dma_semaphore, #tpu.memory_space<semaphore_mem>>
    %dma_wait3A_132 = arith.constant 0 : i32
    %dma_wait3A_133 = tpu.memref_slice %arg8[%dma_wait3A_132] : memref<16384xf32, #tpu.memory_space<hbm>> -> memref<32xf32, #tpu.memory_space<hbm>>
    %dma_wait3A_134 = arith.constant 0 : i32
    %dma_wait3A_135 = tpu.memref_slice %arg15[%dma_wait3A_123, %dma_wait3A_134] : memref<3x32xf32, #tpu.memory_space<vmem>> -> memref<1x32xf32, #tpu.memory_space<vmem>>
    %dma_wait3A_136 = tpu.memref_squeeze %dma_wait3A_135 : memref<1x32xf32, #tpu.memory_space<vmem>> -> memref<32xf32, #tpu.memory_space<vmem>>
    tpu.wait_dma2 semaphore(%dma_wait3A_131 : memref<!tpu.dma_semaphore, #tpu.memory_space<semaphore_mem>>) src(%dma_wait3A_136 : memref<32xf32, #tpu.memory_space<vmem>>) dst(%dma_wait3A_133 : memref<32xf32, #tpu.memory_space<hbm>>)
    %dma_wait3A_137 = arith.constant 1 : i32
    %dma_wait3A_138 = arith.constant 1 : i32
    %dma_wait3A_139 = arith.constant 0 : i32
    %dma_wait3A_140 = tpu.memref_slice %arg15[%dma_wait3A_137, %dma_wait3A_139] : memref<3x32xf32, #tpu.memory_space<vmem>> -> memref<1x32xf32, #tpu.memory_space<vmem>>
    %dma_wait3A_141 = tpu.memref_squeeze %dma_wait3A_140 : memref<1x32xf32, #tpu.memory_space<vmem>> -> memref<32xf32, #tpu.memory_space<vmem>>
    %dma_wait3A_142 = arith.constant 0 : i32
    %dma_wait3A_143 = tpu.memref_slice %arg8[%dma_wait3A_142] : memref<16384xf32, #tpu.memory_space<hbm>> -> memref<32xf32, #tpu.memory_space<hbm>>
    %dma_wait3A_144 = tpu.memref_slice %arg18[%dma_wait3A_138] : memref<3x!tpu.dma_semaphore, #tpu.memory_space<semaphore_mem>> -> memref<1x!tpu.dma_semaphore, #tpu.memory_space<semaphore_mem>>
    %dma_wait3A_145 = tpu.memref_squeeze %dma_wait3A_144 : memref<1x!tpu.dma_semaphore, #tpu.memory_space<semaphore_mem>> -> memref<!tpu.dma_semaphore, #tpu.memory_space<semaphore_mem>>
    %dma_wait3A_146 = arith.constant 0 : i32
    %dma_wait3A_147 = tpu.memref_slice %arg8[%dma_wait3A_146] : memref<16384xf32, #tpu.memory_space<hbm>> -> memref<32xf32, #tpu.memory_space<hbm>>
    %dma_wait3A_148 = arith.constant 0 : i32
    %dma_wait3A_149 = tpu.memref_slice %arg15[%dma_wait3A_137, %dma_wait3A_148] : memref<3x32xf32, #tpu.memory_space<vmem>> -> memref<1x32xf32, #tpu.memory_space<vmem>>
    %dma_wait3A_150 = tpu.memref_squeeze %dma_wait3A_149 : memref<1x32xf32, #tpu.memory_space<vmem>> -> memref<32xf32, #tpu.memory_space<vmem>>
    tpu.wait_dma2 semaphore(%dma_wait3A_145 : memref<!tpu.dma_semaphore, #tpu.memory_space<semaphore_mem>>) src(%dma_wait3A_150 : memref<32xf32, #tpu.memory_space<vmem>>) dst(%dma_wait3A_147 : memref<32xf32, #tpu.memory_space<hbm>>)
    %dma_wait3A_151 = arith.constant 2 : i32
    %dma_wait3A_152 = arith.constant 2 : i32
    %dma_wait3A_153 = arith.constant 0 : i32
    %dma_wait3A_154 = tpu.memref_slice %arg15[%dma_wait3A_151, %dma_wait3A_153] : memref<3x32xf32, #tpu.memory_space<vmem>> -> memref<1x32xf32, #tpu.memory_space<vmem>>
    %dma_wait3A_155 = tpu.memref_squeeze %dma_wait3A_154 : memref<1x32xf32, #tpu.memory_space<vmem>> -> memref<32xf32, #tpu.memory_space<vmem>>
    %dma_wait3A_156 = arith.constant 0 : i32
    %dma_wait3A_157 = tpu.memref_slice %arg8[%dma_wait3A_156] : memref<16384xf32, #tpu.memory_space<hbm>> -> memref<32xf32, #tpu.memory_space<hbm>>
    %dma_wait3A_158 = tpu.memref_slice %arg18[%dma_wait3A_152] : memref<3x!tpu.dma_semaphore, #tpu.memory_space<semaphore_mem>> -> memref<1x!tpu.dma_semaphore, #tpu.memory_space<semaphore_mem>>
    %dma_wait3A_159 = tpu.memref_squeeze %dma_wait3A_158 : memref<1x!tpu.dma_semaphore, #tpu.memory_space<semaphore_mem>> -> memref<!tpu.dma_semaphore, #tpu.memory_space<semaphore_mem>>
    %dma_wait3A_160 = arith.constant 0 : i32
    %dma_wait3A_161 = tpu.memref_slice %arg8[%dma_wait3A_160] : memref<16384xf32, #tpu.memory_space<hbm>> -> memref<32xf32, #tpu.memory_space<hbm>>
    %dma_wait3A_162 = arith.constant 0 : i32
    %dma_wait3A_163 = tpu.memref_slice %arg15[%dma_wait3A_151, %dma_wait3A_162] : memref<3x32xf32, #tpu.memory_space<vmem>> -> memref<1x32xf32, #tpu.memory_space<vmem>>
    %dma_wait3A_164 = tpu.memref_squeeze %dma_wait3A_163 : memref<1x32xf32, #tpu.memory_space<vmem>> -> memref<32xf32, #tpu.memory_space<vmem>>
    tpu.wait_dma2 semaphore(%dma_wait3A_159 : memref<!tpu.dma_semaphore, #tpu.memory_space<semaphore_mem>>) src(%dma_wait3A_164 : memref<32xf32, #tpu.memory_space<vmem>>) dst(%dma_wait3A_161 : memref<32xf32, #tpu.memory_space<hbm>>)
    return
  }
}

</mosaic_0001>

<sc_bundles>
// kernel: kernel.3.cloned.1.call-start
scs
__scs_entry_jumppad:
0x0: {  	(pc) =	sbr.rel $0x88, $3  }
0x1: {  	(tag) =	ssettag $0x0;
	lr =	simm.s32 $0x1  }
0x2: {  	[smem:$0x3F9B] =	sst lr;
	_ =	strace $0xD0000000  }
0x3: {  	_ = 	snop  }
0x4: {  	_ = 	snop  }
0x5: {  	_ = 	snop  }
0x6: {  	_ = 	snop  }
0x7: {  	_ = 	snop  }
__scs_overlays_trampoline_lowered:
0x8: {  	[smem:$0x3FAA] =	sst s0  }
0x9: {  	[smem:$0x3FAB] =	sst s1  }
0xa: {  	[smem:$0x3FAC] =	sst s2  }
0xb: {  	[smem:$0x3FAD] =	sst s3  }
0xc: {  	[smem:$0x3FAE] =	sst s4  }
0xd: {  	[smem:$0x3FAF] =	sst s5  }
0xe: {  	[smem:$0x3FB0] =	sst s6  }
0xf: {  	[smem:$0x3FB1] =	sst s7  }
0x10: {  	[smem:$0x3FB2] =	sst s8  }
0x11: {  	[smem:$0x3FB3] =	sst s9;
	s0 =	simm.s32 @!p0 $0x0  }
0x12: {  	s1 =	sld [smem:$0x3F99];
	s0 =	simm.s32 @p0 $0x1  }
0x13: {  	[smem:$0x3FB4] =	sst s0;
	s0 =	simm.s32 @!p1 $0x0  }
0x14: {  	s2 =	sld [smem:$0x3F98];
	s0 =	simm.s32 @p1 $0x1  }
0x15: {  	[smem:$0x3FB5] =	sst s0;
	s0 =	simm.s32 @!p2 $0x0  }
0x16: {  	s3 =	sld [smem:$0x3FDB];
	s0 =	simm.s32 @p2 $0x1  }
0x17: {  	s4 =	simm.s32 $0x1BF5;
	[smem:$0x3FB7] =	sst s0  }
0x18: {  	s0 =	sld [smem:$0x3F9A];
	_ =	swait.ge [sflag:s4], $0x0  }
0x19: {  	s7 =	sld [smem:$0x3F9B]  }
0x1a: {  	s8 =	sadd.s32 $0xFFFFE003, lr  }
0x1b: {  	s9 =	sadd.s32 $0xFFFFFEF7, lr;
	s5 =	simm.s32 $0xFFFFFFFF;
	p2 =	slt.u32 s8, $0xFFFFF086  }
0x1c: {  	p1 =	slt.u32 s9, $0xF7A;
	s5 =	simm.s32 @!p2 $0x0  }
0x1d: {  	s5 =	simm.s32 @p1 $0x1;
	p0 =	seq.s32 s7, s2  }
0x1e: {  	s7 =	smul.u32 @!p0 $0xF7A, s2;
	p2 =	seq.s32 @!p0 s5, $0x0  }
0x1f: {  	s9 =	smul.u32 $0xF7A, s1;
	s8 =	simm.s32 @!p0 $0x1BF5;
	p2 =	por !p2, p0  }
0x20: {  	[sflag:s8] =	ssyncset.s32 @!p0 $0xFFFFF086;
	s6 =	sadd.s32 @!p0 s3, s7;
	s7 =	simm.s32 @!p0 $0x108  }
0x21: {  	s3 =	sadd.s32 s3, s9;
	s6 =	sadd.s32 @!p0 $0x88, s6;
	s7 =	simm.s32 @p2 $0x1082  }
0x22: {  	[simem:s7], [sflag:s8] =	dma.local @!p0 [hbm:s6], $0xF7A  }
0x23: {  	s9 =	sor.u32 $0xD0000000, s2;
	s6 =	simm.s32 $0x108;
	_ =	swait.ge @!p0 [sflag:s8], $0x0  }
0x24: {  	s3 =	sadd.s32 $0x88, s3;
	s6 =	simm.s32 @!p1 $0x1082;
	[sflag:s4] =	ssyncset.s32 $0xFFFFF086  }
0x25: {  	[simem:s6], [sflag:s4] =	dma.local [hbm:s3], $0xF7A  }
0x26: {  	[smem:$0x3F9B] =	sst s1;
	(tag) =	ssettag s2;
	_ =	strace s9  }
0x27: {  	s1 =	sld [smem:$0x3FAB]  }
0x28: {  	s2 =	sld [smem:$0x3FAC]  }
0x29: {  	s4 =	sld [smem:$0x3FAE]  }
0x2a: {  	p0 =	seq.s32 s5, $0x0;
	s5 =	sld [smem:$0x3FAF]  }
0x2b: {  	s6 =	sld [smem:$0x3FB0]  }
0x2c: {  	s7 =	sld [smem:$0x3FB1]  }
0x2d: {  	s3 =	simm.s32 $0x108;
	s8 =	sld [smem:$0x3FB2]  }
0x2e: {  	s3 =	simm.s32 @!p0 $0x1082;
	s9 =	sld [smem:$0x3FB3]  }
0x2f: {  	lr =	sadd.s32 s0, s3;
	s0 =	sld [smem:$0x3FAA]  }
0x30: {  	s3 =	sld [smem:$0x3FAD]  }
0x31: {  	[smem:$0x3FB6] =	sst s10  }
0x32: {  	s10 =	sld [smem:$0x3FB4];
	_ =	sdelay $0x3  }
0x33: {  	p0 =	seq.s32 s10, $0x1;
	s10 =	sld [smem:$0x3FB6];
	_ =	sdelay $0x3  }
0x34: {  	[smem:$0x3FB6] =	sst s10  }
0x35: {  	s10 =	sld [smem:$0x3FB5];
	_ =	sdelay $0x3  }
0x36: {  	p1 =	seq.s32 s10, $0x1;
	s10 =	sld [smem:$0x3FB6];
	_ =	sdelay $0x3  }
0x37: {  	[smem:$0x3FB6] =	sst s10  }
0x38: {  	s10 =	sld [smem:$0x3FB7]  }
0x39: {  	_ = 	snop;
	(pc) =	sbr.ind lr, $3  }
0x3a: {  	_ = 	snop  }
0x3b: {  	_ = 	snop  }
0x3c: {  	p2 =	seq.s32 s10, $0x1;
	s10 =	sld [smem:$0x3FB6]  }
0x3d: {  	_ =	shalt  }
0x3e: {  	_ =	shalt  }
0x3f: {  	_ =	shalt  }
0x40: {  	_ =	shalt  }
0x41: {  	_ =	shalt  }
0x42: {  	_ =	shalt  }
0x43: {  	_ =	shalt  }
0x44: {  	_ =	shalt  }
0x45: {  	_ =	shalt  }
0x46: {  	_ =	shalt  }
0x47: {  	_ =	shalt  }
0x48: {  	_ =	shalt  }
0x49: {  	_ =	shalt  }
0x4a: {  	_ =	shalt  }
0x4b: {  	_ =	shalt  }
0x4c: {  	_ =	shalt  }
0x4d: {  	_ =	shalt  }
0x4e: {  	_ =	shalt  }
0x4f: {  	_ =	shalt  }
0x50: {  	_ =	shalt  }
0x51: {  	_ =	shalt  }
0x52: {  	_ =	shalt  }
0x53: {  	_ =	shalt  }
0x54: {  	_ =	shalt  }
0x55: {  	_ =	shalt  }
0x56: {  	_ =	shalt  }
0x57: {  	_ =	shalt  }
0x58: {  	_ =	shalt  }
0x59: {  	_ =	shalt  }
0x5a: {  	_ =	shalt  }
0x5b: {  	_ =	shalt  }
0x5c: {  	_ =	shalt  }
0x5d: {  	_ =	shalt  }
0x5e: {  	_ =	shalt  }
0x5f: {  	_ =	shalt  }
0x60: {  	_ =	shalt  }
0x61: {  	_ =	shalt  }
0x62: {  	_ =	shalt  }
0x63: {  	_ =	shalt  }
0x64: {  	_ =	shalt  }
0x65: {  	_ =	shalt  }
0x66: {  	_ =	shalt  }
0x67: {  	_ =	shalt  }
0x68: {  	_ =	shalt  }
0x69: {  	_ =	shalt  }
0x6a: {  	_ =	shalt  }
0x6b: {  	_ =	shalt  }
0x6c: {  	_ =	shalt  }
0x6d: {  	_ =	shalt  }
0x6e: {  	_ =	shalt  }
0x6f: {  	_ =	shalt  }
0x70: {  	_ =	shalt  }
0x71: {  	_ =	shalt  }
0x72: {  	_ =	shalt  }
0x73: {  	_ =	shalt  }
0x74: {  	_ =	shalt  }
0x75: {  	_ =	shalt  }
0x76: {  	_ =	shalt  }
0x77: {  	_ =	shalt  }
0x78: {  	_ =	shalt  }
0x79: {  	_ =	shalt  }
0x7a: {  	_ =	shalt  }
0x7b: {  	_ =	shalt  }
0x7c: {  	_ =	shalt  }
0x7d: {  	_ =	shalt  }
0x7e: {  	_ =	shalt  }
0x7f: {  	_ =	shalt  }
0x80: {  	_ =	shalt  }
0x81: {  	_ =	shalt  }
0x82: {  	_ =	shalt  }
0x83: {  	_ =	shalt  }
0x84: {  	_ =	shalt  }
0x85: {  	_ =	shalt  }
0x86: {  	_ =	shalt  }
0x87: {  	_ =	shalt  }
.Lfunc_end0:
.L_simem_size_0:
called_computation_lowered:
.L_overlay_start_0:
0x88: {  	s2 =	sld [smem:$0x3FD9]  }
0x89: {  	s3 =	sld [smem:$0x3FFE];
	_ =	sdelay $0x1  }
0x8a: {  	s1 =	srdreg.scid  }
0x8b: {  	s0 =	sand.u32 $0x1, s1  }
0x8c: {  	s17 =	sshll.u32 s0, $0xA;
	s2 =	sadd.s32 s3, s2  }
0x8d: {  	s2 =	sadd.s32 s2, s17  }
0x8e: {  	[smem:$0x3FC2] =	sst s2  }
0x8f: {  	_ = 	snop  }
0x90: {  	s2 =	sld [smem:$0x3FC9]  }
0x91: {  	s18 =	sld [smem:$0x3FC8]  }
0x92: {  	s4 =	sld [smem:$0x3FC7]  }
0x93: {  	s5 =	sld [smem:$0x3FC6]  }
0x94: {  	s6 =	sld [smem:$0x3FC5]  }
0x95: {  	s7 =	sld [smem:$0x3FD0];
	(tm) =	ssettm $0x1  }
0x96: {  	s8 =	sld [smem:$0x3FFB];
	_ =	sdelay $0x3  }
0x97: {  	_ =	strace s8  }
0x98: {  	s8 =	sld [smem:$0x3FFC];
	_ =	sdelay $0x3  }
0x99: {  	_ =	strace s8  }
0x9a: {  	s8 =	sld [smem:$0x3FFD];
	_ =	sdelay $0x3  }
0x9b: {  	_ =	strace s8  }
0x9c: {  	_ =	strace $0x8FFFFFFF  }
0x9d: {  	s19 =	sld [smem:$0x3FDB];
	_ =	sdelay $0x1  }
0x9e: {  	s9 =	simm.s32 $_scs_section_size  }
0x9f: {  	s10 =	simm.s32 $_size__tile_overlayer_lowered;
	s11 =	simm.s32 $_tile_overlayer_lowered  }
0xa0: {  	s22 =	simm.s32 $0x1BFF;
	s21 =	sshll.u32 s11, $0x1;
	s8 =	sadd.s32 s9, s19  }
0xa1: {  	s12 =	simm.s32 $0x0;
	s20 =	sshll.u32 s10, $0x1;
	s10 =	sadd.s32 s21, s8  }
0xa2: {  	[timem:s12], [sflag:s22] =	dma.local [hbm:s10], s20  }
0xa3: {  	_ =	swait.ge [sflag:s22], s20  }
0xa4: {  	s9 =	ssub.s32 $0x0, s20;
	[sflag:s22] =	ssyncset.done $0x0  }
0xa5: {  	[sflag:s22] =	ssyncadd.s32 s9;
	_ =	sdelay $0x1  }
0xa6: {  	s23 =	simm.s32 $0x1B8B  }
0xa7: {  	_ =	swait.ge [sflag:s23], $0x1  }
0xa8: {  	[sflag:s23] =	ssyncset.done $0x0  }
0xa9: {  	s25 =	simm.s32 $0x1B8E;
	s24 =	sld [smem:$0x3FFE];
	[sflag:s23] =	ssyncadd.s32 $0xFFFFFFFF  }
0xaa: {  	s26 =	simm.s32 $execute0_lowered;
	[smem:$0x3FD2] =	sst s25  }
0xab: {  	s10 =	sshll.u32 s26, $0x1;
	_ =	strace $0x80000046;
	[dreg:$0x1] =	wrdreg $0xFFFFFFFF  }
0xac: {  	s28 =	simm.s32 $_size_execute0_lowered;
	s8 =	sadd.s32 s8, s10;
	[dreg:$0x0] =	wrdreg $0x0  }
0xad: {  	s10 =	sshll.u32 s28, $0x1;
	[dreg:$0x2] =	wrdreg s8  }
0xae: {  	[dreg:$0x3] =	wrdreg s10  }
0xaf: {  	[dreg:$0x4] =	wrdreg $0xC0  }
0xb0: {  	_ =	task [dreg:s12], $0x5FFFF  }
0xb1: {  	[dreg:$0x1] =	wrdreg $0xFFFFFFFF  }
0xb2: {  	[dreg:$0x0] =	wrdreg $0x60  }
0xb3: {  	[dreg:$0x2] =	wrdreg s2  }
0xb4: {  	[dreg:$0x3] =	wrdreg s18  }
0xb5: {  	[dreg:$0x4] =	wrdreg s4  }
0xb6: {  	[dreg:$0x5] =	wrdreg s5  }
0xb7: {  	[dreg:$0x6] =	wrdreg s6  }
0xb8: {  	[dreg:$0x7] =	wrdreg s24  }
0xb9: {  	[dreg:$0x8] =	wrdreg s7  }
0xba: {  	[dreg:$0x9] =	wrdreg $0x9  }
0xbb: {  	_ =	task.clear_ibuf [dreg:s12], $0xAFFFF;
	_ =	strace $0x90000046  }
0xbc: {  	s29 =	simm.s32 $0x9;
	_ =	strace $0x80000048  }
0xbd: {  	_ =	swait.ge [sflag:s29], $0x1  }
0xbe: {  	[sflag:s29] =	ssyncadd.s32 $0xFFFFFFFF  }
0xbf: {  	_ =	strace $0x90000048  }
0xc0: {  	_ =	sfence  }
0xc1: {  	s30 =	sld [smem:$0x0];
	_ =	sdelay $0x2  }
0xc2: {  	s31 =	sshll.u32 s1, $0xD;
	s1 =	sshrl.u32 s1, $0x2  }
0xc3: {  	s3 =	sand.u32 $0x4000, s31;
	s1 =	sadd.s32 s1, s30  }
0xc4: {  	s0 =	sor.u32 s3, s0;
	s1 =	sshll.u32 s1, $0x11  }
0xc5: {  	s0 =	sor.u32 s1, s0  }
0xc6: {  	s0 =	sadd.s32 $0x8F2B, s0  }
0xc7: {  	[sflag:s0] =	ssyncadd.remote.s32 $0x1  }
0xc8: {  	_ =	sfence.sel $0xFFFF  }
0xc9: {  	[dreg:$0x0] =	wrdreg $0xFFFFFFFF;
	(pc) =	sbr.abs _section_cstart, $3  }
0xca: {  	[dreg:$0x1] =	wrdreg $0xFFFFFFFF  }
0xcb: {  	_ =	task.clear_ibuf [dreg:s12], $0x2FFFF;
	_ =	strace $0x9FFFFFFF  }
0xcc: {  	(tm) =	ssettm $0x7FFFFFFF  }
0xcd: {  	_ =	shalt  }
tec
execute0_lowered:
.L_overlay_start_1:
0x0: {  	(tag) =	ssettag $0x1  }
0x1: {  	s0 =	rddreg [dreg:$0x0]  }
0x2: {  	s1 =	rddreg [dreg:$0x1]  }
0x3: {  	s10 =	rddreg [dreg:$0x2]  }
0x4: {  	s2 =	rddreg [dreg:$0x3];
	v0 =	vlaneseq.u32  }
0x5: {  	s3 =	rddreg [dreg:$0x4];
	s7 =	simm.s32 $0x0;
	v0 =	vmul.u32 $0x10, v0  }
0x6: {  	[smem:$0x7FF] =	sst s7  }
0x7: {  	s5 =	rddreg [dreg:$0x5];
	_ =	strace $0x80000047;
	v1 =	vor.u32 $0x1, v0;
	[tilespmem:$0x1FFB0] =	vst v0  }
0x8: {  	v54 =	vor.u32 $0x2, v0;
	[tilespmem:$0x1FF00] =	vst v1  }
0x9: {  	v55 =	vor.u32 $0x3, v0;
	[tilespmem:$0x1FF10] =	vst v54  }
0xa: {  	v56 =	vor.u32 $0x4, v0;
	[tilespmem:$0x1FF20] =	vst v55  }
0xb: {  	v57 =	vor.u32 $0x5, v0;
	[tilespmem:$0x1FF30] =	vst v56  }
0xc: {  	s4 =	srdreg.scid;
	v58 =	vor.u32 $0x6, v0;
	[tilespmem:$0x1FF40] =	vst v57  }
0xd: {  	s8 =	stileid.u32;
	s4 =	sand.u32 $0x1, s4;
	v59 =	vor.u32 $0x7, v0;
	[tilespmem:$0x1FF50] =	vst v58  }
0xe: {  	s8 =	sshll.u32 s8, $0x9;
	s6 =	sshll.u32 s4, $0xD;
	v60 =	vor.u32 $0x8, v0;
	[tilespmem:$0x1FF60] =	vst v59  }
0xf: {  	s8 =	sor.u32 s8, s6;
	v61 =	vor.u32 $0x9, v0;
	[tilespmem:$0x1FF70] =	vst v60  }
0x10: {  	s4 =	ssub.s32 $0x2, s4;
	v62 =	vor.u32 $0xA, v0;
	s28 =	sshrl.u32 s8, $0x3;
	[tilespmem:$0x1FF80] =	vst v61  }
0x11: {  	s26 =	sshrl.u32 s4, $0x1;
	v63 =	vor.u32 $0xB, v0;
	[tilespmem:$0x1FF90] =	vst v62;
	s0 =	sadd.s32 s0, s28  }
0x12: {  	v16 =	vor.u32 $0xC, v0;
	s9 =	sshll.u32 s8, $0x4;
	[tilespmem:$0x1FFA0] =	vst v63;
	s29 =	sadd.s32 s1, s28;
	[dreg:$0x9] =	wrdreg s0  }
0x13: {  	v17 =	vor.u32 $0xD, v0;
	s4 =	ssub.s32 s4, s26;
	[tilespmem:$0x1FFC0] =	vst v16;
	s9 =	sadd.s32 s10, s9;
	[dreg:$0xa] =	wrdreg s29  }
0x14: {  	v18 =	vor.u32 $0xE, v0;
	[tilespmem:$0x1FFD0] =	vst v17;
	s31 =	smax.u32 s4, $0x1;
	[dreg:$0x8] =	wrdreg s9  }
0x15: {  	v19 =	vor.u32 $0xF, v0;
	[tilespmem:$0x1FFE0] =	vst v18;
	s30 =	sadd.s32 $0x200, s9;
	[dreg:$0xc] =	wrdreg s31  }
0x16: {  	s26 =	simm.s32 $0x9800;
	[tilespmem:$0x1FFF0] =	vst v19;
	s4 =	simm.s32 $0x0;
	[dreg:$0xb] =	wrdreg s30  }
.LBB2_1:
0x17: {  	[dreg:$0xd] =	wrdreg s4  }
0x18: {  	s0 =	rddreg [dreg:$0x9]  }
0x19: {  	[tilespmem:s7], [sflag:$0x7] =	stream.linear.gather [hbm4b:s0+s7], $0x200, $0x38;
	[tilespmem:$0x9900] =	vst v63  }
0x1a: {  	s16 =	rddreg [dreg:$0xa];
	s1 =	simm.s32 $0x200;
	s17 =	simm.s32 $0x7  }
0x1b: {  	[tilespmem:s1], [sflag:$0x7] =	stream.linear.gather [hbm4b:s16+s7], $0x200, $0x38;
	[tilespmem:$0x9900] =	vst v63  }
0x1c: {  	_ =	swait.ge [sflag:s17], $0x200  }
0x1d: {  	[sflag:s17] =	ssyncset.done $0x0  }
0x1e: {  	[sflag:s17] =	ssyncadd.s32 $0xFFFFFE00  }
0x1f: {  	_ =	swait.ge [sflag:s17], $0x200  }
0x20: {  	[sflag:s17] =	ssyncset.done $0x0  }
0x21: {  	s18 =	simm.s32 $0x20;
	s19 =	simm.s32 $0x400;
	[sflag:s17] =	ssyncadd.s32 $0xFFFFFE00  }
0x22: {  	[tilespmem:s19], [sflag:$0x1] =	stream.indirect.gather [hbm4b:s2+s18], $0x80, s7, s18, $0xb8;
	[tilespmem:$0x9900] =	vst v63  }
0x23: {  	s20 =	simm.s32 $0x3400  }
0x24: {  	[tilespmem:s20], [sflag:$0x1] =	stream.indirect.gather [hbm4b:s3+s18], $0x80, s1, s18, $0xb8;
	[tilespmem:$0x9900] =	vst v63  }
0x25: {  	s21 =	simm.s32 $0x9400  }
0x26: {  	[tilespmem:s21], [sflag:$0x1] =	stream.indirect.gather [hbm4b:s5+s18], $0x1, s1, s18, $0xb8;
	[tilespmem:$0x9900] =	vst v63  }
0x27: {  	s23 =	simm.s32 $0x6400;
	s22 =	rddreg [dreg:$0x8]  }
0x28: {  	[tilespmem:s23], [sflag:$0x1] =	stream.linear.gather [hbm4b:s22+s7], $0x1000, $0x38;
	[tilespmem:$0x9900] =	vst v63  }
0x29: {  	s24 =	simm.s32 $0x1400  }
0x2a: {  	[tilespmem:s24], [sflag:$0x2] =	stream.indirect.gather [hbm4b:s2+s18], $0x80, s18, s18, $0xb8;
	[tilespmem:$0x9900] =	vst v63  }
0x2b: {  	s25 =	simm.s32 $0x220;
	s28 =	simm.s32 $0x4400  }
0x2c: {  	[tilespmem:s28], [sflag:$0x2] =	stream.indirect.gather [hbm4b:s3+s18], $0x80, s25, s18, $0xb8;
	[tilespmem:$0x9900] =	vst v63  }
0x2d: {  	s29 =	simm.s32 $0x9480  }
0x2e: {  	[tilespmem:s29], [sflag:$0x2] =	stream.indirect.gather [hbm4b:s5+s18], $0x1, s25, s18, $0xb8;
	[tilespmem:$0x9900] =	vst v63  }
0x2f: {  	s31 =	simm.s32 $0x7400;
	s0 =	simm.s32 $0x0;
	s30 =	rddreg [dreg:$0xb]  }
0x30: {  	[tilespmem:s31], [sflag:$0x2] =	stream.linear.gather [hbm4b:s30+s7], $0x1000, $0x38;
	[tilespmem:$0x9900] =	vst v63  }
.LBB2_2:
0x31: {  	p0 =	sgt.u32 s0, $0xD  }
0x32: {  	s1 =	sadd.s32 @!p0 $0x2, s0  }
0x33: {  	s4 =	smul.u32 @!p0 $0xAB, s1;
	_ =	sdelay $0x1  }
0x34: {  	s6 =	smul.u32 $0xAB, s0;
	s4 =	sshrl.u32 @!p0 s4, $0x9  }
0x35: {  	s4 =	sand.u32 @!p0 $0x7F, s4  }
0x36: {  	s6 =	sshrl.u32 s6, $0x9;
	s4 =	smul.u32 @!p0 $0x3, s4  }
0x37: {  	s6 =	sand.u32 $0x7F, s6  }
0x38: {  	s6 =	smul.u32 $0x3, s6;
	s4 =	ssub.s32 @!p0 s1, s4  }
0x39: {  	s4 =	sand.u32 @!p0 $0xFF, s4  }
0x3a: {  	s12 =	simm.s32 @!p0 $0x20;
	s25 =	ssub.s32 s0, s6;
	s9 =	sshll.u32 @!p0 s4, $0xC  }
0x3b: {  	s1 =	sshll.u32 @!p0 s1, $0x5;
	s11 =	sadd.s32 @!p0 $0x1, s4;
	s10 =	sor.u32 @!p0 $0x400, s9  }
0x3c: {  	[tilespmem:s10], [sflag:s11] =	stream.indirect.gather @!p0 [hbm4b:s2+s12], $0x80, s1, s12, $0xb8;
	[tilespmem:$0x9900] =	vst v63  }
0x3d: {  	s13 =	sadd.s32 @!p0 $0x200, s1;
	s4 =	sshll.u32 @!p0 s4, $0x7;
	s10 =	sadd.s32 @!p0 $0x3400, s9  }
0x3e: {  	[tilespmem:s10], [sflag:s11] =	stream.indirect.gather @!p0 [hbm4b:s3+s12], $0x80, s13, s12, $0xb8;
	[tilespmem:$0x9900] =	vst v63  }
0x3f: {  	s4 =	sor.u32 @!p0 $0x9400, s4;
	s6 =	sadd.s32 @!p0 $0x6400, s9;
	s1 =	sadd.s32 @!p0 s8, s1  }
0x40: {  	[tilespmem:s4], [sflag:s11] =	stream.indirect.gather @!p0 [hbm4b:s5+s12], $0x1, s13, s12, $0xb8;
	[tilespmem:$0x9900] =	vst v63  }
0x41: {  	s9 =	rddreg [dreg:$0x2];
	s1 =	sshll.u32 @!p0 s1, $0x4;
	s4 =	sand.u32 $0xFF, s25  }
0x42: {  	s1 =	sadd.s32 @!p0 s9, s1;
	s9 =	simm.s32 @!p0 $0x0;
	s31 =	sadd.s32 $0x1, s4  }
0x43: {  	[tilespmem:s6], [sflag:s11] =	stream.linear.gather @!p0 [hbm4b:s1+s9], $0x1000, $0x38;
	[tilespmem:$0x9900] =	vst v63  }
0x44: {  	_ =	swait.ge [sflag:s31], $0x1000  }
0x45: {  	[sflag:s31] =	ssyncset.done $0x0  }
0x46: {  	[sflag:s31] =	ssyncadd.s32 $0xFFFFF000  }
0x47: {  	_ =	swait.ge [sflag:s31], $0x1000  }
0x48: {  	s30 =	simm.s32 $0x0;
	[sflag:s31] =	ssyncset.done $0x0  }
0x49: {  	s17 =	sshll.u32 s4, $0xC;
	s12 =	sshll.u32 s4, $0x7;
	[sflag:s31] =	ssyncadd.s32 $0xFFFFF000  }
0x4a: {  	p0 =	slt.u32 s0, $0x3;
	s18 =	sor.u32 $0x80, s17;
	_ =	swait.ge [sflag:s31], $0x20  }
0x4b: {  	s19 =	sor.u32 $0x100, s17;
	s20 =	sor.u32 $0x180, s17;
	[sflag:s31] =	ssyncset.done $0x0  }
0x4c: {  	s21 =	sor.u32 $0x200, s17;
	s23 =	sor.u32 $0x280, s17;
	[sflag:s31] =	ssyncadd.s32 $0xFFFFFFE0  }
0x4d: {  	s24 =	sor.u32 $0x300, s17;
	s25 =	sor.u32 $0x380, s17;
	_ =	swait.ge [sflag:s31], $0x1000  }
0x4e: {  	s10 =	sor.u32 $0x400, s17;
	s11 =	sor.u32 $0x480, s17;
	[sflag:s31] =	ssyncset.done $0x0  }
0x4f: {  	s22 =	sor.u32 $0x500, s17;
	s1 =	sadd.s32 @!p0 $0x4, s4;
	[sflag:s31] =	ssyncadd.s32 $0xFFFFF000  }
0x50: {  	s13 =	sor.u32 $0x580, s17;
	s9 =	sor.u32 $0x600, s17;
	_ =	swait.ge @!p0 [sflag:s1], $0x20  }
0x51: {  	s14 =	sor.u32 $0x680, s17;
	s28 =	sor.u32 $0x700, s17;
	[sflag:s1] =	ssyncset.done @!p0 $0x0  }
0x52: {  	s29 =	sor.u32 $0x780, s17;
	[sflag:s1] =	ssyncadd.s32 @!p0 $0xFFFFFFE0;
	p0 =	por $0x1, $0x1  }
.LBB2_3:
0x53: {  	s15 =	sshll.u32 s30, $0xB  }
0x54: {  	s6 =	sor.u32 s17, s15  }
0x55: {  	v16 =	vld [tilespmem:s6+$0x400]  }
0x56: {  	v17 =	vld [tilespmem:s6+$0x3400]  }
0x57: {  	s1 =	sor.u32 s18, s15;
	v18 =	vld [tilespmem:s6+$0x6400]  }
0x58: {  	v19 =	vld [tilespmem:s1+$0x400]  }
0x59: {  	v20 =	vld [tilespmem:s1+$0x3400]  }
0x5a: {  	s16 =	sor.u32 s19, s15;
	v21 =	vld [tilespmem:s1+$0x6400]  }
0x5b: {  	v22 =	vld [tilespmem:s16+$0x400]  }
0x5c: {  	v23 =	vld [tilespmem:s16+$0x3400]  }
0x5d: {  	s31 =	sor.u32 s20, s15;
	v24 =	vld [tilespmem:s16+$0x6400]  }
0x5e: {  	v25 =	vld [tilespmem:s31+$0x400]  }
0x5f: {  	v26 =	vld [tilespmem:s31+$0x3400]  }
0x60: {  	v27 =	vld [tilespmem:s31+$0x6400]  }
0x61: {  	v28 =	vld [tilespmem:s6+$0x410]  }
0x62: {  	v29 =	vld [tilespmem:s6+$0x3410]  }
0x63: {  	v30 =	vld [tilespmem:s6+$0x6410]  }
0x64: {  	v31 =	vld [tilespmem:s1+$0x410]  }
0x65: {  	v32 =	vld [tilespmem:s1+$0x3410]  }
0x66: {  	v33 =	vld [tilespmem:s1+$0x6410]  }
0x67: {  	v34 =	vld [tilespmem:s16+$0x410]  }
0x68: {  	v35 =	vld [tilespmem:s16+$0x3410]  }
0x69: {  	v36 =	vld [tilespmem:s16+$0x6410]  }
0x6a: {  	v37 =	vld [tilespmem:s31+$0x410]  }
0x6b: {  	v38 =	vld [tilespmem:s31+$0x3410]  }
0x6c: {  	v39 =	vld [tilespmem:s31+$0x6410]  }
0x6d: {  	v40 =	vld [tilespmem:s6+$0x420]  }
0x6e: {  	v41 =	vld [tilespmem:s6+$0x3420]  }
0x6f: {  	v42 =	vld [tilespmem:s6+$0x6420]  }
0x70: {  	v43 =	vld [tilespmem:s1+$0x420]  }
0x71: {  	v44 =	vld [tilespmem:s1+$0x3420]  }
0x72: {  	v45 =	vld [tilespmem:s1+$0x6420]  }
0x73: {  	v46 =	vld [tilespmem:s16+$0x420]  }
0x74: {  	v47 =	vld [tilespmem:s16+$0x3420]  }
0x75: {  	v48 =	vld [tilespmem:s16+$0x6420]  }
0x76: {  	v49 =	vld [tilespmem:s31+$0x420]  }
0x77: {  	v50 =	vld [tilespmem:s31+$0x3420]  }
0x78: {  	v51 =	vld [tilespmem:s31+$0x6420]  }
0x79: {  	v52 =	vld [tilespmem:s6+$0x430]  }
0x7a: {  	v53 =	vld [tilespmem:s6+$0x3430]  }
0x7b: {  	v54 =	vld [tilespmem:s6+$0x6430]  }
0x7c: {  	v55 =	vld [tilespmem:s1+$0x430]  }
0x7d: {  	v56 =	vld [tilespmem:s1+$0x3430]  }
0x7e: {  	v57 =	vld [tilespmem:s1+$0x6430]  }
0x7f: {  	v58 =	vld [tilespmem:s16+$0x430]  }
0x80: {  	v59 =	vld [tilespmem:s16+$0x3430]  }
0x81: {  	v60 =	vld [tilespmem:s16+$0x6430]  }
0x82: {  	v61 =	vld [tilespmem:s31+$0x430]  }
0x83: {  	v62 =	vld [tilespmem:s31+$0x3430]  }
0x84: {  	v63 =	vld [tilespmem:s31+$0x6430]  }
0x85: {  	v0 =	vld [tilespmem:s6+$0x440]  }
0x86: {  	v1 =	vld [tilespmem:s6+$0x3440]  }
0x87: {  	v5 =	vld [tilespmem:s6+$0x6440]  }
0x88: {  	v3 =	vld [tilespmem:s1+$0x440]  }
0x89: {  	v4 =	vld [tilespmem:s1+$0x3440]  }
0x8a: {  	v8 =	vld [tilespmem:s1+$0x6440]  }
0x8b: {  	v6 =	vld [tilespmem:s16+$0x440]  }
0x8c: {  	v7 =	vld [tilespmem:s16+$0x3440]  }
0x8d: {  	v14 =	vld [tilespmem:s16+$0x6440]  }
0x8e: {  	v9 =	vld [tilespmem:s31+$0x440]  }
0x8f: {  	v10 =	vld [tilespmem:s31+$0x3440]  }
0x90: {  	v15 =	vld [tilespmem:s6+$0x6450]  }
0x91: {  	v2 =	vld [tilespmem:s31+$0x6440]  }
0x92: {  	v11 =	vld [tilespmem:s1+$0x6450]  }
0x93: {  	v12 =	vld [tilespmem:s6+$0x450]  }
0x94: {  	v13 =	vld [tilespmem:s6+$0x3450]  }
0x95: {  	[tilespmem:$0x1FE50] =	vst v15;
	v15 =	vld [tilespmem:s1+$0x450]  }
0x96: {  	[tilespmem:$0x1FE40] =	vst v2;
	v2 =	vld [tilespmem:s1+$0x3450]  }
0x97: {  	[tilespmem:$0x1FE60] =	vst v11;
	v11 =	vld [tilespmem:s16+$0x450]  }
0x98: {  	v16 =	vmul.f32 v17, v16;
	v17 =	vld [tilespmem:s16+$0x3450]  }
0x99: {  	v19 =	vmul.f32 v20, v19;
	v20 =	vld [tilespmem:s16+$0x6450]  }
0x9a: {  	v32 =	vmul.f32 v32, v31;
	v31 =	vld [tilespmem:s6+$0x6460]  }
0x9b: {  	v38 =	vmul.f32 v38, v37;
	v37 =	vld [tilespmem:s16+$0x460]  }
0x9c: {  	v41 =	vmul.f32 v41, v40;
	v40 =	vld [tilespmem:s31+$0x460]  }
0x9d: {  	v0 =	vmul.f32 v1, v0;
	v1 =	vld [tilespmem:s31+$0x6460]  }
0x9e: {  	v35 =	vmul.f32 v35, v34;
	v43 =	vmul.f32 v44, v43;
	v34 =	vld [tilespmem:s16+$0x3470]  }
0x9f: {  	v16 =	vmul.f32 v18, v16;
	v18 =	vmul.f32 v23, v22;
	v22 =	vld [tilespmem:s31+$0x450]  }
0xa0: {  	v46 =	vmul.f32 v47, v46;
	v49 =	vmul.f32 v50, v49;
	v23 =	vld [tilespmem:s31+$0x3450]  }
0xa1: {  	v19 =	vmul.f32 v21, v19;
	v21 =	vmul.f32 v26, v25;
	v25 =	vld [tilespmem:s31+$0x6450]  }
0xa2: {  	v52 =	vmul.f32 v53, v52;
	v26 =	vmul.f32 v33, v32;
	v33 =	vld [tilespmem:s1+$0x460]  }
0xa3: {  	v56 =	vmul.f32 v56, v55;
	v50 =	vmul.f32 v48, v46;
	v48 =	vld [tilespmem:s31+$0x3460]  }
0xa4: {  	v3 =	vmul.f32 v4, v3;
	v53 =	vmul.f32 v51, v49;
	v51 =	vld [tilespmem:s6+$0x470]  }
0xa5: {  	v55 =	vmul.f32 v10, v9;
	v46 =	vmul.f32 v57, v56;
	v56 =	vld [tilespmem:s6+$0x6470]  }
0xa6: {  	v47 =	vmul.f32 v45, v43;
	v45 =	vmul.f32 v59, v58;
	v58 =	vld [tilespmem:s1+$0x470]  }
0xa7: {  	v12 =	vmul.f32 v13, v12;
	v44 =	vmul.f32 v42, v41;
	v42 =	vld [tilespmem:s31+$0x470]  }
0xa8: {  	v0 =	vmul.f32 v5, v0;
	v21 =	vmul.f32 v27, v21;
	v27 =	vld [tilespmem:s6+$0x460]  }
0xa9: {  	v18 =	vmul.f32 v24, v18;
	v24 =	vmul.f32 v29, v28;
	v29 =	vld [tilespmem:s6+$0x3460]  }
0xaa: {  	v3 =	vmul.f32 v8, v3;
	v16 =	vadd.f32 $0.0e+00, v16;
	v28 =	vmul.f32 v36, v35;
	v35 =	vld [tilespmem:s1+$0x3460]  }
0xab: {  	v19 =	vadd.f32 $0.0e+00, v19;
	v49 =	vmul.f32 v60, v45;
	v60 =	vld [tilespmem:$0x1FE40];
	v2 =	vmul.f32 v2, v15  }
0xac: {  	v36 =	vld [tilespmem:s1+$0x6460];
	v24 =	vmul.f32 v30, v24;
	v21 =	vadd.f32 $0.0e+00, v21;
	v30 =	vmul.f32 v39, v38  }
0xad: {  	v11 =	vmul.f32 v17, v11;
	v18 =	vadd.f32 $0.0e+00, v18;
	v19 =	vadd.f32 v26, v19;
	v38 =	vld [tilespmem:s16+$0x3460]  }
0xae: {  	v39 =	vld [tilespmem:s16+$0x6460];
	v26 =	vmul.f32 v23, v22;
	v16 =	vadd.f32 v24, v16;
	v21 =	vadd.f32 v30, v21  }
0xaf: {  	v19 =	vadd.f32 v47, v19;
	v47 =	vmul.f32 v62, v61;
	v61 =	vld [tilespmem:s1+$0x3470];
	v30 =	vmul.f32 v20, v11  }
0xb0: {  	v18 =	vadd.f32 v28, v18;
	v62 =	vld [tilespmem:$0x1FE50];
	v8 =	vmul.f32 v60, v55;
	v32 =	vmul.f32 v29, v27  }
0xb1: {  	v35 =	vmul.f32 v35, v33;
	v16 =	vadd.f32 v44, v16;
	v21 =	vadd.f32 v53, v21;
	v53 =	vld [tilespmem:s6+$0x3470]  }
0xb2: {  	v24 =	vld [tilespmem:$0x1FE60];
	v44 =	vmul.f32 v54, v52;
	v18 =	vadd.f32 v50, v18;
	v50 =	vmul.f32 v63, v47  }
0xb3: {  	v28 =	vld [tilespmem:s16+$0x470];
	v52 =	vmul.f32 v7, v6;
	v7 =	vmul.f32 v25, v26  }
0xb4: {  	v54 =	vadd.f32 v46, v19;
	v63 =	vld [tilespmem:s1+$0x6470];
	v46 =	vmul.f32 v48, v40;
	v11 =	vmul.f32 v31, v32  }
0xb5: {  	v47 =	vld [tilespmem:s16+$0x6470];
	v43 =	vmul.f32 v38, v37;
	v45 =	vmul.f32 v36, v35  }
0xb6: {  	v16 =	vadd.f32 v44, v16;
	v57 =	vadd.f32 v49, v18;
	v44 =	vld [tilespmem:s31+$0x3470];
	v4 =	vmul.f32 v53, v51  }
0xb7: {  	v5 =	vmul.f32 v14, v52;
	v59 =	vadd.f32 v50, v21;
	v3 =	vadd.f32 v3, v54;
	v49 =	vld [tilespmem:s31+$0x6470]  }
0xb8: {  	v12 =	vmul.f32 v62, v12;
	v0 =	vadd.f32 v0, v16;
	v4 =	vmul.f32 v56, v4;
	v56 =	vld [tilespmem:$0x1FFB0]  }
0xb9: {  	v2 =	vmul.f32 v24, v2;
	v50 =	vmul.f32 v61, v58;
	v58 =	vld [tilespmem:$0x1FF00];
	v5 =	vadd.f32 v5, v57  }
0xba: {  	v1 =	vmul.f32 v1, v46;
	v8 =	vadd.f32 v8, v59;
	v59 =	vld [tilespmem:$0x1FF10];
	v0 =	vadd.f32 v12, v0  }
0xbb: {  	v60 =	vld [tilespmem:$0x1FF20];
	v48 =	vmul.f32 v39, v43;
	v2 =	vadd.f32 v2, v3;
	v51 =	vmul.f32 v34, v28  }
0xbc: {  	v52 =	vmul.f32 v63, v50;
	v5 =	vadd.f32 v30, v5;
	v0 =	vadd.f32 v11, v0  }
0xbd: {  	v7 =	vadd.f32 v7, v8;
	v2 =	vadd.f32 v45, v2;
	v53 =	vmul.f32 v44, v42  }
0xbe: {  	v54 =	vmul.f32 v47, v51;
	v5 =	vadd.f32 v48, v5;
	v0 =	vadd.f32 v4, v0  }
0xbf: {  	v1 =	vadd.f32 v1, v7;
	v2 =	vadd.f32 v52, v2;
	v55 =	vmul.f32 v49, v53  }
0xc0: {  	v4 =	vadd.f32 v54, v5;
	[tilespmem:v56+s26+$0x0] =	vst.idx.msk $0xffff, v0  }
0xc1: {  	v57 =	vadd.f32 v55, v1;
	[tilespmem:v58+s26+$0x0] =	vst.idx.msk $0xffff, v2  }
0xc2: {  	[tilespmem:v59+s26+$0x0] =	vst.idx.msk $0xffff, v4  }
0xc3: {  	s6 =	sor.u32 s21, s15;
	[tilespmem:v60+s26+$0x0] =	vst.idx.msk $0xffff, v57  }
0xc4: {  	v0 =	vld [tilespmem:s6+$0x400]  }
0xc5: {  	v1 =	vld [tilespmem:s6+$0x3400]  }
0xc6: {  	s1 =	sor.u32 s23, s15;
	v2 =	vld [tilespmem:s6+$0x6400]  }
0xc7: {  	v3 =	vld [tilespmem:s1+$0x400]  }
0xc8: {  	v4 =	vld [tilespmem:s1+$0x3400]  }
0xc9: {  	s16 =	sor.u32 s24, s15;
	v5 =	vld [tilespmem:s1+$0x6400]  }
0xca: {  	v6 =	vld [tilespmem:s16+$0x400]  }
0xcb: {  	v7 =	vld [tilespmem:s16+$0x3400]  }
0xcc: {  	s31 =	sor.u32 s25, s15;
	v8 =	vld [tilespmem:s16+$0x6400]  }
0xcd: {  	v9 =	vld [tilespmem:s31+$0x400]  }
0xce: {  	v10 =	vld [tilespmem:s31+$0x3400]  }
0xcf: {  	v11 =	vld [tilespmem:s31+$0x6400]  }
0xd0: {  	v12 =	vld [tilespmem:s6+$0x410]  }
0xd1: {  	v13 =	vld [tilespmem:s6+$0x3410]  }
0xd2: {  	v14 =	vld [tilespmem:s6+$0x6410]  }
0xd3: {  	v15 =	vld [tilespmem:s1+$0x410]  }
0xd4: {  	v16 =	vld [tilespmem:s1+$0x3410]  }
0xd5: {  	v17 =	vld [tilespmem:s1+$0x6410]  }
0xd6: {  	v18 =	vld [tilespmem:s16+$0x410]  }
0xd7: {  	v19 =	vld [tilespmem:s16+$0x3410]  }
0xd8: {  	v20 =	vld [tilespmem:s16+$0x6410]  }
0xd9: {  	v21 =	vld [tilespmem:s31+$0x410]  }
0xda: {  	v22 =	vld [tilespmem:s31+$0x3410]  }
0xdb: {  	v23 =	vld [tilespmem:s31+$0x6410]  }
0xdc: {  	v24 =	vld [tilespmem:s6+$0x420]  }
0xdd: {  	v25 =	vld [tilespmem:s6+$0x3420]  }
0xde: {  	v26 =	vld [tilespmem:s6+$0x6420]  }
0xdf: {  	v27 =	vld [tilespmem:s1+$0x420]  }
0xe0: {  	v28 =	vld [tilespmem:s1+$0x3420]  }
0xe1: {  	v29 =	vld [tilespmem:s1+$0x6420]  }
0xe2: {  	v30 =	vld [tilespmem:s16+$0x420]  }
0xe3: {  	v31 =	vld [tilespmem:s16+$0x3420]  }
0xe4: {  	v32 =	vld [tilespmem:s16+$0x6420]  }
0xe5: {  	v33 =	vld [tilespmem:s31+$0x420]  }
0xe6: {  	v34 =	vld [tilespmem:s31+$0x3420]  }
0xe7: {  	v35 =	vld [tilespmem:s31+$0x6420]  }
0xe8: {  	v36 =	vld [tilespmem:s6+$0x430]  }
0xe9: {  	v37 =	vld [tilespmem:s6+$0x3430]  }
0xea: {  	v38 =	vld [tilespmem:s6+$0x6430]  }
0xeb: {  	v39 =	vld [tilespmem:s1+$0x430]  }
0xec: {  	v40 =	vld [tilespmem:s1+$0x3430]  }
0xed: {  	v41 =	vld [tilespmem:s1+$0x6430]  }
0xee: {  	v42 =	vld [tilespmem:s16+$0x430]  }
0xef: {  	v43 =	vld [tilespmem:s16+$0x3430]  }
0xf0: {  	v44 =	vld [tilespmem:s16+$0x6430]  }
0xf1: {  	v45 =	vld [tilespmem:s31+$0x430]  }
0xf2: {  	v46 =	vld [tilespmem:s31+$0x3430]  }
0xf3: {  	v47 =	vld [tilespmem:s31+$0x6430]  }
0xf4: {  	v48 =	vld [tilespmem:s6+$0x440]  }
0xf5: {  	v49 =	vld [tilespmem:s6+$0x3440]  }
0xf6: {  	v53 =	vld [tilespmem:s6+$0x6440]  }
0xf7: {  	v51 =	vld [tilespmem:s1+$0x440]  }
0xf8: {  	v52 =	vld [tilespmem:s1+$0x3440]  }
0xf9: {  	v56 =	vld [tilespmem:s1+$0x6440]  }
0xfa: {  	v54 =	vld [tilespmem:s16+$0x440]  }
0xfb: {  	v55 =	vld [tilespmem:s16+$0x3440]  }
0xfc: {  	v62 =	vld [tilespmem:s16+$0x6440]  }
0xfd: {  	v57 =	vld [tilespmem:s31+$0x440]  }
0xfe: {  	v58 =	vld [tilespmem:s31+$0x3440]  }
0xff: {  	v61 =	vld [tilespmem:s31+$0x6440]  }
0x100: {  	v63 =	vld [tilespmem:s6+$0x6450]  }
0x101: {  	v59 =	vld [tilespmem:s1+$0x6450]  }
0x102: {  	v60 =	vld [tilespmem:s6+$0x450]  }
0x103: {  	v50 =	vld [tilespmem:s1+$0x3450]  }
0x104: {  	[tilespmem:$0x1FE70] =	vst v61;
	v61 =	vld [tilespmem:s6+$0x3450]  }
0x105: {  	[tilespmem:$0x1FE80] =	vst v63;
	v63 =	vld [tilespmem:s1+$0x450]  }
0x106: {  	[tilespmem:$0x1FE90] =	vst v59;
	v59 =	vld [tilespmem:s16+$0x450];
	v0 =	vmul.f32 v1, v0  }
0x107: {  	v1 =	vld [tilespmem:s16+$0x3450];
	v3 =	vmul.f32 v4, v3;
	v16 =	vmul.f32 v16, v15  }
0x108: {  	v4 =	vld [tilespmem:s16+$0x6450];
	v22 =	vmul.f32 v22, v21;
	v24 =	vmul.f32 v25, v24  }
0x109: {  	v15 =	vld [tilespmem:s6+$0x6460];
	v25 =	vmul.f32 v28, v27;
	v28 =	vmul.f32 v31, v30  }
0x10a: {  	v31 =	vmul.f32 v34, v33;
	v21 =	vld [tilespmem:s16+$0x460];
	v34 =	vmul.f32 v37, v36  }
0x10b: {  	v37 =	vmul.f32 v40, v39;
	v40 =	vmul.f32 v43, v42;
	v43 =	vld [tilespmem:s31+$0x3460]  }
0x10c: {  	v42 =	vmul.f32 v46, v45;
	v46 =	vmul.f32 v49, v48;
	v49 =	vld [tilespmem:s6+$0x470]  }
0x10d: {  	v0 =	vmul.f32 v2, v0;
	v2 =	vmul.f32 v7, v6;
	v6 =	vld [tilespmem:s31+$0x450]  }
0x10e: {  	v19 =	vmul.f32 v19, v18;
	v7 =	vld [tilespmem:s31+$0x3450]  }
0x10f: {  	v3 =	vmul.f32 v5, v3;
	v5 =	vmul.f32 v10, v9;
	v9 =	vld [tilespmem:s31+$0x6450]  }
0x110: {  	v10 =	vmul.f32 v17, v16;
	v17 =	vld [tilespmem:s1+$0x460]  }
0x111: {  	v13 =	vmul.f32 v13, v12;
	v12 =	vmul.f32 v20, v19;
	v19 =	vld [tilespmem:s1+$0x3460]  }
0x112: {  	v20 =	vld [tilespmem:s1+$0x6460]  }
0x113: {  	v27 =	vmul.f32 v26, v24;
	v24 =	vld [tilespmem:s31+$0x460]  }
0x114: {  	v48 =	vmul.f32 v52, v51;
	v26 =	vld [tilespmem:s31+$0x6460]  }
0x115: {  	v52 =	vmul.f32 v55, v54;
	v51 =	vmul.f32 v53, v46;
	v53 =	vld [tilespmem:s6+$0x3470]  }
0x116: {  	v55 =	vmul.f32 v58, v57;
	v54 =	vmul.f32 v56, v48;
	v56 =	vld [tilespmem:s6+$0x6470]  }
0x117: {  	v30 =	vmul.f32 v29, v25;
	v39 =	vmul.f32 v38, v34;
	v34 =	vld [tilespmem:s1+$0x6470]  }
0x118: {  	v33 =	vmul.f32 v32, v28;
	v36 =	vmul.f32 v35, v31;
	v35 =	vld [tilespmem:$0x1FE90]  }
0x119: {  	v41 =	vmul.f32 v41, v37;
	v45 =	vmul.f32 v44, v40;
	v38 =	vld [tilespmem:s16+$0x3470]  }
0x11a: {  	v47 =	vmul.f32 v47, v42;
	v57 =	vmul.f32 v62, v52;
	v40 =	vld [tilespmem:s31+$0x470]  }
0x11b: {  	v42 =	vld [tilespmem:s31+$0x3470];
	v2 =	vmul.f32 v8, v2;
	v5 =	vmul.f32 v11, v5  }
0x11c: {  	v11 =	vld [tilespmem:s6+$0x460];
	v0 =	vadd.f32 $0.0e+00, v0;
	v8 =	vmul.f32 v14, v13;
	v14 =	vmul.f32 v23, v22  }
0x11d: {  	v13 =	vld [tilespmem:s6+$0x3460];
	v3 =	vadd.f32 $0.0e+00, v3;
	v58 =	vmul.f32 v61, v60;
	v62 =	vmul.f32 v50, v63  }
0x11e: {  	v22 =	vld [tilespmem:s16+$0x3460];
	v1 =	vmul.f32 v1, v59;
	v2 =	vadd.f32 $0.0e+00, v2;
	v5 =	vadd.f32 $0.0e+00, v5  }
0x11f: {  	v60 =	vld [tilespmem:s1+$0x470];
	v0 =	vadd.f32 v8, v0;
	v3 =	vadd.f32 v10, v3;
	v10 =	vmul.f32 v35, v62  }
0x120: {  	v61 =	vld [tilespmem:$0x1FE70];
	v6 =	vmul.f32 v7, v6;
	v1 =	vmul.f32 v4, v1;
	v2 =	vadd.f32 v12, v2  }
0x121: {  	v63 =	vld [tilespmem:s1+$0x3470];
	v43 =	vmul.f32 v43, v24;
	v46 =	vmul.f32 v53, v49;
	v5 =	vadd.f32 v14, v5  }
0x122: {  	v52 =	vmul.f32 v42, v40;
	v0 =	vadd.f32 v27, v0;
	v2 =	vadd.f32 v33, v2;
	v33 =	vld [tilespmem:$0x1FE80]  }
0x123: {  	v44 =	vld [tilespmem:s16+$0x6470];
	v3 =	vadd.f32 v30, v3;
	v37 =	vmul.f32 v13, v11;
	v6 =	vmul.f32 v9, v6  }
0x124: {  	v23 =	vld [tilespmem:s16+$0x6460];
	v48 =	vmul.f32 v26, v43;
	v50 =	vmul.f32 v56, v46;
	v5 =	vadd.f32 v36, v5  }
0x125: {  	v59 =	vld [tilespmem:$0x1FF50];
	v0 =	vadd.f32 v39, v0;
	v14 =	vmul.f32 v61, v55;
	v39 =	vmul.f32 v19, v17  }
0x126: {  	v3 =	vadd.f32 v41, v3;
	v36 =	vld [tilespmem:s16+$0x470];
	v41 =	vmul.f32 v22, v21;
	v49 =	vmul.f32 v63, v60  }
0x127: {  	v56 =	vld [tilespmem:$0x1FF30];
	v2 =	vadd.f32 v45, v2;
	v0 =	vadd.f32 v51, v0;
	v8 =	vmul.f32 v33, v58  }
0x128: {  	v4 =	vmul.f32 v15, v37;
	v5 =	vadd.f32 v47, v5;
	v3 =	vadd.f32 v54, v3;
	v58 =	vld [tilespmem:$0x1FF40]  }
0x129: {  	v9 =	vmul.f32 v20, v39;
	v47 =	vld [tilespmem:s31+$0x6470];
	v2 =	vadd.f32 v57, v2;
	v0 =	vadd.f32 v8, v0  }
0x12a: {  	v60 =	vld [tilespmem:$0x1FF60];
	v45 =	vmul.f32 v23, v41;
	v5 =	vadd.f32 v14, v5;
	v3 =	vadd.f32 v10, v3  }
0x12b: {  	v7 =	vmul.f32 v38, v36;
	v1 =	vadd.f32 v1, v2;
	v0 =	vadd.f32 v4, v0  }
0x12c: {  	v51 =	vmul.f32 v34, v49;
	v5 =	vadd.f32 v6, v5;
	v3 =	vadd.f32 v9, v3  }
0x12d: {  	v53 =	vmul.f32 v44, v7;
	v1 =	vadd.f32 v45, v1;
	v0 =	vadd.f32 v50, v0  }
0x12e: {  	v55 =	vmul.f32 v47, v52;
	v54 =	vadd.f32 v48, v5;
	v3 =	vadd.f32 v51, v3  }
0x12f: {  	v1 =	vadd.f32 v53, v1;
	[tilespmem:v56+s26+$0x0] =	vst.idx.msk $0xffff, v0  }
0x130: {  	v57 =	vadd.f32 v55, v54;
	[tilespmem:v58+s26+$0x0] =	vst.idx.msk $0xffff, v3  }
0x131: {  	[tilespmem:v59+s26+$0x0] =	vst.idx.msk $0xffff, v1  }
0x132: {  	s6 =	sor.u32 s10, s15;
	[tilespmem:v60+s26+$0x0] =	vst.idx.msk $0xffff, v57  }
0x133: {  	v0 =	vld [tilespmem:s6+$0x400]  }
0x134: {  	v1 =	vld [tilespmem:s6+$0x3400]  }
0x135: {  	s1 =	sor.u32 s11, s15;
	v2 =	vld [tilespmem:s6+$0x6400]  }
0x136: {  	v3 =	vld [tilespmem:s1+$0x400]  }
0x137: {  	v4 =	vld [tilespmem:s1+$0x3400]  }
0x138: {  	s16 =	sor.u32 s22, s15;
	v5 =	vld [tilespmem:s1+$0x6400]  }
0x139: {  	v6 =	vld [tilespmem:s16+$0x400]  }
0x13a: {  	v7 =	vld [tilespmem:s16+$0x3400]  }
0x13b: {  	s31 =	sor.u32 s13, s15;
	v8 =	vld [tilespmem:s16+$0x6400]  }
0x13c: {  	v9 =	vld [tilespmem:s31+$0x400]  }
0x13d: {  	v10 =	vld [tilespmem:s31+$0x3400]  }
0x13e: {  	v11 =	vld [tilespmem:s31+$0x6400]  }
0x13f: {  	v12 =	vld [tilespmem:s6+$0x410]  }
0x140: {  	v13 =	vld [tilespmem:s6+$0x3410]  }
0x141: {  	v14 =	vld [tilespmem:s6+$0x6410]  }
0x142: {  	v15 =	vld [tilespmem:s1+$0x410]  }
0x143: {  	v16 =	vld [tilespmem:s1+$0x3410]  }
0x144: {  	v17 =	vld [tilespmem:s1+$0x6410]  }
0x145: {  	v18 =	vld [tilespmem:s16+$0x410]  }
0x146: {  	v19 =	vld [tilespmem:s16+$0x3410]  }
0x147: {  	v20 =	vld [tilespmem:s16+$0x6410]  }
0x148: {  	v21 =	vld [tilespmem:s31+$0x410]  }
0x149: {  	v22 =	vld [tilespmem:s31+$0x3410]  }
0x14a: {  	v23 =	vld [tilespmem:s31+$0x6410]  }
0x14b: {  	v24 =	vld [tilespmem:s6+$0x420]  }
0x14c: {  	v25 =	vld [tilespmem:s6+$0x3420]  }
0x14d: {  	v26 =	vld [tilespmem:s6+$0x6420]  }
0x14e: {  	v27 =	vld [tilespmem:s1+$0x420]  }
0x14f: {  	v28 =	vld [tilespmem:s1+$0x3420]  }
0x150: {  	v29 =	vld [tilespmem:s1+$0x6420]  }
0x151: {  	v30 =	vld [tilespmem:s16+$0x420]  }
0x152: {  	v31 =	vld [tilespmem:s16+$0x3420]  }
0x153: {  	v32 =	vld [tilespmem:s16+$0x6420]  }
0x154: {  	v33 =	vld [tilespmem:s31+$0x420]  }
0x155: {  	v34 =	vld [tilespmem:s31+$0x3420]  }
0x156: {  	v35 =	vld [tilespmem:s31+$0x6420]  }
0x157: {  	v36 =	vld [tilespmem:s6+$0x430]  }
0x158: {  	v37 =	vld [tilespmem:s6+$0x3430]  }
0x159: {  	v38 =	vld [tilespmem:s6+$0x6430]  }
0x15a: {  	v39 =	vld [tilespmem:s1+$0x430]  }
0x15b: {  	v40 =	vld [tilespmem:s1+$0x3430]  }
0x15c: {  	v41 =	vld [tilespmem:s1+$0x6430]  }
0x15d: {  	v42 =	vld [tilespmem:s16+$0x430]  }
0x15e: {  	v43 =	vld [tilespmem:s16+$0x3430]  }
0x15f: {  	v44 =	vld [tilespmem:s16+$0x6430]  }
0x160: {  	v45 =	vld [tilespmem:s31+$0x430]  }
0x161: {  	v46 =	vld [tilespmem:s31+$0x3430]  }
0x162: {  	v47 =	vld [tilespmem:s31+$0x6430]  }
0x163: {  	v48 =	vld [tilespmem:s6+$0x440]  }
0x164: {  	v49 =	vld [tilespmem:s6+$0x3440]  }
0x165: {  	v53 =	vld [tilespmem:s6+$0x6440]  }
0x166: {  	v51 =	vld [tilespmem:s1+$0x440]  }
0x167: {  	v52 =	vld [tilespmem:s1+$0x3440]  }
0x168: {  	v56 =	vld [tilespmem:s1+$0x6440]  }
0x169: {  	v54 =	vld [tilespmem:s16+$0x440]  }
0x16a: {  	v55 =	vld [tilespmem:s16+$0x3440]  }
0x16b: {  	v62 =	vld [tilespmem:s16+$0x6440]  }
0x16c: {  	v57 =	vld [tilespmem:s31+$0x440]  }
0x16d: {  	v58 =	vld [tilespmem:s31+$0x3440]  }
0x16e: {  	v61 =	vld [tilespmem:s31+$0x6440]  }
0x16f: {  	v63 =	vld [tilespmem:s6+$0x6450]  }
0x170: {  	v59 =	vld [tilespmem:s1+$0x6450]  }
0x171: {  	v60 =	vld [tilespmem:s6+$0x450]  }
0x172: {  	v50 =	vld [tilespmem:s1+$0x3450]  }
0x173: {  	[tilespmem:$0x1FEA0] =	vst v61;
	v61 =	vld [tilespmem:s6+$0x3450]  }
0x174: {  	[tilespmem:$0x1FEB0] =	vst v63;
	v63 =	vld [tilespmem:s1+$0x450]  }
0x175: {  	[tilespmem:$0x1FEC0] =	vst v59;
	v59 =	vld [tilespmem:s16+$0x450];
	v0 =	vmul.f32 v1, v0  }
0x176: {  	v1 =	vld [tilespmem:s16+$0x3450];
	v3 =	vmul.f32 v4, v3;
	v16 =	vmul.f32 v16, v15  }
0x177: {  	v4 =	vld [tilespmem:s16+$0x6450];
	v22 =	vmul.f32 v22, v21;
	v24 =	vmul.f32 v25, v24  }
0x178: {  	v15 =	vld [tilespmem:s6+$0x6460];
	v25 =	vmul.f32 v28, v27;
	v28 =	vmul.f32 v31, v30  }
0x179: {  	v31 =	vmul.f32 v34, v33;
	v21 =	vld [tilespmem:s16+$0x460];
	v34 =	vmul.f32 v37, v36  }
0x17a: {  	v37 =	vmul.f32 v40, v39;
	v40 =	vmul.f32 v43, v42;
	v43 =	vld [tilespmem:s31+$0x3460]  }
0x17b: {  	v42 =	vmul.f32 v46, v45;
	v46 =	vmul.f32 v49, v48;
	v49 =	vld [tilespmem:s6+$0x470]  }
0x17c: {  	v0 =	vmul.f32 v2, v0;
	v2 =	vmul.f32 v7, v6;
	v6 =	vld [tilespmem:s31+$0x450]  }
0x17d: {  	v19 =	vmul.f32 v19, v18;
	v7 =	vld [tilespmem:s31+$0x3450]  }
0x17e: {  	v3 =	vmul.f32 v5, v3;
	v5 =	vmul.f32 v10, v9;
	v9 =	vld [tilespmem:s31+$0x6450]  }
0x17f: {  	v10 =	vmul.f32 v17, v16;
	v17 =	vld [tilespmem:s1+$0x460]  }
0x180: {  	v13 =	vmul.f32 v13, v12;
	v12 =	vmul.f32 v20, v19;
	v19 =	vld [tilespmem:s1+$0x3460]  }
0x181: {  	v20 =	vld [tilespmem:s1+$0x6460]  }
0x182: {  	v27 =	vmul.f32 v26, v24;
	v24 =	vld [tilespmem:s31+$0x460]  }
0x183: {  	v48 =	vmul.f32 v52, v51;
	v26 =	vld [tilespmem:s31+$0x6460]  }
0x184: {  	v52 =	vmul.f32 v55, v54;
	v51 =	vmul.f32 v53, v46;
	v53 =	vld [tilespmem:s6+$0x3470]  }
0x185: {  	v55 =	vmul.f32 v58, v57;
	v54 =	vmul.f32 v56, v48;
	v56 =	vld [tilespmem:s6+$0x6470]  }
0x186: {  	v30 =	vmul.f32 v29, v25;
	v39 =	vmul.f32 v38, v34;
	v34 =	vld [tilespmem:s1+$0x6470]  }
0x187: {  	v33 =	vmul.f32 v32, v28;
	v36 =	vmul.f32 v35, v31;
	v35 =	vld [tilespmem:$0x1FEC0]  }
0x188: {  	v41 =	vmul.f32 v41, v37;
	v45 =	vmul.f32 v44, v40;
	v38 =	vld [tilespmem:s16+$0x3470]  }
0x189: {  	v47 =	vmul.f32 v47, v42;
	v57 =	vmul.f32 v62, v52;
	v40 =	vld [tilespmem:s31+$0x470]  }
0x18a: {  	v42 =	vld [tilespmem:s31+$0x3470];
	v2 =	vmul.f32 v8, v2;
	v5 =	vmul.f32 v11, v5  }
0x18b: {  	v11 =	vld [tilespmem:s6+$0x460];
	v0 =	vadd.f32 $0.0e+00, v0;
	v8 =	vmul.f32 v14, v13;
	v14 =	vmul.f32 v23, v22  }
0x18c: {  	v13 =	vld [tilespmem:s6+$0x3460];
	v3 =	vadd.f32 $0.0e+00, v3;
	v58 =	vmul.f32 v61, v60;
	v62 =	vmul.f32 v50, v63  }
0x18d: {  	v22 =	vld [tilespmem:s16+$0x3460];
	v1 =	vmul.f32 v1, v59;
	v2 =	vadd.f32 $0.0e+00, v2;
	v5 =	vadd.f32 $0.0e+00, v5  }
0x18e: {  	v60 =	vld [tilespmem:s1+$0x470];
	v0 =	vadd.f32 v8, v0;
	v3 =	vadd.f32 v10, v3;
	v10 =	vmul.f32 v35, v62  }
0x18f: {  	v61 =	vld [tilespmem:$0x1FEA0];
	v6 =	vmul.f32 v7, v6;
	v1 =	vmul.f32 v4, v1;
	v2 =	vadd.f32 v12, v2  }
0x190: {  	v63 =	vld [tilespmem:s1+$0x3470];
	v43 =	vmul.f32 v43, v24;
	v46 =	vmul.f32 v53, v49;
	v5 =	vadd.f32 v14, v5  }
0x191: {  	v52 =	vmul.f32 v42, v40;
	v0 =	vadd.f32 v27, v0;
	v2 =	vadd.f32 v33, v2;
	v33 =	vld [tilespmem:$0x1FEB0]  }
0x192: {  	v44 =	vld [tilespmem:s16+$0x6470];
	v3 =	vadd.f32 v30, v3;
	v37 =	vmul.f32 v13, v11;
	v6 =	vmul.f32 v9, v6  }
0x193: {  	v23 =	vld [tilespmem:s16+$0x6460];
	v48 =	vmul.f32 v26, v43;
	v50 =	vmul.f32 v56, v46;
	v5 =	vadd.f32 v36, v5  }
0x194: {  	v59 =	vld [tilespmem:$0x1FF90];
	v0 =	vadd.f32 v39, v0;
	v14 =	vmul.f32 v61, v55;
	v39 =	vmul.f32 v19, v17  }
0x195: {  	v3 =	vadd.f32 v41, v3;
	v36 =	vld [tilespmem:s16+$0x470];
	v41 =	vmul.f32 v22, v21;
	v49 =	vmul.f32 v63, v60  }
0x196: {  	v56 =	vld [tilespmem:$0x1FF70];
	v2 =	vadd.f32 v45, v2;
	v0 =	vadd.f32 v51, v0;
	v8 =	vmul.f32 v33, v58  }
0x197: {  	v4 =	vmul.f32 v15, v37;
	v5 =	vadd.f32 v47, v5;
	v3 =	vadd.f32 v54, v3;
	v58 =	vld [tilespmem:$0x1FF80]  }
0x198: {  	v9 =	vmul.f32 v20, v39;
	v47 =	vld [tilespmem:s31+$0x6470];
	v2 =	vadd.f32 v57, v2;
	v0 =	vadd.f32 v8, v0  }
0x199: {  	v60 =	vld [tilespmem:$0x1FFA0];
	v45 =	vmul.f32 v23, v41;
	v5 =	vadd.f32 v14, v5;
	v3 =	vadd.f32 v10, v3  }
0x19a: {  	v7 =	vmul.f32 v38, v36;
	v1 =	vadd.f32 v1, v2;
	v0 =	vadd.f32 v4, v0  }
0x19b: {  	v51 =	vmul.f32 v34, v49;
	v5 =	vadd.f32 v6, v5;
	v3 =	vadd.f32 v9, v3  }
0x19c: {  	v53 =	vmul.f32 v44, v7;
	v1 =	vadd.f32 v45, v1;
	v0 =	vadd.f32 v50, v0  }
0x19d: {  	v55 =	vmul.f32 v47, v52;
	v54 =	vadd.f32 v48, v5;
	v3 =	vadd.f32 v51, v3  }
0x19e: {  	v1 =	vadd.f32 v53, v1;
	[tilespmem:v56+s26+$0x0] =	vst.idx.msk $0xffff, v0  }
0x19f: {  	v57 =	vadd.f32 v55, v54;
	[tilespmem:v58+s26+$0x0] =	vst.idx.msk $0xffff, v3  }
0x1a0: {  	[tilespmem:v59+s26+$0x0] =	vst.idx.msk $0xffff, v1  }
0x1a1: {  	s1 =	sor.u32 s9, s15;
	[tilespmem:v60+s26+$0x0] =	vst.idx.msk $0xffff, v57  }
0x1a2: {  	v0 =	vld [tilespmem:s1+$0x400]  }
0x1a3: {  	v1 =	vld [tilespmem:s1+$0x3400]  }
0x1a4: {  	s16 =	sor.u32 s14, s15;
	v2 =	vld [tilespmem:s1+$0x6400]  }
0x1a5: {  	v3 =	vld [tilespmem:s16+$0x400]  }
0x1a6: {  	v4 =	vld [tilespmem:s16+$0x3400]  }
0x1a7: {  	s31 =	sor.u32 s28, s15;
	v5 =	vld [tilespmem:s16+$0x6400]  }
0x1a8: {  	v6 =	vld [tilespmem:s31+$0x400]  }
0x1a9: {  	v7 =	vld [tilespmem:s31+$0x3400]  }
0x1aa: {  	s15 =	sor.u32 s29, s15;
	v8 =	vld [tilespmem:s31+$0x6400]  }
0x1ab: {  	v9 =	vld [tilespmem:s15+$0x400]  }
0x1ac: {  	v10 =	vld [tilespmem:s15+$0x3400]  }
0x1ad: {  	v11 =	vld [tilespmem:s15+$0x6400]  }
0x1ae: {  	v12 =	vld [tilespmem:s1+$0x410]  }
0x1af: {  	v13 =	vld [tilespmem:s1+$0x3410]  }
0x1b0: {  	v14 =	vld [tilespmem:s1+$0x6410]  }
0x1b1: {  	v15 =	vld [tilespmem:s16+$0x410]  }
0x1b2: {  	v16 =	vld [tilespmem:s16+$0x3410]  }
0x1b3: {  	v17 =	vld [tilespmem:s16+$0x6410]  }
0x1b4: {  	v18 =	vld [tilespmem:s31+$0x410]  }
0x1b5: {  	v19 =	vld [tilespmem:s31+$0x3410]  }
0x1b6: {  	v20 =	vld [tilespmem:s31+$0x6410]  }
0x1b7: {  	v21 =	vld [tilespmem:s15+$0x410]  }
0x1b8: {  	v22 =	vld [tilespmem:s15+$0x3410]  }
0x1b9: {  	v23 =	vld [tilespmem:s15+$0x6410]  }
0x1ba: {  	v24 =	vld [tilespmem:s1+$0x420]  }
0x1bb: {  	v25 =	vld [tilespmem:s1+$0x3420]  }
0x1bc: {  	v26 =	vld [tilespmem:s1+$0x6420]  }
0x1bd: {  	v27 =	vld [tilespmem:s16+$0x420]  }
0x1be: {  	v28 =	vld [tilespmem:s16+$0x3420]  }
0x1bf: {  	v29 =	vld [tilespmem:s16+$0x6420]  }
0x1c0: {  	v30 =	vld [tilespmem:s31+$0x420]  }
0x1c1: {  	v31 =	vld [tilespmem:s31+$0x3420]  }
0x1c2: {  	v32 =	vld [tilespmem:s31+$0x6420]  }
0x1c3: {  	v33 =	vld [tilespmem:s15+$0x420]  }
0x1c4: {  	v34 =	vld [tilespmem:s15+$0x3420]  }
0x1c5: {  	v35 =	vld [tilespmem:s15+$0x6420]  }
0x1c6: {  	v36 =	vld [tilespmem:s1+$0x430]  }
0x1c7: {  	v37 =	vld [tilespmem:s1+$0x3430]  }
0x1c8: {  	v38 =	vld [tilespmem:s1+$0x6430]  }
0x1c9: {  	v39 =	vld [tilespmem:s16+$0x430]  }
0x1ca: {  	v40 =	vld [tilespmem:s16+$0x3430]  }
0x1cb: {  	v41 =	vld [tilespmem:s16+$0x6430]  }
0x1cc: {  	v42 =	vld [tilespmem:s31+$0x430]  }
0x1cd: {  	v43 =	vld [tilespmem:s31+$0x3430]  }
0x1ce: {  	v44 =	vld [tilespmem:s31+$0x6430]  }
0x1cf: {  	v45 =	vld [tilespmem:s15+$0x430]  }
0x1d0: {  	v46 =	vld [tilespmem:s15+$0x3430]  }
0x1d1: {  	v47 =	vld [tilespmem:s15+$0x6430]  }
0x1d2: {  	v48 =	vld [tilespmem:s1+$0x440]  }
0x1d3: {  	v49 =	vld [tilespmem:s1+$0x3440]  }
0x1d4: {  	v53 =	vld [tilespmem:s1+$0x6440]  }
0x1d5: {  	v51 =	vld [tilespmem:s16+$0x440]  }
0x1d6: {  	v52 =	vld [tilespmem:s16+$0x3440]  }
0x1d7: {  	v56 =	vld [tilespmem:s16+$0x6440]  }
0x1d8: {  	v54 =	vld [tilespmem:s31+$0x440]  }
0x1d9: {  	v55 =	vld [tilespmem:s31+$0x3440]  }
0x1da: {  	v62 =	vld [tilespmem:s31+$0x6440]  }
0x1db: {  	v57 =	vld [tilespmem:s15+$0x440]  }
0x1dc: {  	v58 =	vld [tilespmem:s15+$0x3440]  }
0x1dd: {  	v61 =	vld [tilespmem:s15+$0x6440]  }
0x1de: {  	v63 =	vld [tilespmem:s1+$0x6450]  }
0x1df: {  	v59 =	vld [tilespmem:s16+$0x6450]  }
0x1e0: {  	v60 =	vld [tilespmem:s1+$0x450]  }
0x1e1: {  	v50 =	vld [tilespmem:s16+$0x3450]  }
0x1e2: {  	[tilespmem:$0x1FED0] =	vst v61;
	v61 =	vld [tilespmem:s1+$0x3450]  }
0x1e3: {  	[tilespmem:$0x1FEE0] =	vst v63;
	v63 =	vld [tilespmem:s16+$0x450]  }
0x1e4: {  	[tilespmem:$0x1FEF0] =	vst v59;
	v59 =	vld [tilespmem:s31+$0x450]  }
0x1e5: {  	v0 =	vmul.f32 v1, v0;
	v1 =	vld [tilespmem:s31+$0x3450]  }
0x1e6: {  	v3 =	vmul.f32 v4, v3;
	v4 =	vld [tilespmem:s31+$0x6450]  }
0x1e7: {  	v16 =	vmul.f32 v16, v15;
	v15 =	vld [tilespmem:s1+$0x6460]  }
0x1e8: {  	v22 =	vmul.f32 v22, v21;
	v21 =	vld [tilespmem:s31+$0x460]  }
0x1e9: {  	v28 =	vmul.f32 v28, v27;
	v27 =	vld [tilespmem:s15+$0x6470]  }
0x1ea: {  	v0 =	vmul.f32 v2, v0;
	v2 =	vmul.f32 v7, v6;
	v6 =	vld [tilespmem:s15+$0x450]  }
0x1eb: {  	v7 =	vld [tilespmem:s15+$0x3450]  }
0x1ec: {  	v3 =	vmul.f32 v5, v3;
	v5 =	vmul.f32 v10, v9;
	v9 =	vld [tilespmem:s15+$0x6450]  }
0x1ed: {  	v13 =	vmul.f32 v13, v12;
	v10 =	vmul.f32 v17, v16;
	v16 =	vld [tilespmem:s16+$0x460]  }
0x1ee: {  	v19 =	vmul.f32 v19, v18;
	v24 =	vmul.f32 v25, v24;
	v17 =	vld [tilespmem:s16+$0x3460]  }
0x1ef: {  	v31 =	vmul.f32 v31, v30;
	v25 =	vmul.f32 v23, v22;
	v22 =	vld [tilespmem:s31+$0x3460]  }
0x1f0: {  	v33 =	vmul.f32 v34, v33;
	v36 =	vmul.f32 v37, v36;
	v23 =	vld [tilespmem:s31+$0x6460]  }
0x1f1: {  	v39 =	vmul.f32 v40, v39;
	v12 =	vmul.f32 v26, v24;
	v24 =	vld [tilespmem:s15+$0x460]  }
0x1f2: {  	v42 =	vmul.f32 v43, v42;
	v37 =	vmul.f32 v35, v33;
	v35 =	vld [tilespmem:s15+$0x6460]  }
0x1f3: {  	v34 =	vmul.f32 v32, v31;
	v40 =	vmul.f32 v38, v36;
	v38 =	vld [tilespmem:s1+$0x470]  }
0x1f4: {  	v43 =	vmul.f32 v41, v39;
	v32 =	vmul.f32 v46, v45;
	v41 =	vld [tilespmem:s1+$0x3470]  }
0x1f5: {  	v33 =	vmul.f32 v44, v42;
	v44 =	vld [tilespmem:s1+$0x6470];
	v2 =	vmul.f32 v8, v2  }
0x1f6: {  	v5 =	vmul.f32 v11, v5;
	v11 =	vld [tilespmem:s1+$0x460];
	v8 =	vmul.f32 v14, v13;
	v0 =	vadd.f32 $0.0e+00, v0  }
0x1f7: {  	v13 =	vld [tilespmem:s1+$0x3460];
	v3 =	vadd.f32 $0.0e+00, v3;
	v14 =	vmul.f32 v29, v28;
	v36 =	vmul.f32 v47, v32  }
0x1f8: {  	v47 =	vld [tilespmem:s16+$0x470];
	v46 =	vmul.f32 v61, v60;
	v1 =	vmul.f32 v1, v59;
	v0 =	vadd.f32 v8, v0  }
0x1f9: {  	v59 =	vld [tilespmem:$0x1FFC0];
	v8 =	vmul.f32 v20, v19;
	v2 =	vadd.f32 $0.0e+00, v2;
	v5 =	vadd.f32 $0.0e+00, v5  }
0x1fa: {  	v60 =	vld [tilespmem:s15+$0x470];
	v3 =	vadd.f32 v10, v3;
	v6 =	vmul.f32 v7, v6;
	v1 =	vmul.f32 v4, v1  }
0x1fb: {  	v19 =	vld [tilespmem:s16+$0x6460];
	v61 =	vmul.f32 v22, v21;
	v2 =	vadd.f32 v8, v2;
	v5 =	vadd.f32 v25, v5  }
0x1fc: {  	v22 =	vld [tilespmem:s31+$0x6470];
	v0 =	vadd.f32 v12, v0;
	v3 =	vadd.f32 v14, v3;
	v6 =	vmul.f32 v9, v6  }
0x1fd: {  	v25 =	vld [tilespmem:s15+$0x3460];
	v2 =	vadd.f32 v34, v2;
	v34 =	vmul.f32 v49, v48;
	v5 =	vadd.f32 v37, v5  }
0x1fe: {  	v37 =	vmul.f32 v52, v51;
	v0 =	vadd.f32 v40, v0;
	v40 =	vmul.f32 v55, v54;
	v48 =	vld [tilespmem:$0x1FED0]  }
0x1ff: {  	v3 =	vadd.f32 v43, v3;
	v43 =	vmul.f32 v58, v57;
	v49 =	vmul.f32 v50, v63;
	v50 =	vld [tilespmem:s16+$0x3470]  }
0x200: {  	v51 =	vld [tilespmem:$0x1FEE0];
	v55 =	vmul.f32 v13, v11;
	v57 =	vmul.f32 v17, v16  }
0x201: {  	v39 =	vmul.f32 v53, v34;
	v42 =	vmul.f32 v56, v37;
	v53 =	vld [tilespmem:$0x1FEF0]  }
0x202: {  	v52 =	vld [tilespmem:s16+$0x6470];
	v2 =	vadd.f32 v33, v2;
	v45 =	vmul.f32 v62, v40;
	v4 =	vmul.f32 v15, v55  }
0x203: {  	v54 =	vld [tilespmem:s31+$0x470];
	v5 =	vadd.f32 v36, v5;
	v9 =	vmul.f32 v19, v57;
	v21 =	vmul.f32 v25, v24  }
0x204: {  	v56 =	vld [tilespmem:s31+$0x3470];
	v24 =	vmul.f32 v23, v61;
	v25 =	vmul.f32 v41, v38;
	v0 =	vadd.f32 v39, v0  }
0x205: {  	v62 =	vld [tilespmem:s15+$0x3470];
	v2 =	vadd.f32 v45, v2;
	v10 =	vmul.f32 v48, v43;
	v12 =	vmul.f32 v51, v46  }
0x206: {  	v58 =	vld [tilespmem:$0x1FFD0];
	v3 =	vadd.f32 v42, v3;
	v28 =	vmul.f32 v35, v21;
	v14 =	vmul.f32 v53, v49  }
0x207: {  	v33 =	vld [tilespmem:$0x1FFE0];
	v30 =	vmul.f32 v50, v47;
	v1 =	vadd.f32 v1, v2;
	v0 =	vadd.f32 v12, v0  }
0x208: {  	v63 =	vld [tilespmem:$0x1FFF0];
	v31 =	vmul.f32 v44, v25;
	v5 =	vadd.f32 v10, v5;
	v3 =	vadd.f32 v14, v3  }
0x209: {  	v7 =	vmul.f32 v56, v54;
	v32 =	vmul.f32 v52, v30;
	v0 =	vadd.f32 v4, v0  }
0x20a: {  	v34 =	vmul.f32 v62, v60;
	v5 =	vadd.f32 v6, v5;
	v3 =	vadd.f32 v9, v3  }
0x20b: {  	v1 =	vadd.f32 v24, v1;
	v35 =	vmul.f32 v22, v7;
	v0 =	vadd.f32 v31, v0  }
0x20c: {  	v37 =	vmul.f32 v27, v34;
	v36 =	vadd.f32 v28, v5;
	v3 =	vadd.f32 v32, v3  }
0x20d: {  	v1 =	vadd.f32 v35, v1;
	[tilespmem:v59+s26+$0x0] =	vst.idx.msk $0xffff, v0  }
0x20e: {  	v38 =	vadd.f32 v37, v36;
	[tilespmem:v58+s26+$0x0] =	vst.idx.msk $0xffff, v3  }
0x20f: {  	[tilespmem:v33+s26+$0x0] =	vst.idx.msk $0xffff, v1  }
0x210: {  	[tilespmem:v63+s26+$0x0] =	vst.idx.msk $0xffff, v38  }
0x211: {  	v0 =	vld [tilespmem:$0x9800]  }
0x212: {  	v1 =	vld [tilespmem:$0x9810]  }
0x213: {  	v39 =	vld [tilespmem:$0x9820]  }
0x214: {  	v3 =	vld [tilespmem:$0x9830]  }
0x215: {  	v40 =	vld [tilespmem:$0x9840]  }
0x216: {  	v41 =	vld [tilespmem:$0x9850]  }
0x217: {  	v42 =	vld [tilespmem:$0x9860]  }
0x218: {  	v43 =	vld [tilespmem:$0x9870]  }
0x219: {  	v44 =	vld [tilespmem:$0x9880]  }
0x21a: {  	v45 =	vld [tilespmem:$0x9890]  }
0x21b: {  	v46 =	vld [tilespmem:$0x98A0]  }
0x21c: {  	v47 =	vld [tilespmem:$0x98B0]  }
0x21d: {  	v48 =	vld [tilespmem:$0x98C0]  }
0x21e: {  	v49 =	vld [tilespmem:$0x98D0]  }
0x21f: {  	v50 =	vld [tilespmem:$0x98E0]  }
0x220: {  	v51 =	vld [tilespmem:$0x98F0];
	_ =	sdelay $0x1  }
0x221: {  	v0 =	vadd.f32 v1, v0;
	v52 =	vadd.f32 v3, v39  }
0x222: {  	v53 =	vadd.f32 v41, v40;
	v54 =	vadd.f32 v43, v42  }
0x223: {  	v55 =	vadd.f32 v45, v44;
	v56 =	vadd.f32 v47, v46  }
0x224: {  	v57 =	vadd.f32 v49, v48;
	v58 =	vadd.f32 v51, v50  }
0x225: {  	s31 =	sshll.u32 s30, $0x4;
	v0 =	vadd.f32 v52, v0;
	v59 =	vadd.f32 v54, v53  }
0x226: {  	s1 =	sor.u32 s12, s31;
	v60 =	vadd.f32 v56, v55;
	v61 =	vadd.f32 v58, v57  }
0x227: {  	v62 =	vld [tilespmem:s1+$0x9400]  }
0x228: {  	v0 =	vadd.f32 v59, v0;
	v63 =	vadd.f32 v61, v60;
	_ =	sdelay $0x1  }
0x229: {  	v0 =	vadd.f32 v63, v0;
	_ =	sdelay $0x1  }
0x22a: {  	v0 =	vsub.f32 v62, v0;
	_ =	sdelay $0x1  }
0x22b: {  	v0 =	vmul.f32 $1.442695020e+00, v0;
	_ =	sdelay $0x1  }
0x22c: {  	(erf) = vpow2.f32 v0;
	_ =	sdelay $0x8  }
0x22d: {  	v0 =	vpop (erf)  }
0x22e: {  	v0 =	vadd.f32 $1.000000000e+00, v0;
	_ =	sdelay $0x1  }
0x22f: {  	(erf) = vrcp.f32 v0;
	_ =	sdelay $0x4  }
0x230: {  	p1 =	por p0, p0  }
.Ltmp0:
0x231: {  	_ = 	snop;
	(pc) =	sbr.rel @p1 .LBB2_3-.Ltmp0, $3  }
0x232: {  	_ =	sdelay $0x1  }
0x233: {  	v0 =	vpop (erf)  }
0x234: {  	p0 =	por $0x0, $0x0;
	s30 =	simm.s32 $0x1;
	[tilespmem:s1+$0x9600] =	vst v0  }
0x235: {  	s1 =	sshll.u32 s0, $0x5;
	s0 =	sadd.s32 $0x1, s0  }
0x236: {  	p0 =	sne.s32 s0, $0x10  }
.Ltmp1:
0x237: {  	_ = 	snop;
	(pc) =	sbr.rel @p0 .LBB2_2-.Ltmp1, $4  }
0x238: {  	s1 =	sadd.s32 s8, s1  }
0x239: {  	s6 =	rddreg [dreg:$0x6];
	s1 =	sshrl.u32 s1, $0x3  }
0x23a: {  	s4 =	sadd.s32 $0x4, s4;
	s31 =	sadd.s32 $0x9600, s12;
	s1 =	sadd.s32 s6, s1  }
0x23b: {  	[hbm4b:s1+s7] =	stream.linear.scatter [tilespmem:s31], [sflag:s4], $0x20, $0x38;
	[tilespmem:$0x9900] =	vst v63  }
0x23c: {  	s0 =	simm.s32 $0x4  }
0x23d: {  	_ =	swait.ge [sflag:s0], $0x20  }
0x23e: {  	[sflag:s0] =	ssyncset.done $0x0  }
0x23f: {  	s30 =	simm.s32 $0x5;
	[sflag:s0] =	ssyncadd.s32 $0xFFFFFFE0  }
0x240: {  	_ =	swait.ge [sflag:s30], $0x20  }
0x241: {  	[sflag:s30] =	ssyncset.done $0x0  }
0x242: {  	s1 =	simm.s32 $0x6;
	[sflag:s30] =	ssyncadd.s32 $0xFFFFFFE0  }
0x243: {  	_ =	swait.ge [sflag:s1], $0x20  }
0x244: {  	s4 =	rddreg [dreg:$0xd]  }
0x245: {  	s31 =	rddreg [dreg:$0xc];
	s4 =	sadd.s32 $0x1, s4  }
0x246: {  	p0 =	sne.s32 s4, s31  }
.Ltmp2:
0x247: {  	_ = 	snop;
	(pc) =	sbr.rel @p0 .LBB2_1-.Ltmp2, $3  }
0x248: {  	_ =	sdelay $0x1  }
0x249: {  	[sflag:s1] =	ssyncset.done $0x0  }
0x24a: {  	[sflag:s1] =	ssyncadd.s32 $0xFFFFFFE0  }
0x24b: {  	_ =	sfence.sel $0x180000  }
0x24c: {  	[bflag:$0x0] =	sbarrier.arrive $0xFFFF  }
0x24d: {  	_ =	strace $0x90000047  }
0x24e: {  	s0 =	stileid.u32;
	[bflag:$0x2] =	sbarrier.arrive $0xFFFF  }
0x24f: {  	p0 =	sne.s32 s0, $0x0;
	s0 =	rddreg [dreg:$0x7]  }
0x250: {  	s0 =	sadd.s32 @!p0 $0x100000, s0  }
0x251: {  	[sflag:s0] =	ssyncadd.tile.s32 @!p0 $0x1;
	_ =	shalt  }
.Lfunc_end2:
_tile_overlayer_lowered:
.L_overlay_start_2:
0x252: {  	(tag) =	ssettag $0x2  }
0x253: {  	s0 =	rddreg [dreg:$0x0];
	s2 =	stileid.u32  }
0x254: {  	s1 =	rddreg [dreg:$0x1];
	p0 =	sne.s32 s2, $0x0  }
0x255: {  	s3 =	rddreg [dreg:$0x2];
	[bflag:$0x3] =	sbarrier.arrive $0xFFFF;
	s2 =	simm.s32 @!p0 $0x1C08  }
0x256: {  	[timem:s3], [sflag:s2] =	dma.local @!p0 [hbm:s0], s1  }
0x257: {  	s0 =	simm.s32 @!p0 $0x8  }
0x258: {  	_ =	swait.ge @!p0 [sflag:s0], s1  }
0x259: {  	s1 =	ssub.s32 @!p0 $0x0, s1;
	[sflag:s0] =	ssyncset.done @!p0 $0x0  }
0x25a: {  	[sflag:s0] =	ssyncadd.s32 @!p0 s1  }
0x25b: {  	[bflag:$0x3] =	sbarrier.arrive $0xFFFF  }
0x25c: {  	_ =	shalt  }

</sc_bundles>
